<compile_context>
chip_gen: v7x
topology: tpu7x:2x2x1
jax: 0.10.2.dev20260603
libtpu: 0.0.44.dev20260713+nightly
codegen_flags: <defaults>
</compile_context>

<pallas_src>
import functools

import jax
import jax.numpy as jnp
from jax import lax
from jax.experimental import pallas as pl
from jax.experimental.pallas import tpu as pltpu
from jax.experimental.pallas import tpu_sc as plsc

NC = 2
NS = 16
NW = NC * NS



def sc_degree(dst3, zeros_n):
    n = zeros_n.shape[0]
    nw, C, K = dst3.shape
    mesh = plsc.VectorSubcoreMesh(core_axis_name="c", subcore_axis_name="s")

    K16 = ((K + 15) // 16) * 16

    @functools.partial(
        pl.kernel,
        out_type=jax.ShapeDtypeStruct((NC, n), jnp.float32),
        mesh=mesh,
        scratch_types=[
            pltpu.VMEM((C, K), jnp.int32),
            pltpu.VMEM((K16,), jnp.float32),
            pltpu.VMEM_SHARED((n,), jnp.float32),
        ],
        name="sc_degree",
    )
    def deg_kernel(dst_hbm, zeros_hbm, out_hbm, dst_v, ones_v, acc):
        c = lax.axis_index("c")
        s = lax.axis_index("s")
        wid = s * NC + c
        pltpu.sync_copy(dst_hbm.at[wid], dst_v)
        for i in range(K16 // 16):
            ones_v[pl.ds(i * 16, 16)] = jnp.ones((16,), jnp.float32)

        @pl.when(s == 0)
        def _zero():
            pltpu.sync_copy(zeros_hbm, acc)

        plsc.subcore_barrier()

        def body(j, carry):
            pltpu.sync_copy(ones_v.at[pl.ds(0, K)], acc.at[dst_v.at[j]],
                            add=True)
            return carry

        lax.fori_loop(0, C, body, 0)
        plsc.subcore_barrier()

        @pl.when(s == 0)
        def _out():
            pltpu.sync_copy(acc, out_hbm.at[c])

    return deg_kernel(dst3, zeros_n)


def sc_spmm(table, src2, dst3, zeros_nd):
    n, D = table.shape
    nw, C, K = dst3.shape
    ZT = 10
    rp = n // ZT
    mesh = plsc.VectorSubcoreMesh(core_axis_name="c", subcore_axis_name="s")

    @functools.partial(
        pl.kernel,
        out_type=jax.ShapeDtypeStruct((NC, n, D), jnp.float32),
        mesh=mesh,
        scratch_types=[
            pltpu.VMEM((C * K,), jnp.int32),
            pltpu.VMEM((C, K), jnp.int32),
            pltpu.VMEM((K, D), jnp.float32),
            pltpu.VMEM((K, D), jnp.float32),
            pltpu.VMEM_SHARED((n, D), jnp.float32),
            pltpu.SemaphoreType.DMA,
            pltpu.SemaphoreType.DMA,
        ],
        name="sc_spmm",
    )
    def spmm_kernel(table_hbm, src_hbm, dst_hbm, zeros_hbm, out_hbm,
                    src_v, dst_v, buf0, buf1, acc, sem0, sem1):
        c = lax.axis_index("c")
        s = lax.axis_index("s")
        wid = s * NC + c
        pltpu.sync_copy(src_hbm.at[wid], src_v)
        pltpu.sync_copy(dst_hbm.at[wid], dst_v)
        @pl.when(s < ZT)
        def _zero():
            pltpu.sync_copy(zeros_hbm.at[pl.ds(s * rp, rp)],
                            acc.at[pl.ds(s * rp, rp)])

        plsc.subcore_barrier()

        def sidx(j):
            return src_v.at[pl.ds(j * K, K)]

        C2 = (C - 1) // 2
        pltpu.async_copy(table_hbm.at[sidx(0)], buf0, sem0)

        def body(jj, carry):
            j = 2 * jj
            cp1 = pltpu.async_copy(table_hbm.at[sidx(j + 1)], buf1, sem1)
            pltpu.make_async_copy(table_hbm.at[sidx(j)], buf0, sem0).wait()
            pltpu.sync_copy(buf0, acc.at[dst_v.at[j]], add=True)
            pltpu.async_copy(table_hbm.at[sidx(j + 2)], buf0, sem0)
            cp1.wait()
            pltpu.sync_copy(buf1, acc.at[dst_v.at[j + 1]], add=True)
            return carry

        lax.fori_loop(0, C2, body, 0)
        pltpu.make_async_copy(table_hbm.at[sidx(C - 1)], buf0, sem0).wait()
        pltpu.sync_copy(buf0, acc.at[dst_v.at[C - 1]], add=True)
        plsc.subcore_barrier()

        @pl.when(s < ZT)
        def _out():
            pltpu.sync_copy(acc.at[pl.ds(s * rp, rp)],
                            out_hbm.at[c, pl.ds(s * rp, rp)])

    return spmm_kernel(table, src2, dst3, zeros_nd)



def tc_mm_dinv_scale(x, W, degT):
    n, din = x.shape
    dout = W.shape[1]
    BN = 1000

    def body(x_ref, w_ref, d_ref, dinv_ref, up_ref):
        deg = d_ref[:, 0:1] + d_ref[:, 1:2] + 1.0
        dinv = lax.rsqrt(deg)
        dinv_ref[...] = dinv
        up_ref[...] = jnp.dot(x_ref[...], w_ref[...],
                              preferred_element_type=jnp.float32) * dinv

    return pl.pallas_call(
        body,
        grid=(n // BN,),
        in_specs=[
            pl.BlockSpec((BN, din), lambda i: (i, 0)),
            pl.BlockSpec((din, dout), lambda i: (0, 0)),
            pl.BlockSpec((BN, 2), lambda i: (i, 0)),
        ],
        out_specs=[
            pl.BlockSpec((BN, 1), lambda i: (i, 0)),
            pl.BlockSpec((BN, dout), lambda i: (i, 0)),
        ],
        out_shape=[
            jax.ShapeDtypeStruct((n, 1), jnp.float32),
            jax.ShapeDtypeStruct((n, dout), jnp.float32),
        ],
    )(x, W, degT)


def tc_gcn_epilogue_mm(sp, up, dinv, b, W2):
    n, D = up.shape
    dout = W2.shape[1]
    BN = 1000

    def body(sp_ref, up_ref, dinv_ref, b_ref, w_ref, o_ref):
        sacc = sp_ref[0] + sp_ref[1] + up_ref[...]
        h = jnp.maximum(dinv_ref[...] * sacc + b_ref[...], 0.0)
        o_ref[...] = jnp.dot(h, w_ref[...],
                             preferred_element_type=jnp.float32) * dinv_ref[...]

    return pl.pallas_call(
        body,
        grid=(n // BN,),
        in_specs=[
            pl.BlockSpec((NC, BN, D), lambda i: (0, i, 0)),
            pl.BlockSpec((BN, D), lambda i: (i, 0)),
            pl.BlockSpec((BN, 1), lambda i: (i, 0)),
            pl.BlockSpec((1, D), lambda i: (0, 0)),
            pl.BlockSpec((D, dout), lambda i: (0, 0)),
        ],
        out_specs=pl.BlockSpec((BN, dout), lambda i: (i, 0)),
        out_shape=jax.ShapeDtypeStruct((n, dout), jnp.float32),
    )(sp, up, dinv, b, W2)


def tc_gcn_epilogue_proj(sp, up, dinv, b, Wiht, bsum):
    n, D = up.shape
    G = Wiht.shape[1]
    BN = 1000

    def body(sp_ref, up_ref, dinv_ref, b_ref, w_ref, bs_ref, o_ref):
        sacc = sp_ref[0] + sp_ref[1] + up_ref[...]
        h = jnp.maximum(dinv_ref[...] * sacc + b_ref[...], 0.0)
        o_ref[...] = jnp.dot(h, w_ref[...],
                             preferred_element_type=jnp.float32) + bs_ref[...]

    return pl.pallas_call(
        body,
        grid=(n // BN,),
        in_specs=[
            pl.BlockSpec((NC, BN, D), lambda i: (0, i, 0)),
            pl.BlockSpec((BN, D), lambda i: (i, 0)),
            pl.BlockSpec((BN, 1), lambda i: (i, 0)),
            pl.BlockSpec((1, D), lambda i: (0, 0)),
            pl.BlockSpec((D, G), lambda i: (0, 0)),
            pl.BlockSpec((1, G), lambda i: (0, 0)),
        ],
        out_specs=pl.BlockSpec((BN, G), lambda i: (i, 0)),
        out_shape=jax.ShapeDtypeStruct((n, G), jnp.float32),
    )(sp, up, dinv, b, Wiht, bsum)


def tc_lstm(P, Whht, Wmv, dinv):
    n, G = P.shape
    H = G // 4
    DM = Wmv.shape[1]
    BT = 1000

    def body(p_ref, w_ref, wmv_ref, dinv_ref, o_ref, u3_ref, h_ref, c_ref):
        @pl.when(pl.program_id(0) == 0)
        def _init():
            h_ref[...] = jnp.zeros_like(h_ref)
            c_ref[...] = jnp.zeros_like(c_ref)

        def step(t, carry):
            h, c = carry
            ch = 0.5 * c
            hv = jnp.sum(h.reshape(H, 1) * w_ref[...], axis=0).reshape(1, G)
            g = p_ref[pl.ds(t, 1), :] + hv
            y = jnp.tanh(g)
            ti = y[:, 0:H]
            tf = y[:, H:2 * H]
            tg = y[:, 2 * H:3 * H]
            to = y[:, 3 * H:4 * H]
            cc = ch * (1.0 + tf) + (0.5 * tg) * (1.0 + ti)
            hh = (0.5 * (1.0 + to)) * jnp.tanh(cc)
            o_ref[pl.ds(t, 1), :] = hh
            return (hh, cc)

        hc = lax.fori_loop(0, BT, step, (h_ref[...], c_ref[...]), unroll=8)
        h_ref[...] = hc[0]
        c_ref[...] = hc[1]
        u3_ref[...] = jnp.dot(o_ref[...], wmv_ref[...],
                              preferred_element_type=jnp.float32) * dinv_ref[...]

    return pl.pallas_call(
        body,
        grid=(n // BT,),
        in_specs=[
            pl.BlockSpec((BT, G), lambda i: (i, 0)),
            pl.BlockSpec((H, G), lambda i: (0, 0)),
            pl.BlockSpec((H, DM), lambda i: (0, 0)),
            pl.BlockSpec((BT, 1), lambda i: (i, 0)),
        ],
        out_specs=[
            pl.BlockSpec((BT, H), lambda i: (i, 0)),
            pl.BlockSpec((BT, DM), lambda i: (i, 0)),
        ],
        out_shape=[
            jax.ShapeDtypeStruct((n, H), jnp.float32),
            jax.ShapeDtypeStruct((n, DM), jnp.float32),
        ],
        scratch_shapes=[
            pltpu.VMEM((1, H), jnp.float32),
            pltpu.VMEM((1, H), jnp.float32),
        ],
    )(P, Whht, Wmv, dinv)


def tc_final(sp, up, dinv, bm, bv):
    n, D = up.shape
    Z = D // 2
    BN = 1000

    def body(sp_ref, up_ref, dinv_ref, bm_ref, bv_ref, zm_ref, zv_ref):
        sacc = sp_ref[0] + sp_ref[1] + up_ref[...]
        outc = dinv_ref[...] * sacc
        zm_ref[...] = outc[:, 0:Z] + bm_ref[...]
        zv_ref[...] = outc[:, Z:D] + bv_ref[...]

    return pl.pallas_call(
        body,
        grid=(n // BN,),
        in_specs=[
            pl.BlockSpec((NC, BN, D), lambda i: (0, i, 0)),
            pl.BlockSpec((BN, D), lambda i: (i, 0)),
            pl.BlockSpec((BN, 1), lambda i: (i, 0)),
            pl.BlockSpec((1, Z), lambda i: (0, 0)),
            pl.BlockSpec((1, Z), lambda i: (0, 0)),
        ],
        out_specs=[
            pl.BlockSpec((BN, Z), lambda i: (i, 0)),
            pl.BlockSpec((BN, Z), lambda i: (i, 0)),
        ],
        out_shape=[
            jax.ShapeDtypeStruct((n, Z), jnp.float32),
            jax.ShapeDtypeStruct((n, Z), jnp.float32),
        ],
    )(sp, up, dinv, bm, bv)



def kernel(x, edge_index, W1, b1, W2, b2, Wih, Whh, bih, bhh, Wm, bm, Wv, bv):
    n, _ = x.shape
    e = edge_index.shape[1]
    K = 80
    C = e // (NW * K)

    src2 = edge_index[0].astype(jnp.int32).reshape(NW, C * K)
    dst3 = edge_index[1].astype(jnp.int32).reshape(NW, C, K)
    zeros_n = jnp.zeros((n,), jnp.float32)
    zeros_nd = jnp.zeros((n, x.shape[1]), jnp.float32)

    degp = sc_degree(dst3, zeros_n)
    degT = degp.T

    dinv, u1p = tc_mm_dinv_scale(x, W1, degT)

    s1p = sc_spmm(u1p, src2, dst3, zeros_nd)
    u2p = tc_gcn_epilogue_mm(s1p, u1p, dinv, b1.reshape(1, -1), W2)

    s2p = sc_spmm(u2p, src2, dst3, zeros_nd)
    H = Whh.shape[1]
    gate_pre = jnp.concatenate([jnp.full((2 * H,), 0.5, jnp.float32),
                                jnp.ones((H,), jnp.float32),
                                jnp.full((H,), 0.5, jnp.float32)])
    P = tc_gcn_epilogue_proj(s2p, u2p, dinv, b2.reshape(1, -1),
                             Wih.T * gate_pre[None, :],
                             ((bih + bhh) * gate_pre).reshape(1, -1))

    Wmv = jnp.concatenate([Wm, Wv], axis=1)
    hs, u3p = tc_lstm(P, Whh.T * gate_pre[None, :], Wmv, dinv)
    s3p = sc_spmm(u3p, src2, dst3, zeros_nd)
    z_mean, z_log_std = tc_final(s3p, u3p, dinv,
                                 bm.reshape(1, -1), bv.reshape(1, -1))
    return (z_mean, z_log_std)

# --- scband reference (transcript-rebuilt; emitter-appended) ---
"""Pipeline reference for scband-encoder-67190468378802 (READ-ONLY COPY).

The authoritative reference and input builder live on the scoring server;
editing this copy changes nothing except your own understanding.
"""

import jax, jax.numpy as jnp
import numpy as np

N = 10000
E = 320000
D_IN = 128
D_H = 128
D_Z = 64


def _gcn(x, src, dst, n, W, b):
    deg = jnp.zeros((n,), x.dtype).at[dst].add(1.0)
    dinv = jax.lax.rsqrt(jnp.maximum(deg, 1.0))
    norm = dinv[src] * dinv[dst]
    h = x @ W
    msg = h[src] * norm[:, None]
    out = jnp.zeros((n, W.shape[1]), x.dtype).at[dst].add(msg)
    return out + b


def _lstm(xs, Wih, Whh, bih, bhh):
    H = Whh.shape[1]
    def step(carry, xt):
        h, c = carry
        g = xt @ Wih.T + h @ Whh.T + bih + bhh
        i, f, gg, o = jnp.split(g, 4)
        i = jax.nn.sigmoid(i)
        f = jax.nn.sigmoid(f)
        gg = jnp.tanh(gg)
        o = jax.nn.sigmoid(o)
        c = f * c + i * gg
        h = o * jnp.tanh(c)
        return (h, c), h
    init = (jnp.zeros((H,), xs.dtype), jnp.zeros((H,), xs.dtype))
    _, hs = jax.lax.scan(step, init, xs)
    return hs


def setup_inputs(seed: int = 0) -> dict:
    key = jax.random.key(seed)
    ks = jax.random.split(key, 12)
    s = 0.05
    x = jax.random.normal(ks[0], (N, D_IN), jnp.float32)
    edge_index = jax.random.randint(ks[1], (2, E), 0, N)
    W1 = jax.random.normal(ks[2], (D_IN, D_H), jnp.float32) * s
    b1 = jnp.zeros((D_H,), jnp.float32)
    W2 = jax.random.normal(ks[3], (D_H, D_H), jnp.float32) * s
    b2 = jnp.zeros((D_H,), jnp.float32)
    Wih = jax.random.normal(ks[4], (4 * D_H, D_H), jnp.float32) * s
    Whh = jax.random.normal(ks[5], (4 * D_H, D_H), jnp.float32) * s
    bih = jnp.zeros((4 * D_H,), jnp.float32)
    bhh = jnp.zeros((4 * D_H,), jnp.float32)
    Wm = jax.random.normal(ks[6], (D_H, D_Z), jnp.float32) * s
    bm = jnp.zeros((D_Z,), jnp.float32)
    Wv = jax.random.normal(ks[7], (D_H, D_Z), jnp.float32) * s
    bv = jnp.zeros((D_Z,), jnp.float32)
    return {"x": x, "edge_index": edge_index, "W1": W1, "b1": b1, "W2": W2, "b2": b2,
            "Wih": Wih, "Whh": Whh, "bih": bih, "bhh": bhh,
            "Wm": Wm, "bm": bm, "Wv": Wv, "bv": bv}


def reference(x, edge_index, W1, b1, W2, b2, Wih, Whh, bih, bhh, Wm, bm, Wv, bv):
    n = x.shape[0]
    loop = jnp.arange(n, dtype=edge_index.dtype)
    src = jnp.concatenate([edge_index[0], loop])
    dst = jnp.concatenate([edge_index[1], loop])
    h = jax.nn.relu(_gcn(x, src, dst, n, W1, b1))
    h = jax.nn.relu(_gcn(h, src, dst, n, W2, b2))
    h = _lstm(h, Wih, Whh, bih, bhh)
    z_mean = _gcn(h, src, dst, n, Wm, bm)
    z_log_std = _gcn(h, src, dst, n, Wv, bv)
    return (z_mean, z_log_std)

if __name__ == "__main__":
    import jax
    _d = setup_inputs()
    print(jax.jit(kernel)(*tuple(_d.values())))

</pallas_src>

<mosaic_0001>
#map = affine_map<(d0, d1) -> (0, 0)>
#map1 = affine_map<(d0, d1) -> (0, 0, 0)>
module attributes {stable_mosaic.version = 14 : i64} {
  func.func @sc_spmm(%arg0: i32, %arg1: i32, %arg2: memref<10000x128xf32, #tpu.memory_space<hbm>>, %arg3: memref<32x10000xi32, #tpu.memory_space<hbm>>, %arg4: memref<32x125x80xi32, #tpu.memory_space<hbm>>, %arg5: memref<10000x128xf32, #tpu.memory_space<hbm>>, %arg6: memref<2x10000x128xf32, #tpu.memory_space<hbm>>, %arg7: memref<10000xi32, #tpu.memory_space<vmem>>, %arg8: memref<125x80xi32, #tpu.memory_space<vmem>>, %arg9: memref<80x128xf32, #tpu.memory_space<vmem>>, %arg10: memref<80x128xf32, #tpu.memory_space<vmem>>, %arg11: memref<10000x128xf32, #tpu.memory_space<vmem_shared>>, %arg12: memref<!tpu.dma_semaphore, #tpu.memory_space<semaphore_mem>>, %arg13: memref<!tpu.dma_semaphore, #tpu.memory_space<semaphore_mem>>) attributes {dimension_semantics = [#tpu.dimension_semantics<core_parallel>, #tpu.dimension_semantics<subcore_parallel>], iteration_bounds = array<i64: 2, 16>, scalar_prefetch = 0 : i64, scratch_operands = 7 : i64, tpu.core_type = #tpu.core_type<sc_vector_subcore>, window_params = [{transform_indices = #map}, {transform_indices = #map}, {transform_indices = #map1}, {transform_indices = #map}, {transform_indices = #map1}]} {
    %mul3A = arith.constant 2 : i32
    %mul3A_0 = arith.muli %arg1, %mul3A : i32
    %add3A = arith.addi %mul3A_0, %arg0 : i32
    "tpu.region"() ({
      %run_scoped3A_22 = tpu.sem_alloc : memref<!tpu.dma_semaphore, #tpu.memory_space<semaphore_mem>>
      %dma_start3A_23 = arith.constant 0 : i32
      %dma_start3A_24 = tpu.memref_slice %arg3[%add3A, %dma_start3A_23] : memref<32x10000xi32, #tpu.memory_space<hbm>> -> memref<1x10000xi32, #tpu.memory_space<hbm>>
      %dma_start3A_25 = tpu.memref_squeeze %dma_start3A_24 : memref<1x10000xi32, #tpu.memory_space<hbm>> -> memref<10000xi32, #tpu.memory_space<hbm>>
      %dma_start3A_26 = arith.constant 0 : i32
      %dma_start3A_27 = tpu.memref_slice %arg3[%add3A, %dma_start3A_26] : memref<32x10000xi32, #tpu.memory_space<hbm>> -> memref<1x10000xi32, #tpu.memory_space<hbm>>
      %dma_start3A_28 = tpu.memref_squeeze %dma_start3A_27 : memref<1x10000xi32, #tpu.memory_space<hbm>> -> memref<10000xi32, #tpu.memory_space<hbm>>
      tpu.enqueue_dma source(%dma_start3A_28 : memref<10000xi32, #tpu.memory_space<hbm>>) target(%arg7 : memref<10000xi32, #tpu.memory_space<vmem>>) target_semaphore(%run_scoped3A_22 : memref<!tpu.dma_semaphore, #tpu.memory_space<semaphore_mem>>)
      %dma_wait3A_29 = arith.constant 0 : i32
      %dma_wait3A_30 = tpu.memref_slice %arg3[%add3A, %dma_wait3A_29] : memref<32x10000xi32, #tpu.memory_space<hbm>> -> memref<1x10000xi32, #tpu.memory_space<hbm>>
      %dma_wait3A_31 = tpu.memref_squeeze %dma_wait3A_30 : memref<1x10000xi32, #tpu.memory_space<hbm>> -> memref<10000xi32, #tpu.memory_space<hbm>>
      %dma_wait3A_32 = arith.constant 0 : i32
      %dma_wait3A_33 = tpu.memref_slice %arg3[%add3A, %dma_wait3A_32] : memref<32x10000xi32, #tpu.memory_space<hbm>> -> memref<1x10000xi32, #tpu.memory_space<hbm>>
      %dma_wait3A_34 = tpu.memref_squeeze %dma_wait3A_33 : memref<1x10000xi32, #tpu.memory_space<hbm>> -> memref<10000xi32, #tpu.memory_space<hbm>>
      tpu.wait_dma2 semaphore(%run_scoped3A_22 : memref<!tpu.dma_semaphore, #tpu.memory_space<semaphore_mem>>) src(%dma_wait3A_34 : memref<10000xi32, #tpu.memory_space<hbm>>) dst(%arg7 : memref<10000xi32, #tpu.memory_space<vmem>>)
      tpu.yield
    }) : () -> ()
    "tpu.region"() ({
      %run_scoped3A_22 = tpu.sem_alloc : memref<!tpu.dma_semaphore, #tpu.memory_space<semaphore_mem>>
      %dma_start3A_23 = arith.constant 0 : i32
      %dma_start3A_24 = arith.constant 0 : i32
      %dma_start3A_25 = tpu.memref_slice %arg4[%add3A, %dma_start3A_23, %dma_start3A_24] : memref<32x125x80xi32, #tpu.memory_space<hbm>> -> memref<1x125x80xi32, #tpu.memory_space<hbm>>
      %dma_start3A_26 = tpu.memref_squeeze %dma_start3A_25 : memref<1x125x80xi32, #tpu.memory_space<hbm>> -> memref<125x80xi32, #tpu.memory_space<hbm>>
      %dma_start3A_27 = arith.constant 0 : i32
      %dma_start3A_28 = arith.constant 0 : i32
      %dma_start3A_29 = tpu.memref_slice %arg4[%add3A, %dma_start3A_27, %dma_start3A_28] : memref<32x125x80xi32, #tpu.memory_space<hbm>> -> memref<1x125x80xi32, #tpu.memory_space<hbm>>
      %dma_start3A_30 = tpu.memref_squeeze %dma_start3A_29 : memref<1x125x80xi32, #tpu.memory_space<hbm>> -> memref<125x80xi32, #tpu.memory_space<hbm>>
      tpu.enqueue_dma source(%dma_start3A_30 : memref<125x80xi32, #tpu.memory_space<hbm>>) target(%arg8 : memref<125x80xi32, #tpu.memory_space<vmem>>) target_semaphore(%run_scoped3A_22 : memref<!tpu.dma_semaphore, #tpu.memory_space<semaphore_mem>>)
      %dma_wait3A_31 = arith.constant 0 : i32
      %dma_wait3A_32 = arith.constant 0 : i32
      %dma_wait3A_33 = tpu.memref_slice %arg4[%add3A, %dma_wait3A_31, %dma_wait3A_32] : memref<32x125x80xi32, #tpu.memory_space<hbm>> -> memref<1x125x80xi32, #tpu.memory_space<hbm>>
      %dma_wait3A_34 = tpu.memref_squeeze %dma_wait3A_33 : memref<1x125x80xi32, #tpu.memory_space<hbm>> -> memref<125x80xi32, #tpu.memory_space<hbm>>
      %dma_wait3A_35 = arith.constant 0 : i32
      %dma_wait3A_36 = arith.constant 0 : i32
      %dma_wait3A_37 = tpu.memref_slice %arg4[%add3A, %dma_wait3A_35, %dma_wait3A_36] : memref<32x125x80xi32, #tpu.memory_space<hbm>> -> memref<1x125x80xi32, #tpu.memory_space<hbm>>
      %dma_wait3A_38 = tpu.memref_squeeze %dma_wait3A_37 : memref<1x125x80xi32, #tpu.memory_space<hbm>> -> memref<125x80xi32, #tpu.memory_space<hbm>>
      tpu.wait_dma2 semaphore(%run_scoped3A_22 : memref<!tpu.dma_semaphore, #tpu.memory_space<semaphore_mem>>) src(%dma_wait3A_38 : memref<125x80xi32, #tpu.memory_space<hbm>>) dst(%arg8 : memref<125x80xi32, #tpu.memory_space<vmem>>)
      tpu.yield
    }) : () -> ()
    %lt3A = arith.constant 10 : i32
    %lt3A_1 = arith.cmpi slt, %arg1, %lt3A : i32
    %convert_element_type3A = arith.extui %lt3A_1 : i1 to i32
    %cond3A = arith.constant 0 : i32
    %cond3A_2 = arith.cmpi ne, %convert_element_type3A, %cond3A : i32
    scf.if %cond3A_2 {
      %mul3A_22 = arith.constant 1000 : i32
      %mul3A_23 = arith.muli %arg1, %mul3A_22 : i32
      %mul3A_24 = arith.constant 1000 : i32
      %mul3A_25 = arith.muli %arg1, %mul3A_24 : i32
      "tpu.region"() ({
        %run_scoped3A_26 = tpu.sem_alloc : memref<!tpu.dma_semaphore, #tpu.memory_space<semaphore_mem>>
        %dma_start3A_27 = arith.constant 0 : i32
        %dma_start3A_28 = tpu.memref_slice %arg11[%mul3A_25, %dma_start3A_27] : memref<10000x128xf32, #tpu.memory_space<vmem_shared>> -> memref<1000x128xf32, #tpu.memory_space<vmem_shared>>
        %dma_start3A_29 = arith.constant 0 : i32
        %dma_start3A_30 = tpu.memref_slice %arg5[%mul3A_23, %dma_start3A_29] : memref<10000x128xf32, #tpu.memory_space<hbm>> -> memref<1000x128xf32, #tpu.memory_space<hbm>>
        tpu.enqueue_dma source(%dma_start3A_30 : memref<1000x128xf32, #tpu.memory_space<hbm>>) target(%dma_start3A_28 : memref<1000x128xf32, #tpu.memory_space<vmem_shared>>) target_semaphore(%run_scoped3A_26 : memref<!tpu.dma_semaphore, #tpu.memory_space<semaphore_mem>>)
        %dma_wait3A_31 = arith.constant 0 : i32
        %dma_wait3A_32 = tpu.memref_slice %arg11[%mul3A_25, %dma_wait3A_31] : memref<10000x128xf32, #tpu.memory_space<vmem_shared>> -> memref<1000x128xf32, #tpu.memory_space<vmem_shared>>
        %dma_wait3A_33 = arith.constant 0 : i32
        %dma_wait3A_34 = tpu.memref_slice %arg5[%mul3A_23, %dma_wait3A_33] : memref<10000x128xf32, #tpu.memory_space<hbm>> -> memref<1000x128xf32, #tpu.memory_space<hbm>>
        tpu.wait_dma2 semaphore(%run_scoped3A_26 : memref<!tpu.dma_semaphore, #tpu.memory_space<semaphore_mem>>) src(%dma_wait3A_34 : memref<1000x128xf32, #tpu.memory_space<hbm>>) dst(%dma_wait3A_32 : memref<1000x128xf32, #tpu.memory_space<vmem_shared>>)
        tpu.yield
      }) : () -> ()
    } else {
    }
    %barrier3A = arith.constant 0 : index
    tpu.barrier barrier_id(%barrier3A)
    %dma_start3A = arith.constant 0 : i32
    %dma_start3A_3 = tpu.memref_slice %arg7[%dma_start3A] : memref<10000xi32, #tpu.memory_space<vmem>> -> memref<80xi32, #tpu.memory_space<vmem>>
    %dma_start3A_4 = arith.constant 0 : i32
    %dma_start3A_5 = arith.constant 0 : i32
    %dma_start3A_6 = tpu.memref_slice %arg2[%dma_start3A_4, %dma_start3A_5] : memref<10000x128xf32, #tpu.memory_space<hbm>> -> memref<10000x128xf32, #tpu.memory_space<hbm>>
    tpu.enqueue_indirect_dma source(%dma_start3A_6 : memref<10000x128xf32, #tpu.memory_space<hbm>>) target(%arg9 : memref<80x128xf32, #tpu.memory_space<vmem>>) offsets(%dma_start3A_3 : memref<80xi32, #tpu.memory_space<vmem>>) semaphore(%arg12 : memref<!tpu.dma_semaphore, #tpu.memory_space<semaphore_mem>>)
    %scan3A = arith.constant 0 : i32
    %scan3A_7 = arith.constant 0 : i32
    %scan3A_8 = arith.constant 62 : i32
    %scan3A_9 = arith.addi %scan3A_7, %scan3A_8 : i32
    %scan3A_10 = arith.constant 1 : i32
    scf.for %scan3A_22 = %scan3A_7 to %scan3A_9 step %scan3A_10  : i32 {
      %mul3A_23 = arith.constant 2 : i32
      %mul3A_24 = arith.muli %mul3A_23, %scan3A_22 : i32
      %add3A_25 = arith.constant 1 : i32
      %add3A_26 = arith.addi %mul3A_24, %add3A_25 : i32
      %mul3A_27 = arith.constant 80 : i32
      %mul3A_28 = arith.muli %add3A_26, %mul3A_27 : i32
      %dma_start3A_29 = tpu.memref_slice %arg7[%mul3A_28] : memref<10000xi32, #tpu.memory_space<vmem>> -> memref<80xi32, #tpu.memory_space<vmem>>
      %dma_start3A_30 = arith.constant 0 : i32
      %dma_start3A_31 = arith.constant 0 : i32
      %dma_start3A_32 = tpu.memref_slice %arg2[%dma_start3A_30, %dma_start3A_31] : memref<10000x128xf32, #tpu.memory_space<hbm>> -> memref<10000x128xf32, #tpu.memory_space<hbm>>
      tpu.enqueue_indirect_dma source(%dma_start3A_32 : memref<10000x128xf32, #tpu.memory_space<hbm>>) target(%arg10 : memref<80x128xf32, #tpu.memory_space<vmem>>) offsets(%dma_start3A_29 : memref<80xi32, #tpu.memory_space<vmem>>) semaphore(%arg13 : memref<!tpu.dma_semaphore, #tpu.memory_space<semaphore_mem>>)
      %mul3A_33 = arith.constant 80 : i32
      %mul3A_34 = arith.muli %mul3A_24, %mul3A_33 : i32
      %dma_wait3A_35 = tpu.memref_slice %arg7[%mul3A_34] : memref<10000xi32, #tpu.memory_space<vmem>> -> memref<80xi32, #tpu.memory_space<vmem>>
      %dma_wait3A_36 = arith.constant 0 : i32
      %dma_wait3A_37 = arith.constant 0 : i32
      %dma_wait3A_38 = tpu.memref_slice %arg2[%dma_wait3A_36, %dma_wait3A_37] : memref<10000x128xf32, #tpu.memory_space<hbm>> -> memref<10000x128xf32, #tpu.memory_space<hbm>>
      tpu.wait_indirect_dma semaphore(%arg12 : memref<!tpu.dma_semaphore, #tpu.memory_space<semaphore_mem>>) src(%dma_wait3A_38 : memref<10000x128xf32, #tpu.memory_space<hbm>>) dst(%arg9 : memref<80x128xf32, #tpu.memory_space<vmem>>)
      "tpu.region"() ({
        %run_scoped3A_53 = tpu.sem_alloc : memref<!tpu.dma_semaphore, #tpu.memory_space<semaphore_mem>>
        %dma_start3A_54 = arith.constant 0 : i32
        %dma_start3A_55 = tpu.memref_slice %arg8[%mul3A_24, %dma_start3A_54] : memref<125x80xi32, #tpu.memory_space<vmem>> -> memref<1x80xi32, #tpu.memory_space<vmem>>
        %dma_start3A_56 = tpu.memref_squeeze %dma_start3A_55 : memref<1x80xi32, #tpu.memory_space<vmem>> -> memref<80xi32, #tpu.memory_space<vmem>>
        %dma_start3A_57 = arith.constant 0 : i32
        %dma_start3A_58 = arith.constant 0 : i32
        %dma_start3A_59 = tpu.memref_slice %arg11[%dma_start3A_57, %dma_start3A_58] : memref<10000x128xf32, #tpu.memory_space<vmem_shared>> -> memref<10000x128xf32, #tpu.memory_space<vmem_shared>>
        tpu.enqueue_indirect_dma source(%arg9 : memref<80x128xf32, #tpu.memory_space<vmem>>) target(%dma_start3A_59 : memref<10000x128xf32, #tpu.memory_space<vmem_shared>>) offsets(%dma_start3A_56 : memref<80xi32, #tpu.memory_space<vmem>>) semaphore(%run_scoped3A_53 : memref<!tpu.dma_semaphore, #tpu.memory_space<semaphore_mem>>) {add = true}
        %dma_wait3A_60 = arith.constant 0 : i32
        %dma_wait3A_61 = tpu.memref_slice %arg8[%mul3A_24, %dma_wait3A_60] : memref<125x80xi32, #tpu.memory_space<vmem>> -> memref<1x80xi32, #tpu.memory_space<vmem>>
        %dma_wait3A_62 = tpu.memref_squeeze %dma_wait3A_61 : memref<1x80xi32, #tpu.memory_space<vmem>> -> memref<80xi32, #tpu.memory_space<vmem>>
        %dma_wait3A_63 = arith.constant 0 : i32
        %dma_wait3A_64 = arith.constant 0 : i32
        %dma_wait3A_65 = tpu.memref_slice %arg11[%dma_wait3A_63, %dma_wait3A_64] : memref<10000x128xf32, #tpu.memory_space<vmem_shared>> -> memref<10000x128xf32, #tpu.memory_space<vmem_shared>>
        tpu.wait_indirect_dma semaphore(%run_scoped3A_53 : memref<!tpu.dma_semaphore, #tpu.memory_space<semaphore_mem>>) src(%arg9 : memref<80x128xf32, #tpu.memory_space<vmem>>) dst(%dma_wait3A_65 : memref<10000x128xf32, #tpu.memory_space<vmem_shared>>)
        tpu.yield
      }) : () -> ()
      %add3A_39 = arith.constant 2 : i32
      %add3A_40 = arith.addi %mul3A_24, %add3A_39 : i32
      %mul3A_41 = arith.constant 80 : i32
      %mul3A_42 = arith.muli %add3A_40, %mul3A_41 : i32
      %dma_start3A_43 = tpu.memref_slice %arg7[%mul3A_42] : memref<10000xi32, #tpu.memory_space<vmem>> -> memref<80xi32, #tpu.memory_space<vmem>>
      %dma_start3A_44 = arith.constant 0 : i32
      %dma_start3A_45 = arith.constant 0 : i32
      %dma_start3A_46 = tpu.memref_slice %arg2[%dma_start3A_44, %dma_start3A_45] : memref<10000x128xf32, #tpu.memory_space<hbm>> -> memref<10000x128xf32, #tpu.memory_space<hbm>>
      tpu.enqueue_indirect_dma source(%dma_start3A_46 : memref<10000x128xf32, #tpu.memory_space<hbm>>) target(%arg9 : memref<80x128xf32, #tpu.memory_space<vmem>>) offsets(%dma_start3A_43 : memref<80xi32, #tpu.memory_space<vmem>>) semaphore(%arg12 : memref<!tpu.dma_semaphore, #tpu.memory_space<semaphore_mem>>)
      %dma_wait3A_47 = tpu.memref_slice %arg7[%mul3A_28] : memref<10000xi32, #tpu.memory_space<vmem>> -> memref<80xi32, #tpu.memory_space<vmem>>
      %dma_wait3A_48 = arith.constant 0 : i32
      %dma_wait3A_49 = arith.constant 0 : i32
      %dma_wait3A_50 = tpu.memref_slice %arg2[%dma_wait3A_48, %dma_wait3A_49] : memref<10000x128xf32, #tpu.memory_space<hbm>> -> memref<10000x128xf32, #tpu.memory_space<hbm>>
      tpu.wait_indirect_dma semaphore(%arg13 : memref<!tpu.dma_semaphore, #tpu.memory_space<semaphore_mem>>) src(%dma_wait3A_50 : memref<10000x128xf32, #tpu.memory_space<hbm>>) dst(%arg10 : memref<80x128xf32, #tpu.memory_space<vmem>>)
      %add3A_51 = arith.constant 1 : i32
      %add3A_52 = arith.addi %mul3A_24, %add3A_51 : i32
      "tpu.region"() ({
        %run_scoped3A_53 = tpu.sem_alloc : memref<!tpu.dma_semaphore, #tpu.memory_space<semaphore_mem>>
        %dma_start3A_54 = arith.constant 0 : i32
        %dma_start3A_55 = tpu.memref_slice %arg8[%add3A_52, %dma_start3A_54] : memref<125x80xi32, #tpu.memory_space<vmem>> -> memref<1x80xi32, #tpu.memory_space<vmem>>
        %dma_start3A_56 = tpu.memref_squeeze %dma_start3A_55 : memref<1x80xi32, #tpu.memory_space<vmem>> -> memref<80xi32, #tpu.memory_space<vmem>>
        %dma_start3A_57 = arith.constant 0 : i32
        %dma_start3A_58 = arith.constant 0 : i32
        %dma_start3A_59 = tpu.memref_slice %arg11[%dma_start3A_57, %dma_start3A_58] : memref<10000x128xf32, #tpu.memory_space<vmem_shared>> -> memref<10000x128xf32, #tpu.memory_space<vmem_shared>>
        tpu.enqueue_indirect_dma source(%arg10 : memref<80x128xf32, #tpu.memory_space<vmem>>) target(%dma_start3A_59 : memref<10000x128xf32, #tpu.memory_space<vmem_shared>>) offsets(%dma_start3A_56 : memref<80xi32, #tpu.memory_space<vmem>>) semaphore(%run_scoped3A_53 : memref<!tpu.dma_semaphore, #tpu.memory_space<semaphore_mem>>) {add = true}
        %dma_wait3A_60 = arith.constant 0 : i32
        %dma_wait3A_61 = tpu.memref_slice %arg8[%add3A_52, %dma_wait3A_60] : memref<125x80xi32, #tpu.memory_space<vmem>> -> memref<1x80xi32, #tpu.memory_space<vmem>>
        %dma_wait3A_62 = tpu.memref_squeeze %dma_wait3A_61 : memref<1x80xi32, #tpu.memory_space<vmem>> -> memref<80xi32, #tpu.memory_space<vmem>>
        %dma_wait3A_63 = arith.constant 0 : i32
        %dma_wait3A_64 = arith.constant 0 : i32
        %dma_wait3A_65 = tpu.memref_slice %arg11[%dma_wait3A_63, %dma_wait3A_64] : memref<10000x128xf32, #tpu.memory_space<vmem_shared>> -> memref<10000x128xf32, #tpu.memory_space<vmem_shared>>
        tpu.wait_indirect_dma semaphore(%run_scoped3A_53 : memref<!tpu.dma_semaphore, #tpu.memory_space<semaphore_mem>>) src(%arg10 : memref<80x128xf32, #tpu.memory_space<vmem>>) dst(%dma_wait3A_65 : memref<10000x128xf32, #tpu.memory_space<vmem_shared>>)
        tpu.yield
      }) : () -> ()
    }
    %scan3A_11 = arith.constant 62 : i32
    %dma_wait3A = arith.constant 9920 : i32
    %dma_wait3A_12 = tpu.memref_slice %arg7[%dma_wait3A] : memref<10000xi32, #tpu.memory_space<vmem>> -> memref<80xi32, #tpu.memory_space<vmem>>
    %dma_wait3A_13 = arith.constant 0 : i32
    %dma_wait3A_14 = arith.constant 0 : i32
    %dma_wait3A_15 = tpu.memref_slice %arg2[%dma_wait3A_13, %dma_wait3A_14] : memref<10000x128xf32, #tpu.memory_space<hbm>> -> memref<10000x128xf32, #tpu.memory_space<hbm>>
    tpu.wait_indirect_dma semaphore(%arg12 : memref<!tpu.dma_semaphore, #tpu.memory_space<semaphore_mem>>) src(%dma_wait3A_15 : memref<10000x128xf32, #tpu.memory_space<hbm>>) dst(%arg9 : memref<80x128xf32, #tpu.memory_space<vmem>>)
    %run_scoped3A = arith.constant 124 : i32
    "tpu.region"() ({
      %run_scoped3A_22 = tpu.sem_alloc : memref<!tpu.dma_semaphore, #tpu.memory_space<semaphore_mem>>
      %dma_start3A_23 = arith.constant 0 : i32
      %dma_start3A_24 = tpu.memref_slice %arg8[%run_scoped3A, %dma_start3A_23] : memref<125x80xi32, #tpu.memory_space<vmem>> -> memref<1x80xi32, #tpu.memory_space<vmem>>
      %dma_start3A_25 = tpu.memref_squeeze %dma_start3A_24 : memref<1x80xi32, #tpu.memory_space<vmem>> -> memref<80xi32, #tpu.memory_space<vmem>>
      %dma_start3A_26 = arith.constant 0 : i32
      %dma_start3A_27 = arith.constant 0 : i32
      %dma_start3A_28 = tpu.memref_slice %arg11[%dma_start3A_26, %dma_start3A_27] : memref<10000x128xf32, #tpu.memory_space<vmem_shared>> -> memref<10000x128xf32, #tpu.memory_space<vmem_shared>>
      tpu.enqueue_indirect_dma source(%arg9 : memref<80x128xf32, #tpu.memory_space<vmem>>) target(%dma_start3A_28 : memref<10000x128xf32, #tpu.memory_space<vmem_shared>>) offsets(%dma_start3A_25 : memref<80xi32, #tpu.memory_space<vmem>>) semaphore(%run_scoped3A_22 : memref<!tpu.dma_semaphore, #tpu.memory_space<semaphore_mem>>) {add = true}
      %dma_wait3A_29 = arith.constant 0 : i32
      %dma_wait3A_30 = tpu.memref_slice %arg8[%run_scoped3A, %dma_wait3A_29] : memref<125x80xi32, #tpu.memory_space<vmem>> -> memref<1x80xi32, #tpu.memory_space<vmem>>
      %dma_wait3A_31 = tpu.memref_squeeze %dma_wait3A_30 : memref<1x80xi32, #tpu.memory_space<vmem>> -> memref<80xi32, #tpu.memory_space<vmem>>
      %dma_wait3A_32 = arith.constant 0 : i32
      %dma_wait3A_33 = arith.constant 0 : i32
      %dma_wait3A_34 = tpu.memref_slice %arg11[%dma_wait3A_32, %dma_wait3A_33] : memref<10000x128xf32, #tpu.memory_space<vmem_shared>> -> memref<10000x128xf32, #tpu.memory_space<vmem_shared>>
      tpu.wait_indirect_dma semaphore(%run_scoped3A_22 : memref<!tpu.dma_semaphore, #tpu.memory_space<semaphore_mem>>) src(%arg9 : memref<80x128xf32, #tpu.memory_space<vmem>>) dst(%dma_wait3A_34 : memref<10000x128xf32, #tpu.memory_space<vmem_shared>>)
      tpu.yield
    }) : () -> ()
    %barrier3A_16 = arith.constant 0 : index
    tpu.barrier barrier_id(%barrier3A_16)
    %lt3A_17 = arith.constant 10 : i32
    %lt3A_18 = arith.cmpi slt, %arg1, %lt3A_17 : i32
    %convert_element_type3A_19 = arith.extui %lt3A_18 : i1 to i32
    %cond3A_20 = arith.constant 0 : i32
    %cond3A_21 = arith.cmpi ne, %convert_element_type3A_19, %cond3A_20 : i32
    scf.if %cond3A_21 {
      %mul3A_22 = arith.constant 1000 : i32
      %mul3A_23 = arith.muli %arg1, %mul3A_22 : i32
      %mul3A_24 = arith.constant 1000 : i32
      %mul3A_25 = arith.muli %arg1, %mul3A_24 : i32
      "tpu.region"() ({
        %run_scoped3A_26 = tpu.sem_alloc : memref<!tpu.dma_semaphore, #tpu.memory_space<semaphore_mem>>
        %dma_start3A_27 = arith.constant 0 : i32
        %dma_start3A_28 = tpu.memref_slice %arg6[%arg0, %mul3A_25, %dma_start3A_27] : memref<2x10000x128xf32, #tpu.memory_space<hbm>> -> memref<1x1000x128xf32, #tpu.memory_space<hbm>>
        %dma_start3A_29 = tpu.memref_squeeze %dma_start3A_28 : memref<1x1000x128xf32, #tpu.memory_space<hbm>> -> memref<1000x128xf32, #tpu.memory_space<hbm>>
        %dma_start3A_30 = arith.constant 0 : i32
        %dma_start3A_31 = tpu.memref_slice %arg11[%mul3A_23, %dma_start3A_30] : memref<10000x128xf32, #tpu.memory_space<vmem_shared>> -> memref<1000x128xf32, #tpu.memory_space<vmem_shared>>
        tpu.enqueue_dma source(%dma_start3A_31 : memref<1000x128xf32, #tpu.memory_space<vmem_shared>>) target(%dma_start3A_29 : memref<1000x128xf32, #tpu.memory_space<hbm>>) target_semaphore(%run_scoped3A_26 : memref<!tpu.dma_semaphore, #tpu.memory_space<semaphore_mem>>)
        %dma_wait3A_32 = arith.constant 0 : i32
        %dma_wait3A_33 = tpu.memref_slice %arg6[%arg0, %mul3A_25, %dma_wait3A_32] : memref<2x10000x128xf32, #tpu.memory_space<hbm>> -> memref<1x1000x128xf32, #tpu.memory_space<hbm>>
        %dma_wait3A_34 = tpu.memref_squeeze %dma_wait3A_33 : memref<1x1000x128xf32, #tpu.memory_space<hbm>> -> memref<1000x128xf32, #tpu.memory_space<hbm>>
        %dma_wait3A_35 = arith.constant 0 : i32
        %dma_wait3A_36 = tpu.memref_slice %arg11[%mul3A_23, %dma_wait3A_35] : memref<10000x128xf32, #tpu.memory_space<vmem_shared>> -> memref<1000x128xf32, #tpu.memory_space<vmem_shared>>
        tpu.wait_dma2 semaphore(%run_scoped3A_26 : memref<!tpu.dma_semaphore, #tpu.memory_space<semaphore_mem>>) src(%dma_wait3A_36 : memref<1000x128xf32, #tpu.memory_space<vmem_shared>>) dst(%dma_wait3A_34 : memref<1000x128xf32, #tpu.memory_space<hbm>>)
        tpu.yield
      }) : () -> ()
    } else {
    }
    return
  }
}

#map = affine_map<(d0, d1) -> (0, 0, 0)>
#map1 = affine_map<(d0, d1) -> (0)>
#map2 = affine_map<(d0, d1) -> (0, 0)>
module attributes {stable_mosaic.version = 14 : i64} {
  func.func @sc_degree(%arg0: i32, %arg1: i32, %arg2: memref<32x125x80xi32, #tpu.memory_space<hbm>>, %arg3: memref<10000xf32, #tpu.memory_space<hbm>>, %arg4: memref<2x10000xf32, #tpu.memory_space<hbm>>, %arg5: memref<125x80xi32, #tpu.memory_space<vmem>>, %arg6: memref<80xf32, #tpu.memory_space<vmem>>, %arg7: memref<10000xf32, #tpu.memory_space<vmem_shared>>) attributes {dimension_semantics = [#tpu.dimension_semantics<core_parallel>, #tpu.dimension_semantics<subcore_parallel>], iteration_bounds = array<i64: 2, 16>, scalar_prefetch = 0 : i64, scratch_operands = 3 : i64, tpu.core_type = #tpu.core_type<sc_vector_subcore>, window_params = [{transform_indices = #map}, {transform_indices = #map1}, {transform_indices = #map2}]} {
    %mul3A = arith.constant 2 : i32
    %mul3A_0 = arith.muli %arg1, %mul3A : i32
    %add3A = arith.addi %mul3A_0, %arg0 : i32
    "tpu.region"() ({
      %run_scoped3A = tpu.sem_alloc : memref<!tpu.dma_semaphore, #tpu.memory_space<semaphore_mem>>
      %dma_start3A = arith.constant 0 : i32
      %dma_start3A_42 = arith.constant 0 : i32
      %dma_start3A_43 = tpu.memref_slice %arg2[%add3A, %dma_start3A, %dma_start3A_42] : memref<32x125x80xi32, #tpu.memory_space<hbm>> -> memref<1x125x80xi32, #tpu.memory_space<hbm>>
      %dma_start3A_44 = tpu.memref_squeeze %dma_start3A_43 : memref<1x125x80xi32, #tpu.memory_space<hbm>> -> memref<125x80xi32, #tpu.memory_space<hbm>>
      %dma_start3A_45 = arith.constant 0 : i32
      %dma_start3A_46 = arith.constant 0 : i32
      %dma_start3A_47 = tpu.memref_slice %arg2[%add3A, %dma_start3A_45, %dma_start3A_46] : memref<32x125x80xi32, #tpu.memory_space<hbm>> -> memref<1x125x80xi32, #tpu.memory_space<hbm>>
      %dma_start3A_48 = tpu.memref_squeeze %dma_start3A_47 : memref<1x125x80xi32, #tpu.memory_space<hbm>> -> memref<125x80xi32, #tpu.memory_space<hbm>>
      tpu.enqueue_dma source(%dma_start3A_48 : memref<125x80xi32, #tpu.memory_space<hbm>>) target(%arg5 : memref<125x80xi32, #tpu.memory_space<vmem>>) target_semaphore(%run_scoped3A : memref<!tpu.dma_semaphore, #tpu.memory_space<semaphore_mem>>)
      %dma_wait3A = arith.constant 0 : i32
      %dma_wait3A_49 = arith.constant 0 : i32
      %dma_wait3A_50 = tpu.memref_slice %arg2[%add3A, %dma_wait3A, %dma_wait3A_49] : memref<32x125x80xi32, #tpu.memory_space<hbm>> -> memref<1x125x80xi32, #tpu.memory_space<hbm>>
      %dma_wait3A_51 = tpu.memref_squeeze %dma_wait3A_50 : memref<1x125x80xi32, #tpu.memory_space<hbm>> -> memref<125x80xi32, #tpu.memory_space<hbm>>
      %dma_wait3A_52 = arith.constant 0 : i32
      %dma_wait3A_53 = arith.constant 0 : i32
      %dma_wait3A_54 = tpu.memref_slice %arg2[%add3A, %dma_wait3A_52, %dma_wait3A_53] : memref<32x125x80xi32, #tpu.memory_space<hbm>> -> memref<1x125x80xi32, #tpu.memory_space<hbm>>
      %dma_wait3A_55 = tpu.memref_squeeze %dma_wait3A_54 : memref<1x125x80xi32, #tpu.memory_space<hbm>> -> memref<125x80xi32, #tpu.memory_space<hbm>>
      tpu.wait_dma2 semaphore(%run_scoped3A : memref<!tpu.dma_semaphore, #tpu.memory_space<semaphore_mem>>) src(%dma_wait3A_55 : memref<125x80xi32, #tpu.memory_space<hbm>>) dst(%arg5 : memref<125x80xi32, #tpu.memory_space<vmem>>)
      tpu.yield
    }) : () -> ()
    %broadcast_in_dim3A = arith.constant 1.000000e+00 : f32
    %broadcast_in_dim3A_1 = vector.broadcast %broadcast_in_dim3A : f32 to vector<16xf32>
    %swap3A = arith.constant 0 : index
    %swap3A_2 = tpu.vector_load %arg6[%swap3A] {strides = array<i32>} : memref<80xf32, #tpu.memory_space<vmem>>, vector<16xf32>,
    %swap3A_3 = vector.shape_cast %swap3A_2 : vector<16xf32> to vector<16xf32>
    %swap3A_4 = vector.shape_cast %broadcast_in_dim3A_1 : vector<16xf32> to vector<16xf32>
    tpu.vector_store %arg6[%swap3A], %swap3A_4 {strides = array<i32>} : memref<80xf32, #tpu.memory_space<vmem>>, vector<16xf32>,
    %broadcast_in_dim3A_5 = arith.constant 1.000000e+00 : f32
    %broadcast_in_dim3A_6 = vector.broadcast %broadcast_in_dim3A_5 : f32 to vector<16xf32>
    %swap3A_7 = arith.constant 16 : index
    %swap3A_8 = tpu.vector_load %arg6[%swap3A_7] {strides = array<i32>} : memref<80xf32, #tpu.memory_space<vmem>>, vector<16xf32>,
    %swap3A_9 = vector.shape_cast %swap3A_8 : vector<16xf32> to vector<16xf32>
    %swap3A_10 = vector.shape_cast %broadcast_in_dim3A_6 : vector<16xf32> to vector<16xf32>
    tpu.vector_store %arg6[%swap3A_7], %swap3A_10 {strides = array<i32>} : memref<80xf32, #tpu.memory_space<vmem>>, vector<16xf32>,
    %broadcast_in_dim3A_11 = arith.constant 1.000000e+00 : f32
    %broadcast_in_dim3A_12 = vector.broadcast %broadcast_in_dim3A_11 : f32 to vector<16xf32>
    %swap3A_13 = arith.constant 32 : index
    %swap3A_14 = tpu.vector_load %arg6[%swap3A_13] {strides = array<i32>} : memref<80xf32, #tpu.memory_space<vmem>>, vector<16xf32>,
    %swap3A_15 = vector.shape_cast %swap3A_14 : vector<16xf32> to vector<16xf32>
    %swap3A_16 = vector.shape_cast %broadcast_in_dim3A_12 : vector<16xf32> to vector<16xf32>
    tpu.vector_store %arg6[%swap3A_13], %swap3A_16 {strides = array<i32>} : memref<80xf32, #tpu.memory_space<vmem>>, vector<16xf32>,
    %broadcast_in_dim3A_17 = arith.constant 1.000000e+00 : f32
    %broadcast_in_dim3A_18 = vector.broadcast %broadcast_in_dim3A_17 : f32 to vector<16xf32>
    %swap3A_19 = arith.constant 48 : index
    %swap3A_20 = tpu.vector_load %arg6[%swap3A_19] {strides = array<i32>} : memref<80xf32, #tpu.memory_space<vmem>>, vector<16xf32>,
    %swap3A_21 = vector.shape_cast %swap3A_20 : vector<16xf32> to vector<16xf32>
    %swap3A_22 = vector.shape_cast %broadcast_in_dim3A_18 : vector<16xf32> to vector<16xf32>
    tpu.vector_store %arg6[%swap3A_19], %swap3A_22 {strides = array<i32>} : memref<80xf32, #tpu.memory_space<vmem>>, vector<16xf32>,
    %broadcast_in_dim3A_23 = arith.constant 1.000000e+00 : f32
    %broadcast_in_dim3A_24 = vector.broadcast %broadcast_in_dim3A_23 : f32 to vector<16xf32>
    %swap3A_25 = arith.constant 64 : index
    %swap3A_26 = tpu.vector_load %arg6[%swap3A_25] {strides = array<i32>} : memref<80xf32, #tpu.memory_space<vmem>>, vector<16xf32>,
    %swap3A_27 = vector.shape_cast %swap3A_26 : vector<16xf32> to vector<16xf32>
    %swap3A_28 = vector.shape_cast %broadcast_in_dim3A_24 : vector<16xf32> to vector<16xf32>
    tpu.vector_store %arg6[%swap3A_25], %swap3A_28 {strides = array<i32>} : memref<80xf32, #tpu.memory_space<vmem>>, vector<16xf32>,
    %eq3A = arith.constant 0 : i32
    %eq3A_29 = arith.cmpi eq, %arg1, %eq3A : i32
    %convert_element_type3A = arith.extui %eq3A_29 : i1 to i32
    %cond3A = arith.constant 0 : i32
    %cond3A_30 = arith.cmpi ne, %convert_element_type3A, %cond3A : i32
    scf.if %cond3A_30 {
      "tpu.region"() ({
        %run_scoped3A = tpu.sem_alloc : memref<!tpu.dma_semaphore, #tpu.memory_space<semaphore_mem>>
        tpu.enqueue_dma source(%arg3 : memref<10000xf32, #tpu.memory_space<hbm>>) target(%arg7 : memref<10000xf32, #tpu.memory_space<vmem_shared>>) target_semaphore(%run_scoped3A : memref<!tpu.dma_semaphore, #tpu.memory_space<semaphore_mem>>)
        tpu.wait_dma2 semaphore(%run_scoped3A : memref<!tpu.dma_semaphore, #tpu.memory_space<semaphore_mem>>) src(%arg3 : memref<10000xf32, #tpu.memory_space<hbm>>) dst(%arg7 : memref<10000xf32, #tpu.memory_space<vmem_shared>>)
        tpu.yield
      }) : () -> ()
    } else {
    }
    %barrier3A = arith.constant 0 : index
    tpu.barrier barrier_id(%barrier3A)
    %scan3A = arith.constant 0 : i32
    %scan3A_31 = arith.constant 0 : i32
    %scan3A_32 = arith.constant 125 : i32
    %scan3A_33 = arith.addi %scan3A_31, %scan3A_32 : i32
    %scan3A_34 = arith.constant 1 : i32
    scf.for %scan3A_42 = %scan3A_31 to %scan3A_33 step %scan3A_34  : i32 {
      "tpu.region"() ({
        %run_scoped3A = tpu.sem_alloc : memref<!tpu.dma_semaphore, #tpu.memory_space<semaphore_mem>>
        %dma_start3A = arith.constant 0 : i32
        %dma_start3A_43 = tpu.memref_slice %arg6[%dma_start3A] : memref<80xf32, #tpu.memory_space<vmem>> -> memref<80xf32, #tpu.memory_space<vmem>>
        %dma_start3A_44 = arith.constant 0 : i32
        %dma_start3A_45 = tpu.memref_slice %arg5[%scan3A_42, %dma_start3A_44] : memref<125x80xi32, #tpu.memory_space<vmem>> -> memref<1x80xi32, #tpu.memory_space<vmem>>
        %dma_start3A_46 = tpu.memref_squeeze %dma_start3A_45 : memref<1x80xi32, #tpu.memory_space<vmem>> -> memref<80xi32, #tpu.memory_space<vmem>>
        %dma_start3A_47 = arith.constant 0 : i32
        %dma_start3A_48 = tpu.memref_slice %arg7[%dma_start3A_47] : memref<10000xf32, #tpu.memory_space<vmem_shared>> -> memref<10000xf32, #tpu.memory_space<vmem_shared>>
        tpu.enqueue_indirect_dma source(%dma_start3A_43 : memref<80xf32, #tpu.memory_space<vmem>>) target(%dma_start3A_48 : memref<10000xf32, #tpu.memory_space<vmem_shared>>) offsets(%dma_start3A_46 : memref<80xi32, #tpu.memory_space<vmem>>) semaphore(%run_scoped3A : memref<!tpu.dma_semaphore, #tpu.memory_space<semaphore_mem>>) {add = true}
        %dma_wait3A = arith.constant 0 : i32
        %dma_wait3A_49 = tpu.memref_slice %arg6[%dma_wait3A] : memref<80xf32, #tpu.memory_space<vmem>> -> memref<80xf32, #tpu.memory_space<vmem>>
        %dma_wait3A_50 = arith.constant 0 : i32
        %dma_wait3A_51 = tpu.memref_slice %arg5[%scan3A_42, %dma_wait3A_50] : memref<125x80xi32, #tpu.memory_space<vmem>> -> memref<1x80xi32, #tpu.memory_space<vmem>>
        %dma_wait3A_52 = tpu.memref_squeeze %dma_wait3A_51 : memref<1x80xi32, #tpu.memory_space<vmem>> -> memref<80xi32, #tpu.memory_space<vmem>>
        %dma_wait3A_53 = arith.constant 0 : i32
        %dma_wait3A_54 = tpu.memref_slice %arg7[%dma_wait3A_53] : memref<10000xf32, #tpu.memory_space<vmem_shared>> -> memref<10000xf32, #tpu.memory_space<vmem_shared>>
        tpu.wait_indirect_dma semaphore(%run_scoped3A : memref<!tpu.dma_semaphore, #tpu.memory_space<semaphore_mem>>) src(%dma_wait3A_49 : memref<80xf32, #tpu.memory_space<vmem>>) dst(%dma_wait3A_54 : memref<10000xf32, #tpu.memory_space<vmem_shared>>)
        tpu.yield
      }) : () -> ()
    }
    %scan3A_35 = arith.constant 125 : i32
    %barrier3A_36 = arith.constant 0 : index
    tpu.barrier barrier_id(%barrier3A_36)
    %eq3A_37 = arith.constant 0 : i32
    %eq3A_38 = arith.cmpi eq, %arg1, %eq3A_37 : i32
    %convert_element_type3A_39 = arith.extui %eq3A_38 : i1 to i32
    %cond3A_40 = arith.constant 0 : i32
    %cond3A_41 = arith.cmpi ne, %convert_element_type3A_39, %cond3A_40 : i32
    scf.if %cond3A_41 {
      "tpu.region"() ({
        %run_scoped3A = tpu.sem_alloc : memref<!tpu.dma_semaphore, #tpu.memory_space<semaphore_mem>>
        %dma_start3A = arith.constant 0 : i32
        %dma_start3A_42 = tpu.memref_slice %arg4[%arg0, %dma_start3A] : memref<2x10000xf32, #tpu.memory_space<hbm>> -> memref<1x10000xf32, #tpu.memory_space<hbm>>
        %dma_start3A_43 = tpu.memref_squeeze %dma_start3A_42 : memref<1x10000xf32, #tpu.memory_space<hbm>> -> memref<10000xf32, #tpu.memory_space<hbm>>
        tpu.enqueue_dma source(%arg7 : memref<10000xf32, #tpu.memory_space<vmem_shared>>) target(%dma_start3A_43 : memref<10000xf32, #tpu.memory_space<hbm>>) target_semaphore(%run_scoped3A : memref<!tpu.dma_semaphore, #tpu.memory_space<semaphore_mem>>)
        %dma_wait3A = arith.constant 0 : i32
        %dma_wait3A_44 = tpu.memref_slice %arg4[%arg0, %dma_wait3A] : memref<2x10000xf32, #tpu.memory_space<hbm>> -> memref<1x10000xf32, #tpu.memory_space<hbm>>
        %dma_wait3A_45 = tpu.memref_squeeze %dma_wait3A_44 : memref<1x10000xf32, #tpu.memory_space<hbm>> -> memref<10000xf32, #tpu.memory_space<hbm>>
        tpu.wait_dma2 semaphore(%run_scoped3A : memref<!tpu.dma_semaphore, #tpu.memory_space<semaphore_mem>>) src(%arg7 : memref<10000xf32, #tpu.memory_space<vmem_shared>>) dst(%dma_wait3A_45 : memref<10000xf32, #tpu.memory_space<hbm>>)
        tpu.yield
      }) : () -> ()
    } else {
    }
    return
  }
}

#map = affine_map<(d0, d1) -> (0, 0)>
#map1 = affine_map<(d0, d1) -> (0, 0, 0)>
module attributes {stable_mosaic.version = 14 : i64} {
  func.func @sc_spmm(%arg0: i32, %arg1: i32, %arg2: memref<10000x128xf32, #tpu.memory_space<hbm>>, %arg3: memref<32x10000xi32, #tpu.memory_space<hbm>>, %arg4: memref<32x125x80xi32, #tpu.memory_space<hbm>>, %arg5: memref<10000x128xf32, #tpu.memory_space<hbm>>, %arg6: memref<2x10000x128xf32, #tpu.memory_space<hbm>>, %arg7: memref<10000xi32, #tpu.memory_space<vmem>>, %arg8: memref<125x80xi32, #tpu.memory_space<vmem>>, %arg9: memref<80x128xf32, #tpu.memory_space<vmem>>, %arg10: memref<80x128xf32, #tpu.memory_space<vmem>>, %arg11: memref<10000x128xf32, #tpu.memory_space<vmem_shared>>, %arg12: memref<!tpu.dma_semaphore, #tpu.memory_space<semaphore_mem>>, %arg13: memref<!tpu.dma_semaphore, #tpu.memory_space<semaphore_mem>>) attributes {dimension_semantics = [#tpu.dimension_semantics<core_parallel>, #tpu.dimension_semantics<subcore_parallel>], iteration_bounds = array<i64: 2, 16>, scalar_prefetch = 0 : i64, scratch_operands = 7 : i64, tpu.core_type = #tpu.core_type<sc_vector_subcore>, window_params = [{transform_indices = #map}, {transform_indices = #map}, {transform_indices = #map1}, {transform_indices = #map}, {transform_indices = #map1}]} {
    %mul3A = arith.constant 2 : i32
    %mul3A_0 = arith.muli %arg1, %mul3A : i32
    %add3A = arith.addi %mul3A_0, %arg0 : i32
    "tpu.region"() ({
      %run_scoped3A_22 = tpu.sem_alloc : memref<!tpu.dma_semaphore, #tpu.memory_space<semaphore_mem>>
      %dma_start3A_23 = arith.constant 0 : i32
      %dma_start3A_24 = tpu.memref_slice %arg3[%add3A, %dma_start3A_23] : memref<32x10000xi32, #tpu.memory_space<hbm>> -> memref<1x10000xi32, #tpu.memory_space<hbm>>
      %dma_start3A_25 = tpu.memref_squeeze %dma_start3A_24 : memref<1x10000xi32, #tpu.memory_space<hbm>> -> memref<10000xi32, #tpu.memory_space<hbm>>
      %dma_start3A_26 = arith.constant 0 : i32
      %dma_start3A_27 = tpu.memref_slice %arg3[%add3A, %dma_start3A_26] : memref<32x10000xi32, #tpu.memory_space<hbm>> -> memref<1x10000xi32, #tpu.memory_space<hbm>>
      %dma_start3A_28 = tpu.memref_squeeze %dma_start3A_27 : memref<1x10000xi32, #tpu.memory_space<hbm>> -> memref<10000xi32, #tpu.memory_space<hbm>>
      tpu.enqueue_dma source(%dma_start3A_28 : memref<10000xi32, #tpu.memory_space<hbm>>) target(%arg7 : memref<10000xi32, #tpu.memory_space<vmem>>) target_semaphore(%run_scoped3A_22 : memref<!tpu.dma_semaphore, #tpu.memory_space<semaphore_mem>>)
      %dma_wait3A_29 = arith.constant 0 : i32
      %dma_wait3A_30 = tpu.memref_slice %arg3[%add3A, %dma_wait3A_29] : memref<32x10000xi32, #tpu.memory_space<hbm>> -> memref<1x10000xi32, #tpu.memory_space<hbm>>
      %dma_wait3A_31 = tpu.memref_squeeze %dma_wait3A_30 : memref<1x10000xi32, #tpu.memory_space<hbm>> -> memref<10000xi32, #tpu.memory_space<hbm>>
      %dma_wait3A_32 = arith.constant 0 : i32
      %dma_wait3A_33 = tpu.memref_slice %arg3[%add3A, %dma_wait3A_32] : memref<32x10000xi32, #tpu.memory_space<hbm>> -> memref<1x10000xi32, #tpu.memory_space<hbm>>
      %dma_wait3A_34 = tpu.memref_squeeze %dma_wait3A_33 : memref<1x10000xi32, #tpu.memory_space<hbm>> -> memref<10000xi32, #tpu.memory_space<hbm>>
      tpu.wait_dma2 semaphore(%run_scoped3A_22 : memref<!tpu.dma_semaphore, #tpu.memory_space<semaphore_mem>>) src(%dma_wait3A_34 : memref<10000xi32, #tpu.memory_space<hbm>>) dst(%arg7 : memref<10000xi32, #tpu.memory_space<vmem>>)
      tpu.yield
    }) : () -> ()
    "tpu.region"() ({
      %run_scoped3A_22 = tpu.sem_alloc : memref<!tpu.dma_semaphore, #tpu.memory_space<semaphore_mem>>
      %dma_start3A_23 = arith.constant 0 : i32
      %dma_start3A_24 = arith.constant 0 : i32
      %dma_start3A_25 = tpu.memref_slice %arg4[%add3A, %dma_start3A_23, %dma_start3A_24] : memref<32x125x80xi32, #tpu.memory_space<hbm>> -> memref<1x125x80xi32, #tpu.memory_space<hbm>>
      %dma_start3A_26 = tpu.memref_squeeze %dma_start3A_25 : memref<1x125x80xi32, #tpu.memory_space<hbm>> -> memref<125x80xi32, #tpu.memory_space<hbm>>
      %dma_start3A_27 = arith.constant 0 : i32
      %dma_start3A_28 = arith.constant 0 : i32
      %dma_start3A_29 = tpu.memref_slice %arg4[%add3A, %dma_start3A_27, %dma_start3A_28] : memref<32x125x80xi32, #tpu.memory_space<hbm>> -> memref<1x125x80xi32, #tpu.memory_space<hbm>>
      %dma_start3A_30 = tpu.memref_squeeze %dma_start3A_29 : memref<1x125x80xi32, #tpu.memory_space<hbm>> -> memref<125x80xi32, #tpu.memory_space<hbm>>
      tpu.enqueue_dma source(%dma_start3A_30 : memref<125x80xi32, #tpu.memory_space<hbm>>) target(%arg8 : memref<125x80xi32, #tpu.memory_space<vmem>>) target_semaphore(%run_scoped3A_22 : memref<!tpu.dma_semaphore, #tpu.memory_space<semaphore_mem>>)
      %dma_wait3A_31 = arith.constant 0 : i32
      %dma_wait3A_32 = arith.constant 0 : i32
      %dma_wait3A_33 = tpu.memref_slice %arg4[%add3A, %dma_wait3A_31, %dma_wait3A_32] : memref<32x125x80xi32, #tpu.memory_space<hbm>> -> memref<1x125x80xi32, #tpu.memory_space<hbm>>
      %dma_wait3A_34 = tpu.memref_squeeze %dma_wait3A_33 : memref<1x125x80xi32, #tpu.memory_space<hbm>> -> memref<125x80xi32, #tpu.memory_space<hbm>>
      %dma_wait3A_35 = arith.constant 0 : i32
      %dma_wait3A_36 = arith.constant 0 : i32
      %dma_wait3A_37 = tpu.memref_slice %arg4[%add3A, %dma_wait3A_35, %dma_wait3A_36] : memref<32x125x80xi32, #tpu.memory_space<hbm>> -> memref<1x125x80xi32, #tpu.memory_space<hbm>>
      %dma_wait3A_38 = tpu.memref_squeeze %dma_wait3A_37 : memref<1x125x80xi32, #tpu.memory_space<hbm>> -> memref<125x80xi32, #tpu.memory_space<hbm>>
      tpu.wait_dma2 semaphore(%run_scoped3A_22 : memref<!tpu.dma_semaphore, #tpu.memory_space<semaphore_mem>>) src(%dma_wait3A_38 : memref<125x80xi32, #tpu.memory_space<hbm>>) dst(%arg8 : memref<125x80xi32, #tpu.memory_space<vmem>>)
      tpu.yield
    }) : () -> ()
    %lt3A = arith.constant 10 : i32
    %lt3A_1 = arith.cmpi slt, %arg1, %lt3A : i32
    %convert_element_type3A = arith.extui %lt3A_1 : i1 to i32
    %cond3A = arith.constant 0 : i32
    %cond3A_2 = arith.cmpi ne, %convert_element_type3A, %cond3A : i32
    scf.if %cond3A_2 {
      %mul3A_22 = arith.constant 1000 : i32
      %mul3A_23 = arith.muli %arg1, %mul3A_22 : i32
      %mul3A_24 = arith.constant 1000 : i32
      %mul3A_25 = arith.muli %arg1, %mul3A_24 : i32
      "tpu.region"() ({
        %run_scoped3A_26 = tpu.sem_alloc : memref<!tpu.dma_semaphore, #tpu.memory_space<semaphore_mem>>
        %dma_start3A_27 = arith.constant 0 : i32
        %dma_start3A_28 = tpu.memref_slice %arg11[%mul3A_25, %dma_start3A_27] : memref<10000x128xf32, #tpu.memory_space<vmem_shared>> -> memref<1000x128xf32, #tpu.memory_space<vmem_shared>>
        %dma_start3A_29 = arith.constant 0 : i32
        %dma_start3A_30 = tpu.memref_slice %arg5[%mul3A_23, %dma_start3A_29] : memref<10000x128xf32, #tpu.memory_space<hbm>> -> memref<1000x128xf32, #tpu.memory_space<hbm>>
        tpu.enqueue_dma source(%dma_start3A_30 : memref<1000x128xf32, #tpu.memory_space<hbm>>) target(%dma_start3A_28 : memref<1000x128xf32, #tpu.memory_space<vmem_shared>>) target_semaphore(%run_scoped3A_26 : memref<!tpu.dma_semaphore, #tpu.memory_space<semaphore_mem>>)
        %dma_wait3A_31 = arith.constant 0 : i32
        %dma_wait3A_32 = tpu.memref_slice %arg11[%mul3A_25, %dma_wait3A_31] : memref<10000x128xf32, #tpu.memory_space<vmem_shared>> -> memref<1000x128xf32, #tpu.memory_space<vmem_shared>>
        %dma_wait3A_33 = arith.constant 0 : i32
        %dma_wait3A_34 = tpu.memref_slice %arg5[%mul3A_23, %dma_wait3A_33] : memref<10000x128xf32, #tpu.memory_space<hbm>> -> memref<1000x128xf32, #tpu.memory_space<hbm>>
        tpu.wait_dma2 semaphore(%run_scoped3A_26 : memref<!tpu.dma_semaphore, #tpu.memory_space<semaphore_mem>>) src(%dma_wait3A_34 : memref<1000x128xf32, #tpu.memory_space<hbm>>) dst(%dma_wait3A_32 : memref<1000x128xf32, #tpu.memory_space<vmem_shared>>)
        tpu.yield
      }) : () -> ()
    } else {
    }
    %barrier3A = arith.constant 0 : index
    tpu.barrier barrier_id(%barrier3A)
    %dma_start3A = arith.constant 0 : i32
    %dma_start3A_3 = tpu.memref_slice %arg7[%dma_start3A] : memref<10000xi32, #tpu.memory_space<vmem>> -> memref<80xi32, #tpu.memory_space<vmem>>
    %dma_start3A_4 = arith.constant 0 : i32
    %dma_start3A_5 = arith.constant 0 : i32
    %dma_start3A_6 = tpu.memref_slice %arg2[%dma_start3A_4, %dma_start3A_5] : memref<10000x128xf32, #tpu.memory_space<hbm>> -> memref<10000x128xf32, #tpu.memory_space<hbm>>
    tpu.enqueue_indirect_dma source(%dma_start3A_6 : memref<10000x128xf32, #tpu.memory_space<hbm>>) target(%arg9 : memref<80x128xf32, #tpu.memory_space<vmem>>) offsets(%dma_start3A_3 : memref<80xi32, #tpu.memory_space<vmem>>) semaphore(%arg12 : memref<!tpu.dma_semaphore, #tpu.memory_space<semaphore_mem>>)
    %scan3A = arith.constant 0 : i32
    %scan3A_7 = arith.constant 0 : i32
    %scan3A_8 = arith.constant 62 : i32
    %scan3A_9 = arith.addi %scan3A_7, %scan3A_8 : i32
    %scan3A_10 = arith.constant 1 : i32
    scf.for %scan3A_22 = %scan3A_7 to %scan3A_9 step %scan3A_10  : i32 {
      %mul3A_23 = arith.constant 2 : i32
      %mul3A_24 = arith.muli %mul3A_23, %scan3A_22 : i32
      %add3A_25 = arith.constant 1 : i32
      %add3A_26 = arith.addi %mul3A_24, %add3A_25 : i32
      %mul3A_27 = arith.constant 80 : i32
      %mul3A_28 = arith.muli %add3A_26, %mul3A_27 : i32
      %dma_start3A_29 = tpu.memref_slice %arg7[%mul3A_28] : memref<10000xi32, #tpu.memory_space<vmem>> -> memref<80xi32, #tpu.memory_space<vmem>>
      %dma_start3A_30 = arith.constant 0 : i32
      %dma_start3A_31 = arith.constant 0 : i32
      %dma_start3A_32 = tpu.memref_slice %arg2[%dma_start3A_30, %dma_start3A_31] : memref<10000x128xf32, #tpu.memory_space<hbm>> -> memref<10000x128xf32, #tpu.memory_space<hbm>>
      tpu.enqueue_indirect_dma source(%dma_start3A_32 : memref<10000x128xf32, #tpu.memory_space<hbm>>) target(%arg10 : memref<80x128xf32, #tpu.memory_space<vmem>>) offsets(%dma_start3A_29 : memref<80xi32, #tpu.memory_space<vmem>>) semaphore(%arg13 : memref<!tpu.dma_semaphore, #tpu.memory_space<semaphore_mem>>)
      %mul3A_33 = arith.constant 80 : i32
      %mul3A_34 = arith.muli %mul3A_24, %mul3A_33 : i32
      %dma_wait3A_35 = tpu.memref_slice %arg7[%mul3A_34] : memref<10000xi32, #tpu.memory_space<vmem>> -> memref<80xi32, #tpu.memory_space<vmem>>
      %dma_wait3A_36 = arith.constant 0 : i32
      %dma_wait3A_37 = arith.constant 0 : i32
      %dma_wait3A_38 = tpu.memref_slice %arg2[%dma_wait3A_36, %dma_wait3A_37] : memref<10000x128xf32, #tpu.memory_space<hbm>> -> memref<10000x128xf32, #tpu.memory_space<hbm>>
      tpu.wait_indirect_dma semaphore(%arg12 : memref<!tpu.dma_semaphore, #tpu.memory_space<semaphore_mem>>) src(%dma_wait3A_38 : memref<10000x128xf32, #tpu.memory_space<hbm>>) dst(%arg9 : memref<80x128xf32, #tpu.memory_space<vmem>>)
      "tpu.region"() ({
        %run_scoped3A_53 = tpu.sem_alloc : memref<!tpu.dma_semaphore, #tpu.memory_space<semaphore_mem>>
        %dma_start3A_54 = arith.constant 0 : i32
        %dma_start3A_55 = tpu.memref_slice %arg8[%mul3A_24, %dma_start3A_54] : memref<125x80xi32, #tpu.memory_space<vmem>> -> memref<1x80xi32, #tpu.memory_space<vmem>>
        %dma_start3A_56 = tpu.memref_squeeze %dma_start3A_55 : memref<1x80xi32, #tpu.memory_space<vmem>> -> memref<80xi32, #tpu.memory_space<vmem>>
        %dma_start3A_57 = arith.constant 0 : i32
        %dma_start3A_58 = arith.constant 0 : i32
        %dma_start3A_59 = tpu.memref_slice %arg11[%dma_start3A_57, %dma_start3A_58] : memref<10000x128xf32, #tpu.memory_space<vmem_shared>> -> memref<10000x128xf32, #tpu.memory_space<vmem_shared>>
        tpu.enqueue_indirect_dma source(%arg9 : memref<80x128xf32, #tpu.memory_space<vmem>>) target(%dma_start3A_59 : memref<10000x128xf32, #tpu.memory_space<vmem_shared>>) offsets(%dma_start3A_56 : memref<80xi32, #tpu.memory_space<vmem>>) semaphore(%run_scoped3A_53 : memref<!tpu.dma_semaphore, #tpu.memory_space<semaphore_mem>>) {add = true}
        %dma_wait3A_60 = arith.constant 0 : i32
        %dma_wait3A_61 = tpu.memref_slice %arg8[%mul3A_24, %dma_wait3A_60] : memref<125x80xi32, #tpu.memory_space<vmem>> -> memref<1x80xi32, #tpu.memory_space<vmem>>
        %dma_wait3A_62 = tpu.memref_squeeze %dma_wait3A_61 : memref<1x80xi32, #tpu.memory_space<vmem>> -> memref<80xi32, #tpu.memory_space<vmem>>
        %dma_wait3A_63 = arith.constant 0 : i32
        %dma_wait3A_64 = arith.constant 0 : i32
        %dma_wait3A_65 = tpu.memref_slice %arg11[%dma_wait3A_63, %dma_wait3A_64] : memref<10000x128xf32, #tpu.memory_space<vmem_shared>> -> memref<10000x128xf32, #tpu.memory_space<vmem_shared>>
        tpu.wait_indirect_dma semaphore(%run_scoped3A_53 : memref<!tpu.dma_semaphore, #tpu.memory_space<semaphore_mem>>) src(%arg9 : memref<80x128xf32, #tpu.memory_space<vmem>>) dst(%dma_wait3A_65 : memref<10000x128xf32, #tpu.memory_space<vmem_shared>>)
        tpu.yield
      }) : () -> ()
      %add3A_39 = arith.constant 2 : i32
      %add3A_40 = arith.addi %mul3A_24, %add3A_39 : i32
      %mul3A_41 = arith.constant 80 : i32
      %mul3A_42 = arith.muli %add3A_40, %mul3A_41 : i32
      %dma_start3A_43 = tpu.memref_slice %arg7[%mul3A_42] : memref<10000xi32, #tpu.memory_space<vmem>> -> memref<80xi32, #tpu.memory_space<vmem>>
      %dma_start3A_44 = arith.constant 0 : i32
      %dma_start3A_45 = arith.constant 0 : i32
      %dma_start3A_46 = tpu.memref_slice %arg2[%dma_start3A_44, %dma_start3A_45] : memref<10000x128xf32, #tpu.memory_space<hbm>> -> memref<10000x128xf32, #tpu.memory_space<hbm>>
      tpu.enqueue_indirect_dma source(%dma_start3A_46 : memref<10000x128xf32, #tpu.memory_space<hbm>>) target(%arg9 : memref<80x128xf32, #tpu.memory_space<vmem>>) offsets(%dma_start3A_43 : memref<80xi32, #tpu.memory_space<vmem>>) semaphore(%arg12 : memref<!tpu.dma_semaphore, #tpu.memory_space<semaphore_mem>>)
      %dma_wait3A_47 = tpu.memref_slice %arg7[%mul3A_28] : memref<10000xi32, #tpu.memory_space<vmem>> -> memref<80xi32, #tpu.memory_space<vmem>>
      %dma_wait3A_48 = arith.constant 0 : i32
      %dma_wait3A_49 = arith.constant 0 : i32
      %dma_wait3A_50 = tpu.memref_slice %arg2[%dma_wait3A_48, %dma_wait3A_49] : memref<10000x128xf32, #tpu.memory_space<hbm>> -> memref<10000x128xf32, #tpu.memory_space<hbm>>
      tpu.wait_indirect_dma semaphore(%arg13 : memref<!tpu.dma_semaphore, #tpu.memory_space<semaphore_mem>>) src(%dma_wait3A_50 : memref<10000x128xf32, #tpu.memory_space<hbm>>) dst(%arg10 : memref<80x128xf32, #tpu.memory_space<vmem>>)
      %add3A_51 = arith.constant 1 : i32
      %add3A_52 = arith.addi %mul3A_24, %add3A_51 : i32
      "tpu.region"() ({
        %run_scoped3A_53 = tpu.sem_alloc : memref<!tpu.dma_semaphore, #tpu.memory_space<semaphore_mem>>
        %dma_start3A_54 = arith.constant 0 : i32
        %dma_start3A_55 = tpu.memref_slice %arg8[%add3A_52, %dma_start3A_54] : memref<125x80xi32, #tpu.memory_space<vmem>> -> memref<1x80xi32, #tpu.memory_space<vmem>>
        %dma_start3A_56 = tpu.memref_squeeze %dma_start3A_55 : memref<1x80xi32, #tpu.memory_space<vmem>> -> memref<80xi32, #tpu.memory_space<vmem>>
        %dma_start3A_57 = arith.constant 0 : i32
        %dma_start3A_58 = arith.constant 0 : i32
        %dma_start3A_59 = tpu.memref_slice %arg11[%dma_start3A_57, %dma_start3A_58] : memref<10000x128xf32, #tpu.memory_space<vmem_shared>> -> memref<10000x128xf32, #tpu.memory_space<vmem_shared>>
        tpu.enqueue_indirect_dma source(%arg10 : memref<80x128xf32, #tpu.memory_space<vmem>>) target(%dma_start3A_59 : memref<10000x128xf32, #tpu.memory_space<vmem_shared>>) offsets(%dma_start3A_56 : memref<80xi32, #tpu.memory_space<vmem>>) semaphore(%run_scoped3A_53 : memref<!tpu.dma_semaphore, #tpu.memory_space<semaphore_mem>>) {add = true}
        %dma_wait3A_60 = arith.constant 0 : i32
        %dma_wait3A_61 = tpu.memref_slice %arg8[%add3A_52, %dma_wait3A_60] : memref<125x80xi32, #tpu.memory_space<vmem>> -> memref<1x80xi32, #tpu.memory_space<vmem>>
        %dma_wait3A_62 = tpu.memref_squeeze %dma_wait3A_61 : memref<1x80xi32, #tpu.memory_space<vmem>> -> memref<80xi32, #tpu.memory_space<vmem>>
        %dma_wait3A_63 = arith.constant 0 : i32
        %dma_wait3A_64 = arith.constant 0 : i32
        %dma_wait3A_65 = tpu.memref_slice %arg11[%dma_wait3A_63, %dma_wait3A_64] : memref<10000x128xf32, #tpu.memory_space<vmem_shared>> -> memref<10000x128xf32, #tpu.memory_space<vmem_shared>>
        tpu.wait_indirect_dma semaphore(%run_scoped3A_53 : memref<!tpu.dma_semaphore, #tpu.memory_space<semaphore_mem>>) src(%arg10 : memref<80x128xf32, #tpu.memory_space<vmem>>) dst(%dma_wait3A_65 : memref<10000x128xf32, #tpu.memory_space<vmem_shared>>)
        tpu.yield
      }) : () -> ()
    }
    %scan3A_11 = arith.constant 62 : i32
    %dma_wait3A = arith.constant 9920 : i32
    %dma_wait3A_12 = tpu.memref_slice %arg7[%dma_wait3A] : memref<10000xi32, #tpu.memory_space<vmem>> -> memref<80xi32, #tpu.memory_space<vmem>>
    %dma_wait3A_13 = arith.constant 0 : i32
    %dma_wait3A_14 = arith.constant 0 : i32
    %dma_wait3A_15 = tpu.memref_slice %arg2[%dma_wait3A_13, %dma_wait3A_14] : memref<10000x128xf32, #tpu.memory_space<hbm>> -> memref<10000x128xf32, #tpu.memory_space<hbm>>
    tpu.wait_indirect_dma semaphore(%arg12 : memref<!tpu.dma_semaphore, #tpu.memory_space<semaphore_mem>>) src(%dma_wait3A_15 : memref<10000x128xf32, #tpu.memory_space<hbm>>) dst(%arg9 : memref<80x128xf32, #tpu.memory_space<vmem>>)
    %run_scoped3A = arith.constant 124 : i32
    "tpu.region"() ({
      %run_scoped3A_22 = tpu.sem_alloc : memref<!tpu.dma_semaphore, #tpu.memory_space<semaphore_mem>>
      %dma_start3A_23 = arith.constant 0 : i32
      %dma_start3A_24 = tpu.memref_slice %arg8[%run_scoped3A, %dma_start3A_23] : memref<125x80xi32, #tpu.memory_space<vmem>> -> memref<1x80xi32, #tpu.memory_space<vmem>>
      %dma_start3A_25 = tpu.memref_squeeze %dma_start3A_24 : memref<1x80xi32, #tpu.memory_space<vmem>> -> memref<80xi32, #tpu.memory_space<vmem>>
      %dma_start3A_26 = arith.constant 0 : i32
      %dma_start3A_27 = arith.constant 0 : i32
      %dma_start3A_28 = tpu.memref_slice %arg11[%dma_start3A_26, %dma_start3A_27] : memref<10000x128xf32, #tpu.memory_space<vmem_shared>> -> memref<10000x128xf32, #tpu.memory_space<vmem_shared>>
      tpu.enqueue_indirect_dma source(%arg9 : memref<80x128xf32, #tpu.memory_space<vmem>>) target(%dma_start3A_28 : memref<10000x128xf32, #tpu.memory_space<vmem_shared>>) offsets(%dma_start3A_25 : memref<80xi32, #tpu.memory_space<vmem>>) semaphore(%run_scoped3A_22 : memref<!tpu.dma_semaphore, #tpu.memory_space<semaphore_mem>>) {add = true}
      %dma_wait3A_29 = arith.constant 0 : i32
      %dma_wait3A_30 = tpu.memref_slice %arg8[%run_scoped3A, %dma_wait3A_29] : memref<125x80xi32, #tpu.memory_space<vmem>> -> memref<1x80xi32, #tpu.memory_space<vmem>>
      %dma_wait3A_31 = tpu.memref_squeeze %dma_wait3A_30 : memref<1x80xi32, #tpu.memory_space<vmem>> -> memref<80xi32, #tpu.memory_space<vmem>>
      %dma_wait3A_32 = arith.constant 0 : i32
      %dma_wait3A_33 = arith.constant 0 : i32
      %dma_wait3A_34 = tpu.memref_slice %arg11[%dma_wait3A_32, %dma_wait3A_33] : memref<10000x128xf32, #tpu.memory_space<vmem_shared>> -> memref<10000x128xf32, #tpu.memory_space<vmem_shared>>
      tpu.wait_indirect_dma semaphore(%run_scoped3A_22 : memref<!tpu.dma_semaphore, #tpu.memory_space<semaphore_mem>>) src(%arg9 : memref<80x128xf32, #tpu.memory_space<vmem>>) dst(%dma_wait3A_34 : memref<10000x128xf32, #tpu.memory_space<vmem_shared>>)
      tpu.yield
    }) : () -> ()
    %barrier3A_16 = arith.constant 0 : index
    tpu.barrier barrier_id(%barrier3A_16)
    %lt3A_17 = arith.constant 10 : i32
    %lt3A_18 = arith.cmpi slt, %arg1, %lt3A_17 : i32
    %convert_element_type3A_19 = arith.extui %lt3A_18 : i1 to i32
    %cond3A_20 = arith.constant 0 : i32
    %cond3A_21 = arith.cmpi ne, %convert_element_type3A_19, %cond3A_20 : i32
    scf.if %cond3A_21 {
      %mul3A_22 = arith.constant 1000 : i32
      %mul3A_23 = arith.muli %arg1, %mul3A_22 : i32
      %mul3A_24 = arith.constant 1000 : i32
      %mul3A_25 = arith.muli %arg1, %mul3A_24 : i32
      "tpu.region"() ({
        %run_scoped3A_26 = tpu.sem_alloc : memref<!tpu.dma_semaphore, #tpu.memory_space<semaphore_mem>>
        %dma_start3A_27 = arith.constant 0 : i32
        %dma_start3A_28 = tpu.memref_slice %arg6[%arg0, %mul3A_25, %dma_start3A_27] : memref<2x10000x128xf32, #tpu.memory_space<hbm>> -> memref<1x1000x128xf32, #tpu.memory_space<hbm>>
        %dma_start3A_29 = tpu.memref_squeeze %dma_start3A_28 : memref<1x1000x128xf32, #tpu.memory_space<hbm>> -> memref<1000x128xf32, #tpu.memory_space<hbm>>
        %dma_start3A_30 = arith.constant 0 : i32
        %dma_start3A_31 = tpu.memref_slice %arg11[%mul3A_23, %dma_start3A_30] : memref<10000x128xf32, #tpu.memory_space<vmem_shared>> -> memref<1000x128xf32, #tpu.memory_space<vmem_shared>>
        tpu.enqueue_dma source(%dma_start3A_31 : memref<1000x128xf32, #tpu.memory_space<vmem_shared>>) target(%dma_start3A_29 : memref<1000x128xf32, #tpu.memory_space<hbm>>) target_semaphore(%run_scoped3A_26 : memref<!tpu.dma_semaphore, #tpu.memory_space<semaphore_mem>>)
        %dma_wait3A_32 = arith.constant 0 : i32
        %dma_wait3A_33 = tpu.memref_slice %arg6[%arg0, %mul3A_25, %dma_wait3A_32] : memref<2x10000x128xf32, #tpu.memory_space<hbm>> -> memref<1x1000x128xf32, #tpu.memory_space<hbm>>
        %dma_wait3A_34 = tpu.memref_squeeze %dma_wait3A_33 : memref<1x1000x128xf32, #tpu.memory_space<hbm>> -> memref<1000x128xf32, #tpu.memory_space<hbm>>
        %dma_wait3A_35 = arith.constant 0 : i32
        %dma_wait3A_36 = tpu.memref_slice %arg11[%mul3A_23, %dma_wait3A_35] : memref<10000x128xf32, #tpu.memory_space<vmem_shared>> -> memref<1000x128xf32, #tpu.memory_space<vmem_shared>>
        tpu.wait_dma2 semaphore(%run_scoped3A_26 : memref<!tpu.dma_semaphore, #tpu.memory_space<semaphore_mem>>) src(%dma_wait3A_36 : memref<1000x128xf32, #tpu.memory_space<vmem_shared>>) dst(%dma_wait3A_34 : memref<1000x128xf32, #tpu.memory_space<hbm>>)
        tpu.yield
      }) : () -> ()
    } else {
    }
    return
  }
}

#map = affine_map<(d0, d1) -> (0, 0)>
#map1 = affine_map<(d0, d1) -> (0, 0, 0)>
module attributes {stable_mosaic.version = 14 : i64} {
  func.func @sc_spmm(%arg0: i32, %arg1: i32, %arg2: memref<10000x128xf32, #tpu.memory_space<hbm>>, %arg3: memref<32x10000xi32, #tpu.memory_space<hbm>>, %arg4: memref<32x125x80xi32, #tpu.memory_space<hbm>>, %arg5: memref<10000x128xf32, #tpu.memory_space<hbm>>, %arg6: memref<2x10000x128xf32, #tpu.memory_space<hbm>>, %arg7: memref<10000xi32, #tpu.memory_space<vmem>>, %arg8: memref<125x80xi32, #tpu.memory_space<vmem>>, %arg9: memref<80x128xf32, #tpu.memory_space<vmem>>, %arg10: memref<80x128xf32, #tpu.memory_space<vmem>>, %arg11: memref<10000x128xf32, #tpu.memory_space<vmem_shared>>, %arg12: memref<!tpu.dma_semaphore, #tpu.memory_space<semaphore_mem>>, %arg13: memref<!tpu.dma_semaphore, #tpu.memory_space<semaphore_mem>>) attributes {dimension_semantics = [#tpu.dimension_semantics<core_parallel>, #tpu.dimension_semantics<subcore_parallel>], iteration_bounds = array<i64: 2, 16>, scalar_prefetch = 0 : i64, scratch_operands = 7 : i64, tpu.core_type = #tpu.core_type<sc_vector_subcore>, window_params = [{transform_indices = #map}, {transform_indices = #map}, {transform_indices = #map1}, {transform_indices = #map}, {transform_indices = #map1}]} {
    %mul3A = arith.constant 2 : i32
    %mul3A_0 = arith.muli %arg1, %mul3A : i32
    %add3A = arith.addi %mul3A_0, %arg0 : i32
    "tpu.region"() ({
      %run_scoped3A_22 = tpu.sem_alloc : memref<!tpu.dma_semaphore, #tpu.memory_space<semaphore_mem>>
      %dma_start3A_23 = arith.constant 0 : i32
      %dma_start3A_24 = tpu.memref_slice %arg3[%add3A, %dma_start3A_23] : memref<32x10000xi32, #tpu.memory_space<hbm>> -> memref<1x10000xi32, #tpu.memory_space<hbm>>
      %dma_start3A_25 = tpu.memref_squeeze %dma_start3A_24 : memref<1x10000xi32, #tpu.memory_space<hbm>> -> memref<10000xi32, #tpu.memory_space<hbm>>
      %dma_start3A_26 = arith.constant 0 : i32
      %dma_start3A_27 = tpu.memref_slice %arg3[%add3A, %dma_start3A_26] : memref<32x10000xi32, #tpu.memory_space<hbm>> -> memref<1x10000xi32, #tpu.memory_space<hbm>>
      %dma_start3A_28 = tpu.memref_squeeze %dma_start3A_27 : memref<1x10000xi32, #tpu.memory_space<hbm>> -> memref<10000xi32, #tpu.memory_space<hbm>>
      tpu.enqueue_dma source(%dma_start3A_28 : memref<10000xi32, #tpu.memory_space<hbm>>) target(%arg7 : memref<10000xi32, #tpu.memory_space<vmem>>) target_semaphore(%run_scoped3A_22 : memref<!tpu.dma_semaphore, #tpu.memory_space<semaphore_mem>>)
      %dma_wait3A_29 = arith.constant 0 : i32
      %dma_wait3A_30 = tpu.memref_slice %arg3[%add3A, %dma_wait3A_29] : memref<32x10000xi32, #tpu.memory_space<hbm>> -> memref<1x10000xi32, #tpu.memory_space<hbm>>
      %dma_wait3A_31 = tpu.memref_squeeze %dma_wait3A_30 : memref<1x10000xi32, #tpu.memory_space<hbm>> -> memref<10000xi32, #tpu.memory_space<hbm>>
      %dma_wait3A_32 = arith.constant 0 : i32
      %dma_wait3A_33 = tpu.memref_slice %arg3[%add3A, %dma_wait3A_32] : memref<32x10000xi32, #tpu.memory_space<hbm>> -> memref<1x10000xi32, #tpu.memory_space<hbm>>
      %dma_wait3A_34 = tpu.memref_squeeze %dma_wait3A_33 : memref<1x10000xi32, #tpu.memory_space<hbm>> -> memref<10000xi32, #tpu.memory_space<hbm>>
      tpu.wait_dma2 semaphore(%run_scoped3A_22 : memref<!tpu.dma_semaphore, #tpu.memory_space<semaphore_mem>>) src(%dma_wait3A_34 : memref<10000xi32, #tpu.memory_space<hbm>>) dst(%arg7 : memref<10000xi32, #tpu.memory_space<vmem>>)
      tpu.yield
    }) : () -> ()
    "tpu.region"() ({
      %run_scoped3A_22 = tpu.sem_alloc : memref<!tpu.dma_semaphore, #tpu.memory_space<semaphore_mem>>
      %dma_start3A_23 = arith.constant 0 : i32
      %dma_start3A_24 = arith.constant 0 : i32
      %dma_start3A_25 = tpu.memref_slice %arg4[%add3A, %dma_start3A_23, %dma_start3A_24] : memref<32x125x80xi32, #tpu.memory_space<hbm>> -> memref<1x125x80xi32, #tpu.memory_space<hbm>>
      %dma_start3A_26 = tpu.memref_squeeze %dma_start3A_25 : memref<1x125x80xi32, #tpu.memory_space<hbm>> -> memref<125x80xi32, #tpu.memory_space<hbm>>
      %dma_start3A_27 = arith.constant 0 : i32
      %dma_start3A_28 = arith.constant 0 : i32
      %dma_start3A_29 = tpu.memref_slice %arg4[%add3A, %dma_start3A_27, %dma_start3A_28] : memref<32x125x80xi32, #tpu.memory_space<hbm>> -> memref<1x125x80xi32, #tpu.memory_space<hbm>>
      %dma_start3A_30 = tpu.memref_squeeze %dma_start3A_29 : memref<1x125x80xi32, #tpu.memory_space<hbm>> -> memref<125x80xi32, #tpu.memory_space<hbm>>
      tpu.enqueue_dma source(%dma_start3A_30 : memref<125x80xi32, #tpu.memory_space<hbm>>) target(%arg8 : memref<125x80xi32, #tpu.memory_space<vmem>>) target_semaphore(%run_scoped3A_22 : memref<!tpu.dma_semaphore, #tpu.memory_space<semaphore_mem>>)
      %dma_wait3A_31 = arith.constant 0 : i32
      %dma_wait3A_32 = arith.constant 0 : i32
      %dma_wait3A_33 = tpu.memref_slice %arg4[%add3A, %dma_wait3A_31, %dma_wait3A_32] : memref<32x125x80xi32, #tpu.memory_space<hbm>> -> memref<1x125x80xi32, #tpu.memory_space<hbm>>
      %dma_wait3A_34 = tpu.memref_squeeze %dma_wait3A_33 : memref<1x125x80xi32, #tpu.memory_space<hbm>> -> memref<125x80xi32, #tpu.memory_space<hbm>>
      %dma_wait3A_35 = arith.constant 0 : i32
      %dma_wait3A_36 = arith.constant 0 : i32
      %dma_wait3A_37 = tpu.memref_slice %arg4[%add3A, %dma_wait3A_35, %dma_wait3A_36] : memref<32x125x80xi32, #tpu.memory_space<hbm>> -> memref<1x125x80xi32, #tpu.memory_space<hbm>>
      %dma_wait3A_38 = tpu.memref_squeeze %dma_wait3A_37 : memref<1x125x80xi32, #tpu.memory_space<hbm>> -> memref<125x80xi32, #tpu.memory_space<hbm>>
      tpu.wait_dma2 semaphore(%run_scoped3A_22 : memref<!tpu.dma_semaphore, #tpu.memory_space<semaphore_mem>>) src(%dma_wait3A_38 : memref<125x80xi32, #tpu.memory_space<hbm>>) dst(%arg8 : memref<125x80xi32, #tpu.memory_space<vmem>>)
      tpu.yield
    }) : () -> ()
    %lt3A = arith.constant 10 : i32
    %lt3A_1 = arith.cmpi slt, %arg1, %lt3A : i32
    %convert_element_type3A = arith.extui %lt3A_1 : i1 to i32
    %cond3A = arith.constant 0 : i32
    %cond3A_2 = arith.cmpi ne, %convert_element_type3A, %cond3A : i32
    scf.if %cond3A_2 {
      %mul3A_22 = arith.constant 1000 : i32
      %mul3A_23 = arith.muli %arg1, %mul3A_22 : i32
      %mul3A_24 = arith.constant 1000 : i32
      %mul3A_25 = arith.muli %arg1, %mul3A_24 : i32
      "tpu.region"() ({
        %run_scoped3A_26 = tpu.sem_alloc : memref<!tpu.dma_semaphore, #tpu.memory_space<semaphore_mem>>
        %dma_start3A_27 = arith.constant 0 : i32
        %dma_start3A_28 = tpu.memref_slice %arg11[%mul3A_25, %dma_start3A_27] : memref<10000x128xf32, #tpu.memory_space<vmem_shared>> -> memref<1000x128xf32, #tpu.memory_space<vmem_shared>>
        %dma_start3A_29 = arith.constant 0 : i32
        %dma_start3A_30 = tpu.memref_slice %arg5[%mul3A_23, %dma_start3A_29] : memref<10000x128xf32, #tpu.memory_space<hbm>> -> memref<1000x128xf32, #tpu.memory_space<hbm>>
        tpu.enqueue_dma source(%dma_start3A_30 : memref<1000x128xf32, #tpu.memory_space<hbm>>) target(%dma_start3A_28 : memref<1000x128xf32, #tpu.memory_space<vmem_shared>>) target_semaphore(%run_scoped3A_26 : memref<!tpu.dma_semaphore, #tpu.memory_space<semaphore_mem>>)
        %dma_wait3A_31 = arith.constant 0 : i32
        %dma_wait3A_32 = tpu.memref_slice %arg11[%mul3A_25, %dma_wait3A_31] : memref<10000x128xf32, #tpu.memory_space<vmem_shared>> -> memref<1000x128xf32, #tpu.memory_space<vmem_shared>>
        %dma_wait3A_33 = arith.constant 0 : i32
        %dma_wait3A_34 = tpu.memref_slice %arg5[%mul3A_23, %dma_wait3A_33] : memref<10000x128xf32, #tpu.memory_space<hbm>> -> memref<1000x128xf32, #tpu.memory_space<hbm>>
        tpu.wait_dma2 semaphore(%run_scoped3A_26 : memref<!tpu.dma_semaphore, #tpu.memory_space<semaphore_mem>>) src(%dma_wait3A_34 : memref<1000x128xf32, #tpu.memory_space<hbm>>) dst(%dma_wait3A_32 : memref<1000x128xf32, #tpu.memory_space<vmem_shared>>)
        tpu.yield
      }) : () -> ()
    } else {
    }
    %barrier3A = arith.constant 0 : index
    tpu.barrier barrier_id(%barrier3A)
    %dma_start3A = arith.constant 0 : i32
    %dma_start3A_3 = tpu.memref_slice %arg7[%dma_start3A] : memref<10000xi32, #tpu.memory_space<vmem>> -> memref<80xi32, #tpu.memory_space<vmem>>
    %dma_start3A_4 = arith.constant 0 : i32
    %dma_start3A_5 = arith.constant 0 : i32
    %dma_start3A_6 = tpu.memref_slice %arg2[%dma_start3A_4, %dma_start3A_5] : memref<10000x128xf32, #tpu.memory_space<hbm>> -> memref<10000x128xf32, #tpu.memory_space<hbm>>
    tpu.enqueue_indirect_dma source(%dma_start3A_6 : memref<10000x128xf32, #tpu.memory_space<hbm>>) target(%arg9 : memref<80x128xf32, #tpu.memory_space<vmem>>) offsets(%dma_start3A_3 : memref<80xi32, #tpu.memory_space<vmem>>) semaphore(%arg12 : memref<!tpu.dma_semaphore, #tpu.memory_space<semaphore_mem>>)
    %scan3A = arith.constant 0 : i32
    %scan3A_7 = arith.constant 0 : i32
    %scan3A_8 = arith.constant 62 : i32
    %scan3A_9 = arith.addi %scan3A_7, %scan3A_8 : i32
    %scan3A_10 = arith.constant 1 : i32
    scf.for %scan3A_22 = %scan3A_7 to %scan3A_9 step %scan3A_10  : i32 {
      %mul3A_23 = arith.constant 2 : i32
      %mul3A_24 = arith.muli %mul3A_23, %scan3A_22 : i32
      %add3A_25 = arith.constant 1 : i32
      %add3A_26 = arith.addi %mul3A_24, %add3A_25 : i32
      %mul3A_27 = arith.constant 80 : i32
      %mul3A_28 = arith.muli %add3A_26, %mul3A_27 : i32
      %dma_start3A_29 = tpu.memref_slice %arg7[%mul3A_28] : memref<10000xi32, #tpu.memory_space<vmem>> -> memref<80xi32, #tpu.memory_space<vmem>>
      %dma_start3A_30 = arith.constant 0 : i32
      %dma_start3A_31 = arith.constant 0 : i32
      %dma_start3A_32 = tpu.memref_slice %arg2[%dma_start3A_30, %dma_start3A_31] : memref<10000x128xf32, #tpu.memory_space<hbm>> -> memref<10000x128xf32, #tpu.memory_space<hbm>>
      tpu.enqueue_indirect_dma source(%dma_start3A_32 : memref<10000x128xf32, #tpu.memory_space<hbm>>) target(%arg10 : memref<80x128xf32, #tpu.memory_space<vmem>>) offsets(%dma_start3A_29 : memref<80xi32, #tpu.memory_space<vmem>>) semaphore(%arg13 : memref<!tpu.dma_semaphore, #tpu.memory_space<semaphore_mem>>)
      %mul3A_33 = arith.constant 80 : i32
      %mul3A_34 = arith.muli %mul3A_24, %mul3A_33 : i32
      %dma_wait3A_35 = tpu.memref_slice %arg7[%mul3A_34] : memref<10000xi32, #tpu.memory_space<vmem>> -> memref<80xi32, #tpu.memory_space<vmem>>
      %dma_wait3A_36 = arith.constant 0 : i32
      %dma_wait3A_37 = arith.constant 0 : i32
      %dma_wait3A_38 = tpu.memref_slice %arg2[%dma_wait3A_36, %dma_wait3A_37] : memref<10000x128xf32, #tpu.memory_space<hbm>> -> memref<10000x128xf32, #tpu.memory_space<hbm>>
      tpu.wait_indirect_dma semaphore(%arg12 : memref<!tpu.dma_semaphore, #tpu.memory_space<semaphore_mem>>) src(%dma_wait3A_38 : memref<10000x128xf32, #tpu.memory_space<hbm>>) dst(%arg9 : memref<80x128xf32, #tpu.memory_space<vmem>>)
      "tpu.region"() ({
        %run_scoped3A_53 = tpu.sem_alloc : memref<!tpu.dma_semaphore, #tpu.memory_space<semaphore_mem>>
        %dma_start3A_54 = arith.constant 0 : i32
        %dma_start3A_55 = tpu.memref_slice %arg8[%mul3A_24, %dma_start3A_54] : memref<125x80xi32, #tpu.memory_space<vmem>> -> memref<1x80xi32, #tpu.memory_space<vmem>>
        %dma_start3A_56 = tpu.memref_squeeze %dma_start3A_55 : memref<1x80xi32, #tpu.memory_space<vmem>> -> memref<80xi32, #tpu.memory_space<vmem>>
        %dma_start3A_57 = arith.constant 0 : i32
        %dma_start3A_58 = arith.constant 0 : i32
        %dma_start3A_59 = tpu.memref_slice %arg11[%dma_start3A_57, %dma_start3A_58] : memref<10000x128xf32, #tpu.memory_space<vmem_shared>> -> memref<10000x128xf32, #tpu.memory_space<vmem_shared>>
        tpu.enqueue_indirect_dma source(%arg9 : memref<80x128xf32, #tpu.memory_space<vmem>>) target(%dma_start3A_59 : memref<10000x128xf32, #tpu.memory_space<vmem_shared>>) offsets(%dma_start3A_56 : memref<80xi32, #tpu.memory_space<vmem>>) semaphore(%run_scoped3A_53 : memref<!tpu.dma_semaphore, #tpu.memory_space<semaphore_mem>>) {add = true}
        %dma_wait3A_60 = arith.constant 0 : i32
        %dma_wait3A_61 = tpu.memref_slice %arg8[%mul3A_24, %dma_wait3A_60] : memref<125x80xi32, #tpu.memory_space<vmem>> -> memref<1x80xi32, #tpu.memory_space<vmem>>
        %dma_wait3A_62 = tpu.memref_squeeze %dma_wait3A_61 : memref<1x80xi32, #tpu.memory_space<vmem>> -> memref<80xi32, #tpu.memory_space<vmem>>
        %dma_wait3A_63 = arith.constant 0 : i32
        %dma_wait3A_64 = arith.constant 0 : i32
        %dma_wait3A_65 = tpu.memref_slice %arg11[%dma_wait3A_63, %dma_wait3A_64] : memref<10000x128xf32, #tpu.memory_space<vmem_shared>> -> memref<10000x128xf32, #tpu.memory_space<vmem_shared>>
        tpu.wait_indirect_dma semaphore(%run_scoped3A_53 : memref<!tpu.dma_semaphore, #tpu.memory_space<semaphore_mem>>) src(%arg9 : memref<80x128xf32, #tpu.memory_space<vmem>>) dst(%dma_wait3A_65 : memref<10000x128xf32, #tpu.memory_space<vmem_shared>>)
        tpu.yield
      }) : () -> ()
      %add3A_39 = arith.constant 2 : i32
      %add3A_40 = arith.addi %mul3A_24, %add3A_39 : i32
      %mul3A_41 = arith.constant 80 : i32
      %mul3A_42 = arith.muli %add3A_40, %mul3A_41 : i32
      %dma_start3A_43 = tpu.memref_slice %arg7[%mul3A_42] : memref<10000xi32, #tpu.memory_space<vmem>> -> memref<80xi32, #tpu.memory_space<vmem>>
      %dma_start3A_44 = arith.constant 0 : i32
      %dma_start3A_45 = arith.constant 0 : i32
      %dma_start3A_46 = tpu.memref_slice %arg2[%dma_start3A_44, %dma_start3A_45] : memref<10000x128xf32, #tpu.memory_space<hbm>> -> memref<10000x128xf32, #tpu.memory_space<hbm>>
      tpu.enqueue_indirect_dma source(%dma_start3A_46 : memref<10000x128xf32, #tpu.memory_space<hbm>>) target(%arg9 : memref<80x128xf32, #tpu.memory_space<vmem>>) offsets(%dma_start3A_43 : memref<80xi32, #tpu.memory_space<vmem>>) semaphore(%arg12 : memref<!tpu.dma_semaphore, #tpu.memory_space<semaphore_mem>>)
      %dma_wait3A_47 = tpu.memref_slice %arg7[%mul3A_28] : memref<10000xi32, #tpu.memory_space<vmem>> -> memref<80xi32, #tpu.memory_space<vmem>>
      %dma_wait3A_48 = arith.constant 0 : i32
      %dma_wait3A_49 = arith.constant 0 : i32
      %dma_wait3A_50 = tpu.memref_slice %arg2[%dma_wait3A_48, %dma_wait3A_49] : memref<10000x128xf32, #tpu.memory_space<hbm>> -> memref<10000x128xf32, #tpu.memory_space<hbm>>
      tpu.wait_indirect_dma semaphore(%arg13 : memref<!tpu.dma_semaphore, #tpu.memory_space<semaphore_mem>>) src(%dma_wait3A_50 : memref<10000x128xf32, #tpu.memory_space<hbm>>) dst(%arg10 : memref<80x128xf32, #tpu.memory_space<vmem>>)
      %add3A_51 = arith.constant 1 : i32
      %add3A_52 = arith.addi %mul3A_24, %add3A_51 : i32
      "tpu.region"() ({
        %run_scoped3A_53 = tpu.sem_alloc : memref<!tpu.dma_semaphore, #tpu.memory_space<semaphore_mem>>
        %dma_start3A_54 = arith.constant 0 : i32
        %dma_start3A_55 = tpu.memref_slice %arg8[%add3A_52, %dma_start3A_54] : memref<125x80xi32, #tpu.memory_space<vmem>> -> memref<1x80xi32, #tpu.memory_space<vmem>>
        %dma_start3A_56 = tpu.memref_squeeze %dma_start3A_55 : memref<1x80xi32, #tpu.memory_space<vmem>> -> memref<80xi32, #tpu.memory_space<vmem>>
        %dma_start3A_57 = arith.constant 0 : i32
        %dma_start3A_58 = arith.constant 0 : i32
        %dma_start3A_59 = tpu.memref_slice %arg11[%dma_start3A_57, %dma_start3A_58] : memref<10000x128xf32, #tpu.memory_space<vmem_shared>> -> memref<10000x128xf32, #tpu.memory_space<vmem_shared>>
        tpu.enqueue_indirect_dma source(%arg10 : memref<80x128xf32, #tpu.memory_space<vmem>>) target(%dma_start3A_59 : memref<10000x128xf32, #tpu.memory_space<vmem_shared>>) offsets(%dma_start3A_56 : memref<80xi32, #tpu.memory_space<vmem>>) semaphore(%run_scoped3A_53 : memref<!tpu.dma_semaphore, #tpu.memory_space<semaphore_mem>>) {add = true}
        %dma_wait3A_60 = arith.constant 0 : i32
        %dma_wait3A_61 = tpu.memref_slice %arg8[%add3A_52, %dma_wait3A_60] : memref<125x80xi32, #tpu.memory_space<vmem>> -> memref<1x80xi32, #tpu.memory_space<vmem>>
        %dma_wait3A_62 = tpu.memref_squeeze %dma_wait3A_61 : memref<1x80xi32, #tpu.memory_space<vmem>> -> memref<80xi32, #tpu.memory_space<vmem>>
        %dma_wait3A_63 = arith.constant 0 : i32
        %dma_wait3A_64 = arith.constant 0 : i32
        %dma_wait3A_65 = tpu.memref_slice %arg11[%dma_wait3A_63, %dma_wait3A_64] : memref<10000x128xf32, #tpu.memory_space<vmem_shared>> -> memref<10000x128xf32, #tpu.memory_space<vmem_shared>>
        tpu.wait_indirect_dma semaphore(%run_scoped3A_53 : memref<!tpu.dma_semaphore, #tpu.memory_space<semaphore_mem>>) src(%arg10 : memref<80x128xf32, #tpu.memory_space<vmem>>) dst(%dma_wait3A_65 : memref<10000x128xf32, #tpu.memory_space<vmem_shared>>)
        tpu.yield
      }) : () -> ()
    }
    %scan3A_11 = arith.constant 62 : i32
    %dma_wait3A = arith.constant 9920 : i32
    %dma_wait3A_12 = tpu.memref_slice %arg7[%dma_wait3A] : memref<10000xi32, #tpu.memory_space<vmem>> -> memref<80xi32, #tpu.memory_space<vmem>>
    %dma_wait3A_13 = arith.constant 0 : i32
    %dma_wait3A_14 = arith.constant 0 : i32
    %dma_wait3A_15 = tpu.memref_slice %arg2[%dma_wait3A_13, %dma_wait3A_14] : memref<10000x128xf32, #tpu.memory_space<hbm>> -> memref<10000x128xf32, #tpu.memory_space<hbm>>
    tpu.wait_indirect_dma semaphore(%arg12 : memref<!tpu.dma_semaphore, #tpu.memory_space<semaphore_mem>>) src(%dma_wait3A_15 : memref<10000x128xf32, #tpu.memory_space<hbm>>) dst(%arg9 : memref<80x128xf32, #tpu.memory_space<vmem>>)
    %run_scoped3A = arith.constant 124 : i32
    "tpu.region"() ({
      %run_scoped3A_22 = tpu.sem_alloc : memref<!tpu.dma_semaphore, #tpu.memory_space<semaphore_mem>>
      %dma_start3A_23 = arith.constant 0 : i32
      %dma_start3A_24 = tpu.memref_slice %arg8[%run_scoped3A, %dma_start3A_23] : memref<125x80xi32, #tpu.memory_space<vmem>> -> memref<1x80xi32, #tpu.memory_space<vmem>>
      %dma_start3A_25 = tpu.memref_squeeze %dma_start3A_24 : memref<1x80xi32, #tpu.memory_space<vmem>> -> memref<80xi32, #tpu.memory_space<vmem>>
      %dma_start3A_26 = arith.constant 0 : i32
      %dma_start3A_27 = arith.constant 0 : i32
      %dma_start3A_28 = tpu.memref_slice %arg11[%dma_start3A_26, %dma_start3A_27] : memref<10000x128xf32, #tpu.memory_space<vmem_shared>> -> memref<10000x128xf32, #tpu.memory_space<vmem_shared>>
      tpu.enqueue_indirect_dma source(%arg9 : memref<80x128xf32, #tpu.memory_space<vmem>>) target(%dma_start3A_28 : memref<10000x128xf32, #tpu.memory_space<vmem_shared>>) offsets(%dma_start3A_25 : memref<80xi32, #tpu.memory_space<vmem>>) semaphore(%run_scoped3A_22 : memref<!tpu.dma_semaphore, #tpu.memory_space<semaphore_mem>>) {add = true}
      %dma_wait3A_29 = arith.constant 0 : i32
      %dma_wait3A_30 = tpu.memref_slice %arg8[%run_scoped3A, %dma_wait3A_29] : memref<125x80xi32, #tpu.memory_space<vmem>> -> memref<1x80xi32, #tpu.memory_space<vmem>>
      %dma_wait3A_31 = tpu.memref_squeeze %dma_wait3A_30 : memref<1x80xi32, #tpu.memory_space<vmem>> -> memref<80xi32, #tpu.memory_space<vmem>>
      %dma_wait3A_32 = arith.constant 0 : i32
      %dma_wait3A_33 = arith.constant 0 : i32
      %dma_wait3A_34 = tpu.memref_slice %arg11[%dma_wait3A_32, %dma_wait3A_33] : memref<10000x128xf32, #tpu.memory_space<vmem_shared>> -> memref<10000x128xf32, #tpu.memory_space<vmem_shared>>
      tpu.wait_indirect_dma semaphore(%run_scoped3A_22 : memref<!tpu.dma_semaphore, #tpu.memory_space<semaphore_mem>>) src(%arg9 : memref<80x128xf32, #tpu.memory_space<vmem>>) dst(%dma_wait3A_34 : memref<10000x128xf32, #tpu.memory_space<vmem_shared>>)
      tpu.yield
    }) : () -> ()
    %barrier3A_16 = arith.constant 0 : index
    tpu.barrier barrier_id(%barrier3A_16)
    %lt3A_17 = arith.constant 10 : i32
    %lt3A_18 = arith.cmpi slt, %arg1, %lt3A_17 : i32
    %convert_element_type3A_19 = arith.extui %lt3A_18 : i1 to i32
    %cond3A_20 = arith.constant 0 : i32
    %cond3A_21 = arith.cmpi ne, %convert_element_type3A_19, %cond3A_20 : i32
    scf.if %cond3A_21 {
      %mul3A_22 = arith.constant 1000 : i32
      %mul3A_23 = arith.muli %arg1, %mul3A_22 : i32
      %mul3A_24 = arith.constant 1000 : i32
      %mul3A_25 = arith.muli %arg1, %mul3A_24 : i32
      "tpu.region"() ({
        %run_scoped3A_26 = tpu.sem_alloc : memref<!tpu.dma_semaphore, #tpu.memory_space<semaphore_mem>>
        %dma_start3A_27 = arith.constant 0 : i32
        %dma_start3A_28 = tpu.memref_slice %arg6[%arg0, %mul3A_25, %dma_start3A_27] : memref<2x10000x128xf32, #tpu.memory_space<hbm>> -> memref<1x1000x128xf32, #tpu.memory_space<hbm>>
        %dma_start3A_29 = tpu.memref_squeeze %dma_start3A_28 : memref<1x1000x128xf32, #tpu.memory_space<hbm>> -> memref<1000x128xf32, #tpu.memory_space<hbm>>
        %dma_start3A_30 = arith.constant 0 : i32
        %dma_start3A_31 = tpu.memref_slice %arg11[%mul3A_23, %dma_start3A_30] : memref<10000x128xf32, #tpu.memory_space<vmem_shared>> -> memref<1000x128xf32, #tpu.memory_space<vmem_shared>>
        tpu.enqueue_dma source(%dma_start3A_31 : memref<1000x128xf32, #tpu.memory_space<vmem_shared>>) target(%dma_start3A_29 : memref<1000x128xf32, #tpu.memory_space<hbm>>) target_semaphore(%run_scoped3A_26 : memref<!tpu.dma_semaphore, #tpu.memory_space<semaphore_mem>>)
        %dma_wait3A_32 = arith.constant 0 : i32
        %dma_wait3A_33 = tpu.memref_slice %arg6[%arg0, %mul3A_25, %dma_wait3A_32] : memref<2x10000x128xf32, #tpu.memory_space<hbm>> -> memref<1x1000x128xf32, #tpu.memory_space<hbm>>
        %dma_wait3A_34 = tpu.memref_squeeze %dma_wait3A_33 : memref<1x1000x128xf32, #tpu.memory_space<hbm>> -> memref<1000x128xf32, #tpu.memory_space<hbm>>
        %dma_wait3A_35 = arith.constant 0 : i32
        %dma_wait3A_36 = tpu.memref_slice %arg11[%mul3A_23, %dma_wait3A_35] : memref<10000x128xf32, #tpu.memory_space<vmem_shared>> -> memref<1000x128xf32, #tpu.memory_space<vmem_shared>>
        tpu.wait_dma2 semaphore(%run_scoped3A_26 : memref<!tpu.dma_semaphore, #tpu.memory_space<semaphore_mem>>) src(%dma_wait3A_36 : memref<1000x128xf32, #tpu.memory_space<vmem_shared>>) dst(%dma_wait3A_34 : memref<1000x128xf32, #tpu.memory_space<hbm>>)
        tpu.yield
      }) : () -> ()
    } else {
    }
    return
  }
}

module attributes {stable_mosaic.version = 14 : i64} {
  func.func @body(%arg0: i32, %arg1: memref<1000x128xf32, #tpu.memory_space<vmem>>, %arg2: memref<128x128xf32, #tpu.memory_space<vmem>>, %arg3: memref<1000x2xf32, #tpu.memory_space<vmem>>, %arg4: memref<1000x1xf32, #tpu.memory_space<vmem>>, %arg5: memref<1000x128xf32, #tpu.memory_space<vmem>>) attributes {dimension_semantics = [#tpu.dimension_semantics<arbitrary>], iteration_bounds = array<i64: 10>, scalar_prefetch = 0 : i64, scratch_operands = 0 : i64, tpu.core_type = #tpu.core_type<tc>, window_params = [{transform_indices = @transform_0, window_bounds = array<i64: 1000, 128>}, {pipeline_mode = #tpu.pipeline_mode<synchronous>, transform_indices = @transform_1, window_bounds = array<i64: 128, 128>}, {transform_indices = @transform_2, window_bounds = array<i64: 1000, 2>}, {transform_indices = @transform_3, window_bounds = array<i64: 1000, 1>}, {transform_indices = @transform_4, window_bounds = array<i64: 1000, 128>}]} {
    %get3A = arith.constant 0 : index
    %get3A_0 = arith.constant 0 : index
    %get3A_1 = vector.load %arg3[%get3A, %get3A_0] : memref<1000x2xf32, #tpu.memory_space<vmem>>, vector<1000x1xf32>
    %get3A_2 = arith.constant 0 : index
    %get3A_3 = arith.constant 1 : index
    %get3A_4 = vector.load %arg3[%get3A_2, %get3A_3] : memref<1000x2xf32, #tpu.memory_space<vmem>>, vector<1000x1xf32>
    %add3A = arith.addf %get3A_1, %get3A_4 : vector<1000x1xf32>
    %add3A_5 = arith.constant 1.000000e+00 : f32
    %add3A_6 = vector.broadcast %add3A_5 : f32 to vector<1000x1xf32>
    %add3A_7 = arith.addf %add3A, %add3A_6 : vector<1000x1xf32>
    %rsqrt3A = math.rsqrt %add3A_7 : vector<1000x1xf32>
    %swap3A = arith.constant 0 : index
    %swap3A_8 = arith.constant 0 : index
    %swap3A_9 = vector.load %arg4[%swap3A, %swap3A_8] : memref<1000x1xf32, #tpu.memory_space<vmem>>, vector<1000x1xf32>
    tpu.vector_store %arg4[%swap3A, %swap3A_8], %rsqrt3A {strides = array<i32>} : memref<1000x1xf32, #tpu.memory_space<vmem>>, vector<1000x1xf32>,
    %get3A_10 = arith.constant 0 : index
    %get3A_11 = arith.constant 0 : index
    %get3A_12 = vector.load %arg1[%get3A_10, %get3A_11] : memref<1000x128xf32, #tpu.memory_space<vmem>>, vector<1000x128xf32>
    %get3A_13 = arith.constant 0 : index
    %get3A_14 = arith.constant 0 : index
    %get3A_15 = vector.load %arg2[%get3A_13, %get3A_14] : memref<128x128xf32, #tpu.memory_space<vmem>>, vector<128x128xf32>
    %dot_general3A = arith.constant dense<0.000000e+00> : vector<1000x128xf32>
    %dot_general3A_16 = tpu.matmul %get3A_12, %get3A_15, %dot_general3A {dimension_numbers = #tpu.dot_dimension_numbers<[1], [0], [0], [1], [0, 0, 1, 1], [], []>, transpose_lhs_hint = false} : vector<1000x128xf32>, vector<128x128xf32>, vector<1000x128xf32> -> vector<1000x128xf32>
    %mul3A = vector.broadcast %rsqrt3A : vector<1000x1xf32> to vector<1000x128xf32>
    %mul3A_17 = arith.mulf %dot_general3A_16, %mul3A : vector<1000x128xf32>
    %swap3A_18 = arith.constant 0 : index
    %swap3A_19 = arith.constant 0 : index
    %swap3A_20 = vector.load %arg5[%swap3A_18, %swap3A_19] : memref<1000x128xf32, #tpu.memory_space<vmem>>, vector<1000x128xf32>
    tpu.vector_store %arg5[%swap3A_18, %swap3A_19], %mul3A_17 {strides = array<i32>} : memref<1000x128xf32, #tpu.memory_space<vmem>>, vector<1000x128xf32>,
    return
  }
  func.func @transform_0(%arg0: i32) -> (i32, i32) {
    %c0_i32 = arith.constant 0 : i32
    %c0_i32_0 = arith.constant 0 : i32
    return %arg0, %c0_i32 : i32, i32
  }
  func.func @transform_1(%arg0: i32) -> (i32, i32) {
    %c0_i32 = arith.constant 0 : i32
    %c0_i32_0 = arith.constant 0 : i32
    %c0_i32_1 = arith.constant 0 : i32
    return %c0_i32, %c0_i32_0 : i32, i32
  }
  func.func @transform_2(%arg0: i32) -> (i32, i32) {
    %c0_i32 = arith.constant 0 : i32
    %c0_i32_0 = arith.constant 0 : i32
    return %arg0, %c0_i32 : i32, i32
  }
  func.func @transform_3(%arg0: i32) -> (i32, i32) {
    %c0_i32 = arith.constant 0 : i32
    %c0_i32_0 = arith.constant 0 : i32
    return %arg0, %c0_i32 : i32, i32
  }
  func.func @transform_4(%arg0: i32) -> (i32, i32) {
    %c0_i32 = arith.constant 0 : i32
    %c0_i32_0 = arith.constant 0 : i32
    return %arg0, %c0_i32 : i32, i32
  }
}

module attributes {stable_mosaic.version = 14 : i64} {
  func.func @body(%arg0: i32, %arg1: memref<2x1000x128xf32, #tpu.memory_space<vmem>>, %arg2: memref<1000x128xf32, #tpu.memory_space<vmem>>, %arg3: memref<1000x1xf32, #tpu.memory_space<vmem>>, %arg4: memref<1x128xf32, #tpu.memory_space<vmem>>, %arg5: memref<128x128xf32, #tpu.memory_space<vmem>>, %arg6: memref<1000x128xf32, #tpu.memory_space<vmem>>) attributes {dimension_semantics = [#tpu.dimension_semantics<arbitrary>], iteration_bounds = array<i64: 10>, scalar_prefetch = 0 : i64, scratch_operands = 0 : i64, tpu.core_type = #tpu.core_type<tc>, window_params = [{transform_indices = @transform_0, window_bounds = array<i64: 2, 1000, 128>}, {transform_indices = @transform_1, window_bounds = array<i64: 1000, 128>}, {transform_indices = @transform_2, window_bounds = array<i64: 1000, 1>}, {pipeline_mode = #tpu.pipeline_mode<synchronous>, transform_indices = @transform_3, window_bounds = array<i64: 1, 128>}, {pipeline_mode = #tpu.pipeline_mode<synchronous>, transform_indices = @transform_4, window_bounds = array<i64: 128, 128>}, {transform_indices = @transform_5, window_bounds = array<i64: 1000, 128>}]} {
    %get3A = arith.constant 0 : index
    %get3A_0 = arith.constant 0 : index
    %get3A_1 = arith.constant 0 : index
    %get3A_2 = vector.load %arg1[%get3A, %get3A_0, %get3A_1] : memref<2x1000x128xf32, #tpu.memory_space<vmem>>, vector<1x1000x128xf32>
    %get3A_3 = vector.shape_cast %get3A_2 : vector<1x1000x128xf32> to vector<1000x128xf32>
    %get3A_4 = arith.constant 1 : index
    %get3A_5 = arith.constant 0 : index
    %get3A_6 = arith.constant 0 : index
    %get3A_7 = vector.load %arg1[%get3A_4, %get3A_5, %get3A_6] : memref<2x1000x128xf32, #tpu.memory_space<vmem>>, vector<1x1000x128xf32>
    %get3A_8 = vector.shape_cast %get3A_7 : vector<1x1000x128xf32> to vector<1000x128xf32>
    %add3A = arith.addf %get3A_3, %get3A_8 : vector<1000x128xf32>
    %get3A_9 = arith.constant 0 : index
    %get3A_10 = arith.constant 0 : index
    %get3A_11 = vector.load %arg2[%get3A_9, %get3A_10] : memref<1000x128xf32, #tpu.memory_space<vmem>>, vector<1000x128xf32>
    %add3A_12 = arith.addf %add3A, %get3A_11 : vector<1000x128xf32>
    %get3A_13 = arith.constant 0 : index
    %get3A_14 = arith.constant 0 : index
    %get3A_15 = vector.load %arg3[%get3A_13, %get3A_14] : memref<1000x1xf32, #tpu.memory_space<vmem>>, vector<1000x1xf32>
    %mul3A = vector.broadcast %get3A_15 : vector<1000x1xf32> to vector<1000x128xf32>
    %mul3A_16 = arith.mulf %mul3A, %add3A_12 : vector<1000x128xf32>
    %get3A_17 = arith.constant 0 : index
    %get3A_18 = arith.constant 0 : index
    %get3A_19 = vector.load %arg4[%get3A_17, %get3A_18] : memref<1x128xf32, #tpu.memory_space<vmem>>, vector<1x128xf32>
    %add3A_20 = vector.broadcast %get3A_19 : vector<1x128xf32> to vector<1000x128xf32>
    %add3A_21 = arith.addf %mul3A_16, %add3A_20 : vector<1000x128xf32>
    %max3A = arith.constant 0.000000e+00 : f32
    %max3A_22 = vector.broadcast %max3A : f32 to vector<1000x128xf32>
    %max3A_23 = arith.maximumf %add3A_21, %max3A_22 : vector<1000x128xf32>
    %get3A_24 = arith.constant 0 : index
    %get3A_25 = arith.constant 0 : index
    %get3A_26 = vector.load %arg5[%get3A_24, %get3A_25] : memref<128x128xf32, #tpu.memory_space<vmem>>, vector<128x128xf32>
    %dot_general3A = arith.constant dense<0.000000e+00> : vector<1000x128xf32>
    %dot_general3A_27 = tpu.matmul %max3A_23, %get3A_26, %dot_general3A {dimension_numbers = #tpu.dot_dimension_numbers<[1], [0], [0], [1], [0, 0, 1, 1], [], []>, transpose_lhs_hint = false} : vector<1000x128xf32>, vector<128x128xf32>, vector<1000x128xf32> -> vector<1000x128xf32>
    %get3A_28 = arith.constant 0 : index
    %get3A_29 = arith.constant 0 : index
    %get3A_30 = vector.load %arg3[%get3A_28, %get3A_29] : memref<1000x1xf32, #tpu.memory_space<vmem>>, vector<1000x1xf32>
    %mul3A_31 = vector.broadcast %get3A_30 : vector<1000x1xf32> to vector<1000x128xf32>
    %mul3A_32 = arith.mulf %dot_general3A_27, %mul3A_31 : vector<1000x128xf32>
    %swap3A = arith.constant 0 : index
    %swap3A_33 = arith.constant 0 : index
    %swap3A_34 = vector.load %arg6[%swap3A, %swap3A_33] : memref<1000x128xf32, #tpu.memory_space<vmem>>, vector<1000x128xf32>
    tpu.vector_store %arg6[%swap3A, %swap3A_33], %mul3A_32 {strides = array<i32>} : memref<1000x128xf32, #tpu.memory_space<vmem>>, vector<1000x128xf32>,
    return
  }
  func.func @transform_0(%arg0: i32) -> (i32, i32, i32) {
    %c0_i32 = arith.constant 0 : i32
    %c0_i32_0 = arith.constant 0 : i32
    %c0_i32_1 = arith.constant 0 : i32
    return %c0_i32, %arg0, %c0_i32_0 : i32, i32, i32
  }
  func.func @transform_1(%arg0: i32) -> (i32, i32) {
    %c0_i32 = arith.constant 0 : i32
    %c0_i32_0 = arith.constant 0 : i32
    return %arg0, %c0_i32 : i32, i32
  }
  func.func @transform_2(%arg0: i32) -> (i32, i32) {
    %c0_i32 = arith.constant 0 : i32
    %c0_i32_0 = arith.constant 0 : i32
    return %arg0, %c0_i32 : i32, i32
  }
  func.func @transform_3(%arg0: i32) -> (i32, i32) {
    %c0_i32 = arith.constant 0 : i32
    %c0_i32_0 = arith.constant 0 : i32
    %c0_i32_1 = arith.constant 0 : i32
    return %c0_i32, %c0_i32_0 : i32, i32
  }
  func.func @transform_4(%arg0: i32) -> (i32, i32) {
    %c0_i32 = arith.constant 0 : i32
    %c0_i32_0 = arith.constant 0 : i32
    %c0_i32_1 = arith.constant 0 : i32
    return %c0_i32, %c0_i32_0 : i32, i32
  }
  func.func @transform_5(%arg0: i32) -> (i32, i32) {
    %c0_i32 = arith.constant 0 : i32
    %c0_i32_0 = arith.constant 0 : i32
    return %arg0, %c0_i32 : i32, i32
  }
}

module attributes {stable_mosaic.version = 14 : i64} {
  func.func @body(%arg0: i32, %arg1: memref<2x1000x128xf32, #tpu.memory_space<vmem>>, %arg2: memref<1000x128xf32, #tpu.memory_space<vmem>>, %arg3: memref<1000x1xf32, #tpu.memory_space<vmem>>, %arg4: memref<1x128xf32, #tpu.memory_space<vmem>>, %arg5: memref<128x512xf32, #tpu.memory_space<vmem>>, %arg6: memref<1x512xf32, #tpu.memory_space<vmem>>, %arg7: memref<1000x512xf32, #tpu.memory_space<vmem>>) attributes {dimension_semantics = [#tpu.dimension_semantics<arbitrary>], iteration_bounds = array<i64: 10>, scalar_prefetch = 0 : i64, scratch_operands = 0 : i64, tpu.core_type = #tpu.core_type<tc>, window_params = [{transform_indices = @transform_0, window_bounds = array<i64: 2, 1000, 128>}, {transform_indices = @transform_1, window_bounds = array<i64: 1000, 128>}, {transform_indices = @transform_2, window_bounds = array<i64: 1000, 1>}, {pipeline_mode = #tpu.pipeline_mode<synchronous>, transform_indices = @transform_3, window_bounds = array<i64: 1, 128>}, {pipeline_mode = #tpu.pipeline_mode<synchronous>, transform_indices = @transform_4, window_bounds = array<i64: 128, 512>}, {pipeline_mode = #tpu.pipeline_mode<synchronous>, transform_indices = @transform_5, window_bounds = array<i64: 1, 512>}, {transform_indices = @transform_6, window_bounds = array<i64: 1000, 512>}]} {
    %get3A = arith.constant 0 : index
    %get3A_0 = arith.constant 0 : index
    %get3A_1 = arith.constant 0 : index
    %get3A_2 = vector.load %arg1[%get3A, %get3A_0, %get3A_1] : memref<2x1000x128xf32, #tpu.memory_space<vmem>>, vector<1x1000x128xf32>
    %get3A_3 = vector.shape_cast %get3A_2 : vector<1x1000x128xf32> to vector<1000x128xf32>
    %get3A_4 = arith.constant 1 : index
    %get3A_5 = arith.constant 0 : index
    %get3A_6 = arith.constant 0 : index
    %get3A_7 = vector.load %arg1[%get3A_4, %get3A_5, %get3A_6] : memref<2x1000x128xf32, #tpu.memory_space<vmem>>, vector<1x1000x128xf32>
    %get3A_8 = vector.shape_cast %get3A_7 : vector<1x1000x128xf32> to vector<1000x128xf32>
    %add3A = arith.addf %get3A_3, %get3A_8 : vector<1000x128xf32>
    %get3A_9 = arith.constant 0 : index
    %get3A_10 = arith.constant 0 : index
    %get3A_11 = vector.load %arg2[%get3A_9, %get3A_10] : memref<1000x128xf32, #tpu.memory_space<vmem>>, vector<1000x128xf32>
    %add3A_12 = arith.addf %add3A, %get3A_11 : vector<1000x128xf32>
    %get3A_13 = arith.constant 0 : index
    %get3A_14 = arith.constant 0 : index
    %get3A_15 = vector.load %arg3[%get3A_13, %get3A_14] : memref<1000x1xf32, #tpu.memory_space<vmem>>, vector<1000x1xf32>
    %mul3A = vector.broadcast %get3A_15 : vector<1000x1xf32> to vector<1000x128xf32>
    %mul3A_16 = arith.mulf %mul3A, %add3A_12 : vector<1000x128xf32>
    %get3A_17 = arith.constant 0 : index
    %get3A_18 = arith.constant 0 : index
    %get3A_19 = vector.load %arg4[%get3A_17, %get3A_18] : memref<1x128xf32, #tpu.memory_space<vmem>>, vector<1x128xf32>
    %add3A_20 = vector.broadcast %get3A_19 : vector<1x128xf32> to vector<1000x128xf32>
    %add3A_21 = arith.addf %mul3A_16, %add3A_20 : vector<1000x128xf32>
    %max3A = arith.constant 0.000000e+00 : f32
    %max3A_22 = vector.broadcast %max3A : f32 to vector<1000x128xf32>
    %max3A_23 = arith.maximumf %add3A_21, %max3A_22 : vector<1000x128xf32>
    %get3A_24 = arith.constant 0 : index
    %get3A_25 = arith.constant 0 : index
    %get3A_26 = vector.load %arg5[%get3A_24, %get3A_25] : memref<128x512xf32, #tpu.memory_space<vmem>>, vector<128x512xf32>
    %dot_general3A = arith.constant dense<0.000000e+00> : vector<1000x512xf32>
    %dot_general3A_27 = tpu.matmul %max3A_23, %get3A_26, %dot_general3A {dimension_numbers = #tpu.dot_dimension_numbers<[1], [0], [0], [1], [0, 0, 1, 1], [], []>, transpose_lhs_hint = false} : vector<1000x128xf32>, vector<128x512xf32>, vector<1000x512xf32> -> vector<1000x512xf32>
    %get3A_28 = arith.constant 0 : index
    %get3A_29 = arith.constant 0 : index
    %get3A_30 = vector.load %arg6[%get3A_28, %get3A_29] : memref<1x512xf32, #tpu.memory_space<vmem>>, vector<1x512xf32>
    %add3A_31 = vector.broadcast %get3A_30 : vector<1x512xf32> to vector<1000x512xf32>
    %add3A_32 = arith.addf %dot_general3A_27, %add3A_31 : vector<1000x512xf32>
    %swap3A = arith.constant 0 : index
    %swap3A_33 = arith.constant 0 : index
    %swap3A_34 = vector.load %arg7[%swap3A, %swap3A_33] : memref<1000x512xf32, #tpu.memory_space<vmem>>, vector<1000x512xf32>
    tpu.vector_store %arg7[%swap3A, %swap3A_33], %add3A_32 {strides = array<i32>} : memref<1000x512xf32, #tpu.memory_space<vmem>>, vector<1000x512xf32>,
    return
  }
  func.func @transform_0(%arg0: i32) -> (i32, i32, i32) {
    %c0_i32 = arith.constant 0 : i32
    %c0_i32_0 = arith.constant 0 : i32
    %c0_i32_1 = arith.constant 0 : i32
    return %c0_i32, %arg0, %c0_i32_0 : i32, i32, i32
  }
  func.func @transform_1(%arg0: i32) -> (i32, i32) {
    %c0_i32 = arith.constant 0 : i32
    %c0_i32_0 = arith.constant 0 : i32
    return %arg0, %c0_i32 : i32, i32
  }
  func.func @transform_2(%arg0: i32) -> (i32, i32) {
    %c0_i32 = arith.constant 0 : i32
    %c0_i32_0 = arith.constant 0 : i32
    return %arg0, %c0_i32 : i32, i32
  }
  func.func @transform_3(%arg0: i32) -> (i32, i32) {
    %c0_i32 = arith.constant 0 : i32
    %c0_i32_0 = arith.constant 0 : i32
    %c0_i32_1 = arith.constant 0 : i32
    return %c0_i32, %c0_i32_0 : i32, i32
  }
  func.func @transform_4(%arg0: i32) -> (i32, i32) {
    %c0_i32 = arith.constant 0 : i32
    %c0_i32_0 = arith.constant 0 : i32
    %c0_i32_1 = arith.constant 0 : i32
    return %c0_i32, %c0_i32_0 : i32, i32
  }
  func.func @transform_5(%arg0: i32) -> (i32, i32) {
    %c0_i32 = arith.constant 0 : i32
    %c0_i32_0 = arith.constant 0 : i32
    %c0_i32_1 = arith.constant 0 : i32
    return %c0_i32, %c0_i32_0 : i32, i32
  }
  func.func @transform_6(%arg0: i32) -> (i32, i32) {
    %c0_i32 = arith.constant 0 : i32
    %c0_i32_0 = arith.constant 0 : i32
    return %arg0, %c0_i32 : i32, i32
  }
}

module attributes {stable_mosaic.version = 14 : i64} {
  func.func @body(%arg0: i32, %arg1: memref<1000x512xf32, #tpu.memory_space<vmem>>, %arg2: memref<128x512xf32, #tpu.memory_space<vmem>>, %arg3: memref<128x128xf32, #tpu.memory_space<vmem>>, %arg4: memref<1000x1xf32, #tpu.memory_space<vmem>>, %arg5: memref<1000x128xf32, #tpu.memory_space<vmem>>, %arg6: memref<1000x128xf32, #tpu.memory_space<vmem>>, %arg7: memref<1x128xf32, #tpu.memory_space<vmem>>, %arg8: memref<1x128xf32, #tpu.memory_space<vmem>>) attributes {dimension_semantics = [#tpu.dimension_semantics<arbitrary>], iteration_bounds = array<i64: 10>, scalar_prefetch = 0 : i64, scratch_operands = 2 : i64, tpu.core_type = #tpu.core_type<tc>, window_params = [{transform_indices = @transform_0, window_bounds = array<i64: 1000, 512>}, {pipeline_mode = #tpu.pipeline_mode<synchronous>, transform_indices = @transform_1, window_bounds = array<i64: 128, 512>}, {pipeline_mode = #tpu.pipeline_mode<synchronous>, transform_indices = @transform_2, window_bounds = array<i64: 128, 128>}, {transform_indices = @transform_3, window_bounds = array<i64: 1000, 1>}, {transform_indices = @transform_4, window_bounds = array<i64: 1000, 128>}, {transform_indices = @transform_5, window_bounds = array<i64: 1000, 128>}]} {
    %eq3A = arith.constant 0 : i32
    %eq3A_0 = arith.cmpi eq, %arg0, %eq3A : i32
    %convert_element_type3A = arith.extui %eq3A_0 : i1 to i32
    %cond3A = arith.constant 0 : i32
    %cond3A_1 = arith.cmpi ne, %convert_element_type3A, %cond3A : i32
    scf.if %cond3A_1 {
      %broadcast_in_dim3A = arith.constant 0.000000e+00 : f32
      %broadcast_in_dim3A_31 = vector.broadcast %broadcast_in_dim3A : f32 to vector<1x128xf32>
      %swap3A_32 = arith.constant 0 : index
      %swap3A_33 = arith.constant 0 : index
      %swap3A_34 = vector.load %arg7[%swap3A_32, %swap3A_33] : memref<1x128xf32, #tpu.memory_space<vmem>>, vector<1x128xf32>
      tpu.vector_store %arg7[%swap3A_32, %swap3A_33], %broadcast_in_dim3A_31 {strides = array<i32>} : memref<1x128xf32, #tpu.memory_space<vmem>>, vector<1x128xf32>,
      %broadcast_in_dim3A_35 = arith.constant 0.000000e+00 : f32
      %broadcast_in_dim3A_36 = vector.broadcast %broadcast_in_dim3A_35 : f32 to vector<1x128xf32>
      %swap3A_37 = arith.constant 0 : index
      %swap3A_38 = arith.constant 0 : index
      %swap3A_39 = vector.load %arg8[%swap3A_37, %swap3A_38] : memref<1x128xf32, #tpu.memory_space<vmem>>, vector<1x128xf32>
      tpu.vector_store %arg8[%swap3A_37, %swap3A_38], %broadcast_in_dim3A_36 {strides = array<i32>} : memref<1x128xf32, #tpu.memory_space<vmem>>, vector<1x128xf32>,
    } else {
    }
    %get3A = arith.constant 0 : index
    %get3A_2 = arith.constant 0 : index
    %get3A_3 = vector.load %arg7[%get3A, %get3A_2] : memref<1x128xf32, #tpu.memory_space<vmem>>, vector<1x128xf32>
    %get3A_4 = arith.constant 0 : index
    %get3A_5 = arith.constant 0 : index
    %get3A_6 = vector.load %arg8[%get3A_4, %get3A_5] : memref<1x128xf32, #tpu.memory_space<vmem>>, vector<1x128xf32>
    %scan3A = arith.constant 0 : i32
    %scan3A_7 = arith.constant 1000 : i32
    %scan3A_8 = arith.addi %scan3A, %scan3A_7 : i32
    %scan3A_9 = arith.constant 8 : i32
    %scan3A_10:2 = scf.for %scan3A_31 = %scan3A to %scan3A_8 step %scan3A_9 iter_args(%scan3A_32 = %get3A_3, %scan3A_33 = %get3A_6) -> (vector<1x128xf32>, vector<1x128xf32>)  : i32 {
      %mul3A_34 = arith.constant 5.000000e-01 : f32
      %mul3A_35 = vector.broadcast %mul3A_34 : f32 to vector<1x128xf32>
      %mul3A_36 = arith.mulf %mul3A_35, %scan3A_33 : vector<1x128xf32>
      %reshape3A = vector.shape_cast %scan3A_32 : vector<1x128xf32> to vector<128x1xf32>
      %get3A_37 = arith.constant 0 : index
      %get3A_38 = arith.constant 0 : index
      %get3A_39 = vector.load %arg2[%get3A_37, %get3A_38] : memref<128x512xf32, #tpu.memory_space<vmem>>, vector<128x512xf32>
      %mul3A_40 = vector.broadcast %reshape3A : vector<128x1xf32> to vector<128x512xf32>
      %mul3A_41 = arith.mulf %mul3A_40, %get3A_39 : vector<128x512xf32>
      %reduce_sum3A = arith.constant dense<0.000000e+00> : vector<512xf32>
      %reduce_sum3A_42 = vector.multi_reduction <add>, %mul3A_41, %reduce_sum3A [0] : vector<128x512xf32> to vector<512xf32>
      %reshape3A_43 = vector.shape_cast %reduce_sum3A_42 : vector<512xf32> to vector<1x512xf32>
      %get3A_44 = arith.index_cast %scan3A_31 : i32 to index
      %get3A_45 = arith.constant 0 : index
      %get3A_46 = vector.load %arg1[%get3A_44, %get3A_45] : memref<1000x512xf32, #tpu.memory_space<vmem>>, vector<1x512xf32>
      %add3A = arith.addf %get3A_46, %reshape3A_43 : vector<1x512xf32>
      %tanh3A = math.tanh %add3A : vector<1x512xf32>
      %slice3A = vector.extract_strided_slice %tanh3A {offsets = [0, 0], sizes = [1, 128], strides = [1, 1]} : vector<1x512xf32> to vector<1x128xf32>
      %slice3A_47 = vector.extract_strided_slice %tanh3A {offsets = [0, 128], sizes = [1, 128], strides = [1, 1]} : vector<1x512xf32> to vector<1x128xf32>
      %slice3A_48 = vector.extract_strided_slice %tanh3A {offsets = [0, 256], sizes = [1, 128], strides = [1, 1]} : vector<1x512xf32> to vector<1x128xf32>
      %slice3A_49 = vector.extract_strided_slice %tanh3A {offsets = [0, 384], sizes = [1, 128], strides = [1, 1]} : vector<1x512xf32> to vector<1x128xf32>
      %add3A_50 = arith.constant 1.000000e+00 : f32
      %add3A_51 = vector.broadcast %add3A_50 : f32 to vector<1x128xf32>
      %add3A_52 = arith.addf %add3A_51, %slice3A_47 : vector<1x128xf32>
      %mul3A_53 = arith.mulf %mul3A_36, %add3A_52 : vector<1x128xf32>
      %mul3A_54 = arith.constant 5.000000e-01 : f32
      %mul3A_55 = vector.broadcast %mul3A_54 : f32 to vector<1x128xf32>
      %mul3A_56 = arith.mulf %mul3A_55, %slice3A_48 : vector<1x128xf32>
      %add3A_57 = arith.constant 1.000000e+00 : f32
      %add3A_58 = vector.broadcast %add3A_57 : f32 to vector<1x128xf32>
      %add3A_59 = arith.addf %add3A_58, %slice3A : vector<1x128xf32>
      %mul3A_60 = arith.mulf %mul3A_56, %add3A_59 : vector<1x128xf32>
      %add3A_61 = arith.addf %mul3A_53, %mul3A_60 : vector<1x128xf32>
      %add3A_62 = arith.constant 1.000000e+00 : f32
      %add3A_63 = vector.broadcast %add3A_62 : f32 to vector<1x128xf32>
      %add3A_64 = arith.addf %add3A_63, %slice3A_49 : vector<1x128xf32>
      %mul3A_65 = arith.constant 5.000000e-01 : f32
      %mul3A_66 = vector.broadcast %mul3A_65 : f32 to vector<1x128xf32>
      %mul3A_67 = arith.mulf %mul3A_66, %add3A_64 : vector<1x128xf32>
      %tanh3A_68 = math.tanh %add3A_61 : vector<1x128xf32>
      %mul3A_69 = arith.mulf %mul3A_67, %tanh3A_68 : vector<1x128xf32>
      %swap3A_70 = arith.index_cast %scan3A_31 : i32 to index
      %swap3A_71 = arith.constant 0 : index
      %swap3A_72 = vector.load %arg5[%swap3A_70, %swap3A_71] : memref<1000x128xf32, #tpu.memory_space<vmem>>, vector<1x128xf32>
      tpu.vector_store %arg5[%swap3A_70, %swap3A_71], %mul3A_69 {strides = array<i32>} : memref<1000x128xf32, #tpu.memory_space<vmem>>, vector<1x128xf32>,
      %scan3A_73 = arith.constant 1 : i32
      %scan3A_74 = arith.addi %scan3A_31, %scan3A_73 : i32
      %mul3A_75 = arith.constant 5.000000e-01 : f32
      %mul3A_76 = vector.broadcast %mul3A_75 : f32 to vector<1x128xf32>
      %mul3A_77 = arith.mulf %mul3A_76, %add3A_61 : vector<1x128xf32>
      %reshape3A_78 = vector.shape_cast %mul3A_69 : vector<1x128xf32> to vector<128x1xf32>
      %get3A_79 = arith.constant 0 : index
      %get3A_80 = arith.constant 0 : index
      %get3A_81 = vector.load %arg2[%get3A_79, %get3A_80] : memref<128x512xf32, #tpu.memory_space<vmem>>, vector<128x512xf32>
      %mul3A_82 = vector.broadcast %reshape3A_78 : vector<128x1xf32> to vector<128x512xf32>
      %mul3A_83 = arith.mulf %mul3A_82, %get3A_81 : vector<128x512xf32>
      %reduce_sum3A_84 = arith.constant dense<0.000000e+00> : vector<512xf32>
      %reduce_sum3A_85 = vector.multi_reduction <add>, %mul3A_83, %reduce_sum3A_84 [0] : vector<128x512xf32> to vector<512xf32>
      %reshape3A_86 = vector.shape_cast %reduce_sum3A_85 : vector<512xf32> to vector<1x512xf32>
      %get3A_87 = arith.index_cast %scan3A_74 : i32 to index
      %get3A_88 = arith.constant 0 : index
      %get3A_89 = vector.load %arg1[%get3A_87, %get3A_88] : memref<1000x512xf32, #tpu.memory_space<vmem>>, vector<1x512xf32>
      %add3A_90 = arith.addf %get3A_89, %reshape3A_86 : vector<1x512xf32>
      %tanh3A_91 = math.tanh %add3A_90 : vector<1x512xf32>
      %slice3A_92 = vector.extract_strided_slice %tanh3A_91 {offsets = [0, 0], sizes = [1, 128], strides = [1, 1]} : vector<1x512xf32> to vector<1x128xf32>
      %slice3A_93 = vector.extract_strided_slice %tanh3A_91 {offsets = [0, 128], sizes = [1, 128], strides = [1, 1]} : vector<1x512xf32> to vector<1x128xf32>
      %slice3A_94 = vector.extract_strided_slice %tanh3A_91 {offsets = [0, 256], sizes = [1, 128], strides = [1, 1]} : vector<1x512xf32> to vector<1x128xf32>
      %slice3A_95 = vector.extract_strided_slice %tanh3A_91 {offsets = [0, 384], sizes = [1, 128], strides = [1, 1]} : vector<1x512xf32> to vector<1x128xf32>
      %add3A_96 = arith.constant 1.000000e+00 : f32
      %add3A_97 = vector.broadcast %add3A_96 : f32 to vector<1x128xf32>
      %add3A_98 = arith.addf %add3A_97, %slice3A_93 : vector<1x128xf32>
      %mul3A_99 = arith.mulf %mul3A_77, %add3A_98 : vector<1x128xf32>
      %mul3A_100 = arith.constant 5.000000e-01 : f32
      %mul3A_101 = vector.broadcast %mul3A_100 : f32 to vector<1x128xf32>
      %mul3A_102 = arith.mulf %mul3A_101, %slice3A_94 : vector<1x128xf32>
      %add3A_103 = arith.constant 1.000000e+00 : f32
      %add3A_104 = vector.broadcast %add3A_103 : f32 to vector<1x128xf32>
      %add3A_105 = arith.addf %add3A_104, %slice3A_92 : vector<1x128xf32>
      %mul3A_106 = arith.mulf %mul3A_102, %add3A_105 : vector<1x128xf32>
      %add3A_107 = arith.addf %mul3A_99, %mul3A_106 : vector<1x128xf32>
      %add3A_108 = arith.constant 1.000000e+00 : f32
      %add3A_109 = vector.broadcast %add3A_108 : f32 to vector<1x128xf32>
      %add3A_110 = arith.addf %add3A_109, %slice3A_95 : vector<1x128xf32>
      %mul3A_111 = arith.constant 5.000000e-01 : f32
      %mul3A_112 = vector.broadcast %mul3A_111 : f32 to vector<1x128xf32>
      %mul3A_113 = arith.mulf %mul3A_112, %add3A_110 : vector<1x128xf32>
      %tanh3A_114 = math.tanh %add3A_107 : vector<1x128xf32>
      %mul3A_115 = arith.mulf %mul3A_113, %tanh3A_114 : vector<1x128xf32>
      %swap3A_116 = arith.index_cast %scan3A_74 : i32 to index
      %swap3A_117 = arith.constant 0 : index
      %swap3A_118 = vector.load %arg5[%swap3A_116, %swap3A_117] : memref<1000x128xf32, #tpu.memory_space<vmem>>, vector<1x128xf32>
      tpu.vector_store %arg5[%swap3A_116, %swap3A_117], %mul3A_115 {strides = array<i32>} : memref<1000x128xf32, #tpu.memory_space<vmem>>, vector<1x128xf32>,
      %scan3A_119 = arith.constant 2 : i32
      %scan3A_120 = arith.addi %scan3A_31, %scan3A_119 : i32
      %mul3A_121 = arith.constant 5.000000e-01 : f32
      %mul3A_122 = vector.broadcast %mul3A_121 : f32 to vector<1x128xf32>
      %mul3A_123 = arith.mulf %mul3A_122, %add3A_107 : vector<1x128xf32>
      %reshape3A_124 = vector.shape_cast %mul3A_115 : vector<1x128xf32> to vector<128x1xf32>
      %get3A_125 = arith.constant 0 : index
      %get3A_126 = arith.constant 0 : index
      %get3A_127 = vector.load %arg2[%get3A_125, %get3A_126] : memref<128x512xf32, #tpu.memory_space<vmem>>, vector<128x512xf32>
      %mul3A_128 = vector.broadcast %reshape3A_124 : vector<128x1xf32> to vector<128x512xf32>
      %mul3A_129 = arith.mulf %mul3A_128, %get3A_127 : vector<128x512xf32>
      %reduce_sum3A_130 = arith.constant dense<0.000000e+00> : vector<512xf32>
      %reduce_sum3A_131 = vector.multi_reduction <add>, %mul3A_129, %reduce_sum3A_130 [0] : vector<128x512xf32> to vector<512xf32>
      %reshape3A_132 = vector.shape_cast %reduce_sum3A_131 : vector<512xf32> to vector<1x512xf32>
      %get3A_133 = arith.index_cast %scan3A_120 : i32 to index
      %get3A_134 = arith.constant 0 : index
      %get3A_135 = vector.load %arg1[%get3A_133, %get3A_134] : memref<1000x512xf32, #tpu.memory_space<vmem>>, vector<1x512xf32>
      %add3A_136 = arith.addf %get3A_135, %reshape3A_132 : vector<1x512xf32>
      %tanh3A_137 = math.tanh %add3A_136 : vector<1x512xf32>
      %slice3A_138 = vector.extract_strided_slice %tanh3A_137 {offsets = [0, 0], sizes = [1, 128], strides = [1, 1]} : vector<1x512xf32> to vector<1x128xf32>
      %slice3A_139 = vector.extract_strided_slice %tanh3A_137 {offsets = [0, 128], sizes = [1, 128], strides = [1, 1]} : vector<1x512xf32> to vector<1x128xf32>
      %slice3A_140 = vector.extract_strided_slice %tanh3A_137 {offsets = [0, 256], sizes = [1, 128], strides = [1, 1]} : vector<1x512xf32> to vector<1x128xf32>
      %slice3A_141 = vector.extract_strided_slice %tanh3A_137 {offsets = [0, 384], sizes = [1, 128], strides = [1, 1]} : vector<1x512xf32> to vector<1x128xf32>
      %add3A_142 = arith.constant 1.000000e+00 : f32
      %add3A_143 = vector.broadcast %add3A_142 : f32 to vector<1x128xf32>
      %add3A_144 = arith.addf %add3A_143, %slice3A_139 : vector<1x128xf32>
      %mul3A_145 = arith.mulf %mul3A_123, %add3A_144 : vector<1x128xf32>
      %mul3A_146 = arith.constant 5.000000e-01 : f32
      %mul3A_147 = vector.broadcast %mul3A_146 : f32 to vector<1x128xf32>
      %mul3A_148 = arith.mulf %mul3A_147, %slice3A_140 : vector<1x128xf32>
      %add3A_149 = arith.constant 1.000000e+00 : f32
      %add3A_150 = vector.broadcast %add3A_149 : f32 to vector<1x128xf32>
      %add3A_151 = arith.addf %add3A_150, %slice3A_138 : vector<1x128xf32>
      %mul3A_152 = arith.mulf %mul3A_148, %add3A_151 : vector<1x128xf32>
      %add3A_153 = arith.addf %mul3A_145, %mul3A_152 : vector<1x128xf32>
      %add3A_154 = arith.constant 1.000000e+00 : f32
      %add3A_155 = vector.broadcast %add3A_154 : f32 to vector<1x128xf32>
      %add3A_156 = arith.addf %add3A_155, %slice3A_141 : vector<1x128xf32>
      %mul3A_157 = arith.constant 5.000000e-01 : f32
      %mul3A_158 = vector.broadcast %mul3A_157 : f32 to vector<1x128xf32>
      %mul3A_159 = arith.mulf %mul3A_158, %add3A_156 : vector<1x128xf32>
      %tanh3A_160 = math.tanh %add3A_153 : vector<1x128xf32>
      %mul3A_161 = arith.mulf %mul3A_159, %tanh3A_160 : vector<1x128xf32>
      %swap3A_162 = arith.index_cast %scan3A_120 : i32 to index
      %swap3A_163 = arith.constant 0 : index
      %swap3A_164 = vector.load %arg5[%swap3A_162, %swap3A_163] : memref<1000x128xf32, #tpu.memory_space<vmem>>, vector<1x128xf32>
      tpu.vector_store %arg5[%swap3A_162, %swap3A_163], %mul3A_161 {strides = array<i32>} : memref<1000x128xf32, #tpu.memory_space<vmem>>, vector<1x128xf32>,
      %scan3A_165 = arith.constant 3 : i32
      %scan3A_166 = arith.addi %scan3A_31, %scan3A_165 : i32
      %mul3A_167 = arith.constant 5.000000e-01 : f32
      %mul3A_168 = vector.broadcast %mul3A_167 : f32 to vector<1x128xf32>
      %mul3A_169 = arith.mulf %mul3A_168, %add3A_153 : vector<1x128xf32>
      %reshape3A_170 = vector.shape_cast %mul3A_161 : vector<1x128xf32> to vector<128x1xf32>
      %get3A_171 = arith.constant 0 : index
      %get3A_172 = arith.constant 0 : index
      %get3A_173 = vector.load %arg2[%get3A_171, %get3A_172] : memref<128x512xf32, #tpu.memory_space<vmem>>, vector<128x512xf32>
      %mul3A_174 = vector.broadcast %reshape3A_170 : vector<128x1xf32> to vector<128x512xf32>
      %mul3A_175 = arith.mulf %mul3A_174, %get3A_173 : vector<128x512xf32>
      %reduce_sum3A_176 = arith.constant dense<0.000000e+00> : vector<512xf32>
      %reduce_sum3A_177 = vector.multi_reduction <add>, %mul3A_175, %reduce_sum3A_176 [0] : vector<128x512xf32> to vector<512xf32>
      %reshape3A_178 = vector.shape_cast %reduce_sum3A_177 : vector<512xf32> to vector<1x512xf32>
      %get3A_179 = arith.index_cast %scan3A_166 : i32 to index
      %get3A_180 = arith.constant 0 : index
      %get3A_181 = vector.load %arg1[%get3A_179, %get3A_180] : memref<1000x512xf32, #tpu.memory_space<vmem>>, vector<1x512xf32>
      %add3A_182 = arith.addf %get3A_181, %reshape3A_178 : vector<1x512xf32>
      %tanh3A_183 = math.tanh %add3A_182 : vector<1x512xf32>
      %slice3A_184 = vector.extract_strided_slice %tanh3A_183 {offsets = [0, 0], sizes = [1, 128], strides = [1, 1]} : vector<1x512xf32> to vector<1x128xf32>
      %slice3A_185 = vector.extract_strided_slice %tanh3A_183 {offsets = [0, 128], sizes = [1, 128], strides = [1, 1]} : vector<1x512xf32> to vector<1x128xf32>
      %slice3A_186 = vector.extract_strided_slice %tanh3A_183 {offsets = [0, 256], sizes = [1, 128], strides = [1, 1]} : vector<1x512xf32> to vector<1x128xf32>
      %slice3A_187 = vector.extract_strided_slice %tanh3A_183 {offsets = [0, 384], sizes = [1, 128], strides = [1, 1]} : vector<1x512xf32> to vector<1x128xf32>
      %add3A_188 = arith.constant 1.000000e+00 : f32
      %add3A_189 = vector.broadcast %add3A_188 : f32 to vector<1x128xf32>
      %add3A_190 = arith.addf %add3A_189, %slice3A_185 : vector<1x128xf32>
      %mul3A_191 = arith.mulf %mul3A_169, %add3A_190 : vector<1x128xf32>
      %mul3A_192 = arith.constant 5.000000e-01 : f32
      %mul3A_193 = vector.broadcast %mul3A_192 : f32 to vector<1x128xf32>
      %mul3A_194 = arith.mulf %mul3A_193, %slice3A_186 : vector<1x128xf32>
      %add3A_195 = arith.constant 1.000000e+00 : f32
      %add3A_196 = vector.broadcast %add3A_195 : f32 to vector<1x128xf32>
      %add3A_197 = arith.addf %add3A_196, %slice3A_184 : vector<1x128xf32>
      %mul3A_198 = arith.mulf %mul3A_194, %add3A_197 : vector<1x128xf32>
      %add3A_199 = arith.addf %mul3A_191, %mul3A_198 : vector<1x128xf32>
      %add3A_200 = arith.constant 1.000000e+00 : f32
      %add3A_201 = vector.broadcast %add3A_200 : f32 to vector<1x128xf32>
      %add3A_202 = arith.addf %add3A_201, %slice3A_187 : vector<1x128xf32>
      %mul3A_203 = arith.constant 5.000000e-01 : f32
      %mul3A_204 = vector.broadcast %mul3A_203 : f32 to vector<1x128xf32>
      %mul3A_205 = arith.mulf %mul3A_204, %add3A_202 : vector<1x128xf32>
      %tanh3A_206 = math.tanh %add3A_199 : vector<1x128xf32>
      %mul3A_207 = arith.mulf %mul3A_205, %tanh3A_206 : vector<1x128xf32>
      %swap3A_208 = arith.index_cast %scan3A_166 : i32 to index
      %swap3A_209 = arith.constant 0 : index
      %swap3A_210 = vector.load %arg5[%swap3A_208, %swap3A_209] : memref<1000x128xf32, #tpu.memory_space<vmem>>, vector<1x128xf32>
      tpu.vector_store %arg5[%swap3A_208, %swap3A_209], %mul3A_207 {strides = array<i32>} : memref<1000x128xf32, #tpu.memory_space<vmem>>, vector<1x128xf32>,
      %scan3A_211 = arith.constant 4 : i32
      %scan3A_212 = arith.addi %scan3A_31, %scan3A_211 : i32
      %mul3A_213 = arith.constant 5.000000e-01 : f32
      %mul3A_214 = vector.broadcast %mul3A_213 : f32 to vector<1x128xf32>
      %mul3A_215 = arith.mulf %mul3A_214, %add3A_199 : vector<1x128xf32>
      %reshape3A_216 = vector.shape_cast %mul3A_207 : vector<1x128xf32> to vector<128x1xf32>
      %get3A_217 = arith.constant 0 : index
      %get3A_218 = arith.constant 0 : index
      %get3A_219 = vector.load %arg2[%get3A_217, %get3A_218] : memref<128x512xf32, #tpu.memory_space<vmem>>, vector<128x512xf32>
      %mul3A_220 = vector.broadcast %reshape3A_216 : vector<128x1xf32> to vector<128x512xf32>
      %mul3A_221 = arith.mulf %mul3A_220, %get3A_219 : vector<128x512xf32>
      %reduce_sum3A_222 = arith.constant dense<0.000000e+00> : vector<512xf32>
      %reduce_sum3A_223 = vector.multi_reduction <add>, %mul3A_221, %reduce_sum3A_222 [0] : vector<128x512xf32> to vector<512xf32>
      %reshape3A_224 = vector.shape_cast %reduce_sum3A_223 : vector<512xf32> to vector<1x512xf32>
      %get3A_225 = arith.index_cast %scan3A_212 : i32 to index
      %get3A_226 = arith.constant 0 : index
      %get3A_227 = vector.load %arg1[%get3A_225, %get3A_226] : memref<1000x512xf32, #tpu.memory_space<vmem>>, vector<1x512xf32>
      %add3A_228 = arith.addf %get3A_227, %reshape3A_224 : vector<1x512xf32>
      %tanh3A_229 = math.tanh %add3A_228 : vector<1x512xf32>
      %slice3A_230 = vector.extract_strided_slice %tanh3A_229 {offsets = [0, 0], sizes = [1, 128], strides = [1, 1]} : vector<1x512xf32> to vector<1x128xf32>
      %slice3A_231 = vector.extract_strided_slice %tanh3A_229 {offsets = [0, 128], sizes = [1, 128], strides = [1, 1]} : vector<1x512xf32> to vector<1x128xf32>
      %slice3A_232 = vector.extract_strided_slice %tanh3A_229 {offsets = [0, 256], sizes = [1, 128], strides = [1, 1]} : vector<1x512xf32> to vector<1x128xf32>
      %slice3A_233 = vector.extract_strided_slice %tanh3A_229 {offsets = [0, 384], sizes = [1, 128], strides = [1, 1]} : vector<1x512xf32> to vector<1x128xf32>
      %add3A_234 = arith.constant 1.000000e+00 : f32
      %add3A_235 = vector.broadcast %add3A_234 : f32 to vector<1x128xf32>
      %add3A_236 = arith.addf %add3A_235, %slice3A_231 : vector<1x128xf32>
      %mul3A_237 = arith.mulf %mul3A_215, %add3A_236 : vector<1x128xf32>
      %mul3A_238 = arith.constant 5.000000e-01 : f32
      %mul3A_239 = vector.broadcast %mul3A_238 : f32 to vector<1x128xf32>
      %mul3A_240 = arith.mulf %mul3A_239, %slice3A_232 : vector<1x128xf32>
      %add3A_241 = arith.constant 1.000000e+00 : f32
      %add3A_242 = vector.broadcast %add3A_241 : f32 to vector<1x128xf32>
      %add3A_243 = arith.addf %add3A_242, %slice3A_230 : vector<1x128xf32>
      %mul3A_244 = arith.mulf %mul3A_240, %add3A_243 : vector<1x128xf32>
      %add3A_245 = arith.addf %mul3A_237, %mul3A_244 : vector<1x128xf32>
      %add3A_246 = arith.constant 1.000000e+00 : f32
      %add3A_247 = vector.broadcast %add3A_246 : f32 to vector<1x128xf32>
      %add3A_248 = arith.addf %add3A_247, %slice3A_233 : vector<1x128xf32>
      %mul3A_249 = arith.constant 5.000000e-01 : f32
      %mul3A_250 = vector.broadcast %mul3A_249 : f32 to vector<1x128xf32>
      %mul3A_251 = arith.mulf %mul3A_250, %add3A_248 : vector<1x128xf32>
      %tanh3A_252 = math.tanh %add3A_245 : vector<1x128xf32>
      %mul3A_253 = arith.mulf %mul3A_251, %tanh3A_252 : vector<1x128xf32>
      %swap3A_254 = arith.index_cast %scan3A_212 : i32 to index
      %swap3A_255 = arith.constant 0 : index
      %swap3A_256 = vector.load %arg5[%swap3A_254, %swap3A_255] : memref<1000x128xf32, #tpu.memory_space<vmem>>, vector<1x128xf32>
      tpu.vector_store %arg5[%swap3A_254, %swap3A_255], %mul3A_253 {strides = array<i32>} : memref<1000x128xf32, #tpu.memory_space<vmem>>, vector<1x128xf32>,
      %scan3A_257 = arith.constant 5 : i32
      %scan3A_258 = arith.addi %scan3A_31, %scan3A_257 : i32
      %mul3A_259 = arith.constant 5.000000e-01 : f32
      %mul3A_260 = vector.broadcast %mul3A_259 : f32 to vector<1x128xf32>
      %mul3A_261 = arith.mulf %mul3A_260, %add3A_245 : vector<1x128xf32>
      %reshape3A_262 = vector.shape_cast %mul3A_253 : vector<1x128xf32> to vector<128x1xf32>
      %get3A_263 = arith.constant 0 : index
      %get3A_264 = arith.constant 0 : index
      %get3A_265 = vector.load %arg2[%get3A_263, %get3A_264] : memref<128x512xf32, #tpu.memory_space<vmem>>, vector<128x512xf32>
      %mul3A_266 = vector.broadcast %reshape3A_262 : vector<128x1xf32> to vector<128x512xf32>
      %mul3A_267 = arith.mulf %mul3A_266, %get3A_265 : vector<128x512xf32>
      %reduce_sum3A_268 = arith.constant dense<0.000000e+00> : vector<512xf32>
      %reduce_sum3A_269 = vector.multi_reduction <add>, %mul3A_267, %reduce_sum3A_268 [0] : vector<128x512xf32> to vector<512xf32>
      %reshape3A_270 = vector.shape_cast %reduce_sum3A_269 : vector<512xf32> to vector<1x512xf32>
      %get3A_271 = arith.index_cast %scan3A_258 : i32 to index
      %get3A_272 = arith.constant 0 : index
      %get3A_273 = vector.load %arg1[%get3A_271, %get3A_272] : memref<1000x512xf32, #tpu.memory_space<vmem>>, vector<1x512xf32>
      %add3A_274 = arith.addf %get3A_273, %reshape3A_270 : vector<1x512xf32>
      %tanh3A_275 = math.tanh %add3A_274 : vector<1x512xf32>
      %slice3A_276 = vector.extract_strided_slice %tanh3A_275 {offsets = [0, 0], sizes = [1, 128], strides = [1, 1]} : vector<1x512xf32> to vector<1x128xf32>
      %slice3A_277 = vector.extract_strided_slice %tanh3A_275 {offsets = [0, 128], sizes = [1, 128], strides = [1, 1]} : vector<1x512xf32> to vector<1x128xf32>
      %slice3A_278 = vector.extract_strided_slice %tanh3A_275 {offsets = [0, 256], sizes = [1, 128], strides = [1, 1]} : vector<1x512xf32> to vector<1x128xf32>
      %slice3A_279 = vector.extract_strided_slice %tanh3A_275 {offsets = [0, 384], sizes = [1, 128], strides = [1, 1]} : vector<1x512xf32> to vector<1x128xf32>
      %add3A_280 = arith.constant 1.000000e+00 : f32
      %add3A_281 = vector.broadcast %add3A_280 : f32 to vector<1x128xf32>
      %add3A_282 = arith.addf %add3A_281, %slice3A_277 : vector<1x128xf32>
      %mul3A_283 = arith.mulf %mul3A_261, %add3A_282 : vector<1x128xf32>
      %mul3A_284 = arith.constant 5.000000e-01 : f32
      %mul3A_285 = vector.broadcast %mul3A_284 : f32 to vector<1x128xf32>
      %mul3A_286 = arith.mulf %mul3A_285, %slice3A_278 : vector<1x128xf32>
      %add3A_287 = arith.constant 1.000000e+00 : f32
      %add3A_288 = vector.broadcast %add3A_287 : f32 to vector<1x128xf32>
      %add3A_289 = arith.addf %add3A_288, %slice3A_276 : vector<1x128xf32>
      %mul3A_290 = arith.mulf %mul3A_286, %add3A_289 : vector<1x128xf32>
      %add3A_291 = arith.addf %mul3A_283, %mul3A_290 : vector<1x128xf32>
      %add3A_292 = arith.constant 1.000000e+00 : f32
      %add3A_293 = vector.broadcast %add3A_292 : f32 to vector<1x128xf32>
      %add3A_294 = arith.addf %add3A_293, %slice3A_279 : vector<1x128xf32>
      %mul3A_295 = arith.constant 5.000000e-01 : f32
      %mul3A_296 = vector.broadcast %mul3A_295 : f32 to vector<1x128xf32>
      %mul3A_297 = arith.mulf %mul3A_296, %add3A_294 : vector<1x128xf32>
      %tanh3A_298 = math.tanh %add3A_291 : vector<1x128xf32>
      %mul3A_299 = arith.mulf %mul3A_297, %tanh3A_298 : vector<1x128xf32>
      %swap3A_300 = arith.index_cast %scan3A_258 : i32 to index
      %swap3A_301 = arith.constant 0 : index
      %swap3A_302 = vector.load %arg5[%swap3A_300, %swap3A_301] : memref<1000x128xf32, #tpu.memory_space<vmem>>, vector<1x128xf32>
      tpu.vector_store %arg5[%swap3A_300, %swap3A_301], %mul3A_299 {strides = array<i32>} : memref<1000x128xf32, #tpu.memory_space<vmem>>, vector<1x128xf32>,
      %scan3A_303 = arith.constant 6 : i32
      %scan3A_304 = arith.addi %scan3A_31, %scan3A_303 : i32
      %mul3A_305 = arith.constant 5.000000e-01 : f32
      %mul3A_306 = vector.broadcast %mul3A_305 : f32 to vector<1x128xf32>
      %mul3A_307 = arith.mulf %mul3A_306, %add3A_291 : vector<1x128xf32>
      %reshape3A_308 = vector.shape_cast %mul3A_299 : vector<1x128xf32> to vector<128x1xf32>
      %get3A_309 = arith.constant 0 : index
      %get3A_310 = arith.constant 0 : index
      %get3A_311 = vector.load %arg2[%get3A_309, %get3A_310] : memref<128x512xf32, #tpu.memory_space<vmem>>, vector<128x512xf32>
      %mul3A_312 = vector.broadcast %reshape3A_308 : vector<128x1xf32> to vector<128x512xf32>
      %mul3A_313 = arith.mulf %mul3A_312, %get3A_311 : vector<128x512xf32>
      %reduce_sum3A_314 = arith.constant dense<0.000000e+00> : vector<512xf32>
      %reduce_sum3A_315 = vector.multi_reduction <add>, %mul3A_313, %reduce_sum3A_314 [0] : vector<128x512xf32> to vector<512xf32>
      %reshape3A_316 = vector.shape_cast %reduce_sum3A_315 : vector<512xf32> to vector<1x512xf32>
      %get3A_317 = arith.index_cast %scan3A_304 : i32 to index
      %get3A_318 = arith.constant 0 : index
      %get3A_319 = vector.load %arg1[%get3A_317, %get3A_318] : memref<1000x512xf32, #tpu.memory_space<vmem>>, vector<1x512xf32>
      %add3A_320 = arith.addf %get3A_319, %reshape3A_316 : vector<1x512xf32>
      %tanh3A_321 = math.tanh %add3A_320 : vector<1x512xf32>
      %slice3A_322 = vector.extract_strided_slice %tanh3A_321 {offsets = [0, 0], sizes = [1, 128], strides = [1, 1]} : vector<1x512xf32> to vector<1x128xf32>
      %slice3A_323 = vector.extract_strided_slice %tanh3A_321 {offsets = [0, 128], sizes = [1, 128], strides = [1, 1]} : vector<1x512xf32> to vector<1x128xf32>
      %slice3A_324 = vector.extract_strided_slice %tanh3A_321 {offsets = [0, 256], sizes = [1, 128], strides = [1, 1]} : vector<1x512xf32> to vector<1x128xf32>
      %slice3A_325 = vector.extract_strided_slice %tanh3A_321 {offsets = [0, 384], sizes = [1, 128], strides = [1, 1]} : vector<1x512xf32> to vector<1x128xf32>
      %add3A_326 = arith.constant 1.000000e+00 : f32
      %add3A_327 = vector.broadcast %add3A_326 : f32 to vector<1x128xf32>
      %add3A_328 = arith.addf %add3A_327, %slice3A_323 : vector<1x128xf32>
      %mul3A_329 = arith.mulf %mul3A_307, %add3A_328 : vector<1x128xf32>
      %mul3A_330 = arith.constant 5.000000e-01 : f32
      %mul3A_331 = vector.broadcast %mul3A_330 : f32 to vector<1x128xf32>
      %mul3A_332 = arith.mulf %mul3A_331, %slice3A_324 : vector<1x128xf32>
      %add3A_333 = arith.constant 1.000000e+00 : f32
      %add3A_334 = vector.broadcast %add3A_333 : f32 to vector<1x128xf32>
      %add3A_335 = arith.addf %add3A_334, %slice3A_322 : vector<1x128xf32>
      %mul3A_336 = arith.mulf %mul3A_332, %add3A_335 : vector<1x128xf32>
      %add3A_337 = arith.addf %mul3A_329, %mul3A_336 : vector<1x128xf32>
      %add3A_338 = arith.constant 1.000000e+00 : f32
      %add3A_339 = vector.broadcast %add3A_338 : f32 to vector<1x128xf32>
      %add3A_340 = arith.addf %add3A_339, %slice3A_325 : vector<1x128xf32>
      %mul3A_341 = arith.constant 5.000000e-01 : f32
      %mul3A_342 = vector.broadcast %mul3A_341 : f32 to vector<1x128xf32>
      %mul3A_343 = arith.mulf %mul3A_342, %add3A_340 : vector<1x128xf32>
      %tanh3A_344 = math.tanh %add3A_337 : vector<1x128xf32>
      %mul3A_345 = arith.mulf %mul3A_343, %tanh3A_344 : vector<1x128xf32>
      %swap3A_346 = arith.index_cast %scan3A_304 : i32 to index
      %swap3A_347 = arith.constant 0 : index
      %swap3A_348 = vector.load %arg5[%swap3A_346, %swap3A_347] : memref<1000x128xf32, #tpu.memory_space<vmem>>, vector<1x128xf32>
      tpu.vector_store %arg5[%swap3A_346, %swap3A_347], %mul3A_345 {strides = array<i32>} : memref<1000x128xf32, #tpu.memory_space<vmem>>, vector<1x128xf32>,
      %scan3A_349 = arith.constant 7 : i32
      %scan3A_350 = arith.addi %scan3A_31, %scan3A_349 : i32
      %mul3A_351 = arith.constant 5.000000e-01 : f32
      %mul3A_352 = vector.broadcast %mul3A_351 : f32 to vector<1x128xf32>
      %mul3A_353 = arith.mulf %mul3A_352, %add3A_337 : vector<1x128xf32>
      %reshape3A_354 = vector.shape_cast %mul3A_345 : vector<1x128xf32> to vector<128x1xf32>
      %get3A_355 = arith.constant 0 : index
      %get3A_356 = arith.constant 0 : index
      %get3A_357 = vector.load %arg2[%get3A_355, %get3A_356] : memref<128x512xf32, #tpu.memory_space<vmem>>, vector<128x512xf32>
      %mul3A_358 = vector.broadcast %reshape3A_354 : vector<128x1xf32> to vector<128x512xf32>
      %mul3A_359 = arith.mulf %mul3A_358, %get3A_357 : vector<128x512xf32>
      %reduce_sum3A_360 = arith.constant dense<0.000000e+00> : vector<512xf32>
      %reduce_sum3A_361 = vector.multi_reduction <add>, %mul3A_359, %reduce_sum3A_360 [0] : vector<128x512xf32> to vector<512xf32>
      %reshape3A_362 = vector.shape_cast %reduce_sum3A_361 : vector<512xf32> to vector<1x512xf32>
      %get3A_363 = arith.index_cast %scan3A_350 : i32 to index
      %get3A_364 = arith.constant 0 : index
      %get3A_365 = vector.load %arg1[%get3A_363, %get3A_364] : memref<1000x512xf32, #tpu.memory_space<vmem>>, vector<1x512xf32>
      %add3A_366 = arith.addf %get3A_365, %reshape3A_362 : vector<1x512xf32>
      %tanh3A_367 = math.tanh %add3A_366 : vector<1x512xf32>
      %slice3A_368 = vector.extract_strided_slice %tanh3A_367 {offsets = [0, 0], sizes = [1, 128], strides = [1, 1]} : vector<1x512xf32> to vector<1x128xf32>
      %slice3A_369 = vector.extract_strided_slice %tanh3A_367 {offsets = [0, 128], sizes = [1, 128], strides = [1, 1]} : vector<1x512xf32> to vector<1x128xf32>
      %slice3A_370 = vector.extract_strided_slice %tanh3A_367 {offsets = [0, 256], sizes = [1, 128], strides = [1, 1]} : vector<1x512xf32> to vector<1x128xf32>
      %slice3A_371 = vector.extract_strided_slice %tanh3A_367 {offsets = [0, 384], sizes = [1, 128], strides = [1, 1]} : vector<1x512xf32> to vector<1x128xf32>
      %add3A_372 = arith.constant 1.000000e+00 : f32
      %add3A_373 = vector.broadcast %add3A_372 : f32 to vector<1x128xf32>
      %add3A_374 = arith.addf %add3A_373, %slice3A_369 : vector<1x128xf32>
      %mul3A_375 = arith.mulf %mul3A_353, %add3A_374 : vector<1x128xf32>
      %mul3A_376 = arith.constant 5.000000e-01 : f32
      %mul3A_377 = vector.broadcast %mul3A_376 : f32 to vector<1x128xf32>
      %mul3A_378 = arith.mulf %mul3A_377, %slice3A_370 : vector<1x128xf32>
      %add3A_379 = arith.constant 1.000000e+00 : f32
      %add3A_380 = vector.broadcast %add3A_379 : f32 to vector<1x128xf32>
      %add3A_381 = arith.addf %add3A_380, %slice3A_368 : vector<1x128xf32>
      %mul3A_382 = arith.mulf %mul3A_378, %add3A_381 : vector<1x128xf32>
      %add3A_383 = arith.addf %mul3A_375, %mul3A_382 : vector<1x128xf32>
      %add3A_384 = arith.constant 1.000000e+00 : f32
      %add3A_385 = vector.broadcast %add3A_384 : f32 to vector<1x128xf32>
      %add3A_386 = arith.addf %add3A_385, %slice3A_371 : vector<1x128xf32>
      %mul3A_387 = arith.constant 5.000000e-01 : f32
      %mul3A_388 = vector.broadcast %mul3A_387 : f32 to vector<1x128xf32>
      %mul3A_389 = arith.mulf %mul3A_388, %add3A_386 : vector<1x128xf32>
      %tanh3A_390 = math.tanh %add3A_383 : vector<1x128xf32>
      %mul3A_391 = arith.mulf %mul3A_389, %tanh3A_390 : vector<1x128xf32>
      %swap3A_392 = arith.index_cast %scan3A_350 : i32 to index
      %swap3A_393 = arith.constant 0 : index
      %swap3A_394 = vector.load %arg5[%swap3A_392, %swap3A_393] : memref<1000x128xf32, #tpu.memory_space<vmem>>, vector<1x128xf32>
      tpu.vector_store %arg5[%swap3A_392, %swap3A_393], %mul3A_391 {strides = array<i32>} : memref<1000x128xf32, #tpu.memory_space<vmem>>, vector<1x128xf32>,
      scf.yield %mul3A_391, %add3A_383 : vector<1x128xf32>, vector<1x128xf32>
    }
    %scan3A_11 = arith.constant 1000 : i32
    %swap3A = arith.constant 0 : index
    %swap3A_12 = arith.constant 0 : index
    %swap3A_13 = vector.load %arg7[%swap3A, %swap3A_12] : memref<1x128xf32, #tpu.memory_space<vmem>>, vector<1x128xf32>
    tpu.vector_store %arg7[%swap3A, %swap3A_12], %scan3A_10#0 {strides = array<i32>} : memref<1x128xf32, #tpu.memory_space<vmem>>, vector<1x128xf32>,
    %swap3A_14 = arith.constant 0 : index
    %swap3A_15 = arith.constant 0 : index
    %swap3A_16 = vector.load %arg8[%swap3A_14, %swap3A_15] : memref<1x128xf32, #tpu.memory_space<vmem>>, vector<1x128xf32>
    tpu.vector_store %arg8[%swap3A_14, %swap3A_15], %scan3A_10#1 {strides = array<i32>} : memref<1x128xf32, #tpu.memory_space<vmem>>, vector<1x128xf32>,
    %get3A_17 = arith.constant 0 : index
    %get3A_18 = arith.constant 0 : index
    %get3A_19 = vector.load %arg5[%get3A_17, %get3A_18] : memref<1000x128xf32, #tpu.memory_space<vmem>>, vector<1000x128xf32>
    %get3A_20 = arith.constant 0 : index
    %get3A_21 = arith.constant 0 : index
    %get3A_22 = vector.load %arg3[%get3A_20, %get3A_21] : memref<128x128xf32, #tpu.memory_space<vmem>>, vector<128x128xf32>
    %dot_general3A = arith.constant dense<0.000000e+00> : vector<1000x128xf32>
    %dot_general3A_23 = tpu.matmul %get3A_19, %get3A_22, %dot_general3A {dimension_numbers = #tpu.dot_dimension_numbers<[1], [0], [0], [1], [0, 0, 1, 1], [], []>, transpose_lhs_hint = false} : vector<1000x128xf32>, vector<128x128xf32>, vector<1000x128xf32> -> vector<1000x128xf32>
    %get3A_24 = arith.constant 0 : index
    %get3A_25 = arith.constant 0 : index
    %get3A_26 = vector.load %arg4[%get3A_24, %get3A_25] : memref<1000x1xf32, #tpu.memory_space<vmem>>, vector<1000x1xf32>
    %mul3A = vector.broadcast %get3A_26 : vector<1000x1xf32> to vector<1000x128xf32>
    %mul3A_27 = arith.mulf %dot_general3A_23, %mul3A : vector<1000x128xf32>
    %swap3A_28 = arith.constant 0 : index
    %swap3A_29 = arith.constant 0 : index
    %swap3A_30 = vector.load %arg6[%swap3A_28, %swap3A_29] : memref<1000x128xf32, #tpu.memory_space<vmem>>, vector<1000x128xf32>
    tpu.vector_store %arg6[%swap3A_28, %swap3A_29], %mul3A_27 {strides = array<i32>} : memref<1000x128xf32, #tpu.memory_space<vmem>>, vector<1000x128xf32>,
    return
  }
  func.func @transform_0(%arg0: i32) -> (i32, i32) {
    %c0_i32 = arith.constant 0 : i32
    %c0_i32_0 = arith.constant 0 : i32
    return %arg0, %c0_i32 : i32, i32
  }
  func.func @transform_1(%arg0: i32) -> (i32, i32) {
    %c0_i32 = arith.constant 0 : i32
    %c0_i32_0 = arith.constant 0 : i32
    %c0_i32_1 = arith.constant 0 : i32
    return %c0_i32, %c0_i32_0 : i32, i32
  }
  func.func @transform_2(%arg0: i32) -> (i32, i32) {
    %c0_i32 = arith.constant 0 : i32
    %c0_i32_0 = arith.constant 0 : i32
    %c0_i32_1 = arith.constant 0 : i32
    return %c0_i32, %c0_i32_0 : i32, i32
  }
  func.func @transform_3(%arg0: i32) -> (i32, i32) {
    %c0_i32 = arith.constant 0 : i32
    %c0_i32_0 = arith.constant 0 : i32
    return %arg0, %c0_i32 : i32, i32
  }
  func.func @transform_4(%arg0: i32) -> (i32, i32) {
    %c0_i32 = arith.constant 0 : i32
    %c0_i32_0 = arith.constant 0 : i32
    return %arg0, %c0_i32 : i32, i32
  }
  func.func @transform_5(%arg0: i32) -> (i32, i32) {
    %c0_i32 = arith.constant 0 : i32
    %c0_i32_0 = arith.constant 0 : i32
    return %arg0, %c0_i32 : i32, i32
  }
}

module attributes {stable_mosaic.version = 14 : i64} {
  func.func @body(%arg0: i32, %arg1: memref<2x1000x128xf32, #tpu.memory_space<vmem>>, %arg2: memref<1000x128xf32, #tpu.memory_space<vmem>>, %arg3: memref<1000x1xf32, #tpu.memory_space<vmem>>, %arg4: memref<1x64xf32, #tpu.memory_space<vmem>>, %arg5: memref<1x64xf32, #tpu.memory_space<vmem>>, %arg6: memref<1000x64xf32, #tpu.memory_space<vmem>>, %arg7: memref<1000x64xf32, #tpu.memory_space<vmem>>) attributes {dimension_semantics = [#tpu.dimension_semantics<arbitrary>], iteration_bounds = array<i64: 10>, scalar_prefetch = 0 : i64, scratch_operands = 0 : i64, tpu.core_type = #tpu.core_type<tc>, window_params = [{transform_indices = @transform_0, window_bounds = array<i64: 2, 1000, 128>}, {transform_indices = @transform_1, window_bounds = array<i64: 1000, 128>}, {transform_indices = @transform_2, window_bounds = array<i64: 1000, 1>}, {pipeline_mode = #tpu.pipeline_mode<synchronous>, transform_indices = @transform_3, window_bounds = array<i64: 1, 64>}, {pipeline_mode = #tpu.pipeline_mode<synchronous>, transform_indices = @transform_4, window_bounds = array<i64: 1, 64>}, {transform_indices = @transform_5, window_bounds = array<i64: 1000, 64>}, {transform_indices = @transform_6, window_bounds = array<i64: 1000, 64>}]} {
    %get3A = arith.constant 0 : index
    %get3A_0 = arith.constant 0 : index
    %get3A_1 = arith.constant 0 : index
    %get3A_2 = vector.load %arg1[%get3A, %get3A_0, %get3A_1] : memref<2x1000x128xf32, #tpu.memory_space<vmem>>, vector<1x1000x128xf32>
    %get3A_3 = vector.shape_cast %get3A_2 : vector<1x1000x128xf32> to vector<1000x128xf32>
    %get3A_4 = arith.constant 1 : index
    %get3A_5 = arith.constant 0 : index
    %get3A_6 = arith.constant 0 : index
    %get3A_7 = vector.load %arg1[%get3A_4, %get3A_5, %get3A_6] : memref<2x1000x128xf32, #tpu.memory_space<vmem>>, vector<1x1000x128xf32>
    %get3A_8 = vector.shape_cast %get3A_7 : vector<1x1000x128xf32> to vector<1000x128xf32>
    %add3A = arith.addf %get3A_3, %get3A_8 : vector<1000x128xf32>
    %get3A_9 = arith.constant 0 : index
    %get3A_10 = arith.constant 0 : index
    %get3A_11 = vector.load %arg2[%get3A_9, %get3A_10] : memref<1000x128xf32, #tpu.memory_space<vmem>>, vector<1000x128xf32>
    %add3A_12 = arith.addf %add3A, %get3A_11 : vector<1000x128xf32>
    %get3A_13 = arith.constant 0 : index
    %get3A_14 = arith.constant 0 : index
    %get3A_15 = vector.load %arg3[%get3A_13, %get3A_14] : memref<1000x1xf32, #tpu.memory_space<vmem>>, vector<1000x1xf32>
    %mul3A = vector.broadcast %get3A_15 : vector<1000x1xf32> to vector<1000x128xf32>
    %mul3A_16 = arith.mulf %mul3A, %add3A_12 : vector<1000x128xf32>
    %slice3A = vector.extract_strided_slice %mul3A_16 {offsets = [0, 0], sizes = [1000, 64], strides = [1, 1]} : vector<1000x128xf32> to vector<1000x64xf32>
    %get3A_17 = arith.constant 0 : index
    %get3A_18 = arith.constant 0 : index
    %get3A_19 = vector.load %arg4[%get3A_17, %get3A_18] : memref<1x64xf32, #tpu.memory_space<vmem>>, vector<1x64xf32>
    %add3A_20 = vector.broadcast %get3A_19 : vector<1x64xf32> to vector<1000x64xf32>
    %add3A_21 = arith.addf %slice3A, %add3A_20 : vector<1000x64xf32>
    %swap3A = arith.constant 0 : index
    %swap3A_22 = arith.constant 0 : index
    %swap3A_23 = vector.load %arg6[%swap3A, %swap3A_22] : memref<1000x64xf32, #tpu.memory_space<vmem>>, vector<1000x64xf32>
    tpu.vector_store %arg6[%swap3A, %swap3A_22], %add3A_21 {strides = array<i32>} : memref<1000x64xf32, #tpu.memory_space<vmem>>, vector<1000x64xf32>,
    %slice3A_24 = vector.extract_strided_slice %mul3A_16 {offsets = [0, 64], sizes = [1000, 64], strides = [1, 1]} : vector<1000x128xf32> to vector<1000x64xf32>
    %get3A_25 = arith.constant 0 : index
    %get3A_26 = arith.constant 0 : index
    %get3A_27 = vector.load %arg5[%get3A_25, %get3A_26] : memref<1x64xf32, #tpu.memory_space<vmem>>, vector<1x64xf32>
    %add3A_28 = vector.broadcast %get3A_27 : vector<1x64xf32> to vector<1000x64xf32>
    %add3A_29 = arith.addf %slice3A_24, %add3A_28 : vector<1000x64xf32>
    %swap3A_30 = arith.constant 0 : index
    %swap3A_31 = arith.constant 0 : index
    %swap3A_32 = vector.load %arg7[%swap3A_30, %swap3A_31] : memref<1000x64xf32, #tpu.memory_space<vmem>>, vector<1000x64xf32>
    tpu.vector_store %arg7[%swap3A_30, %swap3A_31], %add3A_29 {strides = array<i32>} : memref<1000x64xf32, #tpu.memory_space<vmem>>, vector<1000x64xf32>,
    return
  }
  func.func @transform_0(%arg0: i32) -> (i32, i32, i32) {
    %c0_i32 = arith.constant 0 : i32
    %c0_i32_0 = arith.constant 0 : i32
    %c0_i32_1 = arith.constant 0 : i32
    return %c0_i32, %arg0, %c0_i32_0 : i32, i32, i32
  }
  func.func @transform_1(%arg0: i32) -> (i32, i32) {
    %c0_i32 = arith.constant 0 : i32
    %c0_i32_0 = arith.constant 0 : i32
    return %arg0, %c0_i32 : i32, i32
  }
  func.func @transform_2(%arg0: i32) -> (i32, i32) {
    %c0_i32 = arith.constant 0 : i32
    %c0_i32_0 = arith.constant 0 : i32
    return %arg0, %c0_i32 : i32, i32
  }
  func.func @transform_3(%arg0: i32) -> (i32, i32) {
    %c0_i32 = arith.constant 0 : i32
    %c0_i32_0 = arith.constant 0 : i32
    %c0_i32_1 = arith.constant 0 : i32
    return %c0_i32, %c0_i32_0 : i32, i32
  }
  func.func @transform_4(%arg0: i32) -> (i32, i32) {
    %c0_i32 = arith.constant 0 : i32
    %c0_i32_0 = arith.constant 0 : i32
    %c0_i32_1 = arith.constant 0 : i32
    return %c0_i32, %c0_i32_0 : i32, i32
  }
  func.func @transform_5(%arg0: i32) -> (i32, i32) {
    %c0_i32 = arith.constant 0 : i32
    %c0_i32_0 = arith.constant 0 : i32
    return %arg0, %c0_i32 : i32, i32
  }
  func.func @transform_6(%arg0: i32) -> (i32, i32) {
    %c0_i32 = arith.constant 0 : i32
    %c0_i32_0 = arith.constant 0 : i32
    return %arg0, %c0_i32 : i32, i32
  }
}

</mosaic_0001>

<sc_bundles>
// kernel: sc_degree.3.cloned.1.call-start
scs
__scs_entry_jumppad:
0x0: {  	(pc) =	sbr.rel $0x88, $3  }
0x1: {  	(tag) =	ssettag $0x0;
	lr =	simm.s32 $0x1  }
0x2: {  	[smem:$0x3F93] =	sst lr;
	_ =	strace $0xD0000000  }
0x3: {  	_ = 	snop  }
0x4: {  	_ = 	snop  }
0x5: {  	_ = 	snop  }
0x6: {  	_ = 	snop  }
0x7: {  	_ = 	snop  }
__scs_overlays_trampoline_lowered:
0x8: {  	[smem:$0x3FA2] =	sst s0  }
0x9: {  	[smem:$0x3FA3] =	sst s1  }
0xa: {  	[smem:$0x3FA4] =	sst s2  }
0xb: {  	[smem:$0x3FA5] =	sst s3  }
0xc: {  	[smem:$0x3FA6] =	sst s4  }
0xd: {  	[smem:$0x3FA7] =	sst s5  }
0xe: {  	[smem:$0x3FA8] =	sst s6  }
0xf: {  	[smem:$0x3FA9] =	sst s7  }
0x10: {  	[smem:$0x3FAA] =	sst s8  }
0x11: {  	[smem:$0x3FAB] =	sst s9;
	s0 =	simm.s32 @!p0 $0x0  }
0x12: {  	s1 =	sld [smem:$0x3F91];
	s0 =	simm.s32 @p0 $0x1  }
0x13: {  	[smem:$0x3FAC] =	sst s0;
	s0 =	simm.s32 @!p1 $0x0  }
0x14: {  	s2 =	sld [smem:$0x3F90];
	s0 =	simm.s32 @p1 $0x1  }
0x15: {  	[smem:$0x3FAD] =	sst s0;
	s0 =	simm.s32 @!p2 $0x0  }
0x16: {  	s3 =	sld [smem:$0x3FDB];
	s0 =	simm.s32 @p2 $0x1  }
0x17: {  	s4 =	simm.s32 $0x1BF5;
	[smem:$0x3FAF] =	sst s0  }
0x18: {  	s0 =	sld [smem:$0x3F92];
	_ =	swait.ge [sflag:s4], $0x0  }
0x19: {  	s7 =	sld [smem:$0x3F93]  }
0x1a: {  	s8 =	sadd.s32 $0xFFFFE003, lr  }
0x1b: {  	s9 =	sadd.s32 $0xFFFFFEF7, lr;
	s5 =	simm.s32 $0xFFFFFFFF;
	p2 =	slt.u32 s8, $0xFFFFF086  }
0x1c: {  	p1 =	slt.u32 s9, $0xF7A;
	s5 =	simm.s32 @!p2 $0x0  }
0x1d: {  	s5 =	simm.s32 @p1 $0x1;
	p0 =	seq.s32 s7, s2  }
0x1e: {  	s7 =	smul.u32 @!p0 $0xF7A, s2;
	p2 =	seq.s32 @!p0 s5, $0x0  }
0x1f: {  	s9 =	smul.u32 $0xF7A, s1;
	s8 =	simm.s32 @!p0 $0x1BF5;
	p2 =	por !p2, p0  }
0x20: {  	[sflag:s8] =	ssyncset.s32 @!p0 $0xFFFFF086;
	s6 =	sadd.s32 @!p0 s3, s7;
	s7 =	simm.s32 @!p0 $0x108  }
0x21: {  	s3 =	sadd.s32 s3, s9;
	s6 =	sadd.s32 @!p0 $0x88, s6;
	s7 =	simm.s32 @p2 $0x1082  }
0x22: {  	[simem:s7], [sflag:s8] =	dma.local @!p0 [hbm:s6], $0xF7A  }
0x23: {  	s9 =	sor.u32 $0xD0000000, s2;
	s6 =	simm.s32 $0x108;
	_ =	swait.ge @!p0 [sflag:s8], $0x0  }
0x24: {  	s3 =	sadd.s32 $0x88, s3;
	s6 =	simm.s32 @!p1 $0x1082;
	[sflag:s4] =	ssyncset.s32 $0xFFFFF086  }
0x25: {  	[simem:s6], [sflag:s4] =	dma.local [hbm:s3], $0xF7A  }
0x26: {  	[smem:$0x3F93] =	sst s1;
	(tag) =	ssettag s2;
	_ =	strace s9  }
0x27: {  	s1 =	sld [smem:$0x3FA3]  }
0x28: {  	s2 =	sld [smem:$0x3FA4]  }
0x29: {  	s4 =	sld [smem:$0x3FA6]  }
0x2a: {  	p0 =	seq.s32 s5, $0x0;
	s5 =	sld [smem:$0x3FA7]  }
0x2b: {  	s6 =	sld [smem:$0x3FA8]  }
0x2c: {  	s7 =	sld [smem:$0x3FA9]  }
0x2d: {  	s3 =	simm.s32 $0x108;
	s8 =	sld [smem:$0x3FAA]  }
0x2e: {  	s3 =	simm.s32 @!p0 $0x1082;
	s9 =	sld [smem:$0x3FAB]  }
0x2f: {  	lr =	sadd.s32 s0, s3;
	s0 =	sld [smem:$0x3FA2]  }
0x30: {  	s3 =	sld [smem:$0x3FA5]  }
0x31: {  	[smem:$0x3FAE] =	sst s10  }
0x32: {  	s10 =	sld [smem:$0x3FAC];
	_ =	sdelay $0x3  }
0x33: {  	p0 =	seq.s32 s10, $0x1;
	s10 =	sld [smem:$0x3FAE];
	_ =	sdelay $0x3  }
0x34: {  	[smem:$0x3FAE] =	sst s10  }
0x35: {  	s10 =	sld [smem:$0x3FAD];
	_ =	sdelay $0x3  }
0x36: {  	p1 =	seq.s32 s10, $0x1;
	s10 =	sld [smem:$0x3FAE];
	_ =	sdelay $0x3  }
0x37: {  	[smem:$0x3FAE] =	sst s10  }
0x38: {  	s10 =	sld [smem:$0x3FAF]  }
0x39: {  	_ = 	snop;
	(pc) =	sbr.ind lr, $3  }
0x3a: {  	_ = 	snop  }
0x3b: {  	_ = 	snop  }
0x3c: {  	p2 =	seq.s32 s10, $0x1;
	s10 =	sld [smem:$0x3FAE]  }
0x3d: {  	_ =	shalt  }
0x3e: {  	_ =	shalt  }
0x3f: {  	_ =	shalt  }
0x40: {  	_ =	shalt  }
0x41: {  	_ =	shalt  }
0x42: {  	_ =	shalt  }
0x43: {  	_ =	shalt  }
0x44: {  	_ =	shalt  }
0x45: {  	_ =	shalt  }
0x46: {  	_ =	shalt  }
0x47: {  	_ =	shalt  }
0x48: {  	_ =	shalt  }
0x49: {  	_ =	shalt  }
0x4a: {  	_ =	shalt  }
0x4b: {  	_ =	shalt  }
0x4c: {  	_ =	shalt  }
0x4d: {  	_ =	shalt  }
0x4e: {  	_ =	shalt  }
0x4f: {  	_ =	shalt  }
0x50: {  	_ =	shalt  }
0x51: {  	_ =	shalt  }
0x52: {  	_ =	shalt  }
0x53: {  	_ =	shalt  }
0x54: {  	_ =	shalt  }
0x55: {  	_ =	shalt  }
0x56: {  	_ =	shalt  }
0x57: {  	_ =	shalt  }
0x58: {  	_ =	shalt  }
0x59: {  	_ =	shalt  }
0x5a: {  	_ =	shalt  }
0x5b: {  	_ =	shalt  }
0x5c: {  	_ =	shalt  }
0x5d: {  	_ =	shalt  }
0x5e: {  	_ =	shalt  }
0x5f: {  	_ =	shalt  }
0x60: {  	_ =	shalt  }
0x61: {  	_ =	shalt  }
0x62: {  	_ =	shalt  }
0x63: {  	_ =	shalt  }
0x64: {  	_ =	shalt  }
0x65: {  	_ =	shalt  }
0x66: {  	_ =	shalt  }
0x67: {  	_ =	shalt  }
0x68: {  	_ =	shalt  }
0x69: {  	_ =	shalt  }
0x6a: {  	_ =	shalt  }
0x6b: {  	_ =	shalt  }
0x6c: {  	_ =	shalt  }
0x6d: {  	_ =	shalt  }
0x6e: {  	_ =	shalt  }
0x6f: {  	_ =	shalt  }
0x70: {  	_ =	shalt  }
0x71: {  	_ =	shalt  }
0x72: {  	_ =	shalt  }
0x73: {  	_ =	shalt  }
0x74: {  	_ =	shalt  }
0x75: {  	_ =	shalt  }
0x76: {  	_ =	shalt  }
0x77: {  	_ =	shalt  }
0x78: {  	_ =	shalt  }
0x79: {  	_ =	shalt  }
0x7a: {  	_ =	shalt  }
0x7b: {  	_ =	shalt  }
0x7c: {  	_ =	shalt  }
0x7d: {  	_ =	shalt  }
0x7e: {  	_ =	shalt  }
0x7f: {  	_ =	shalt  }
0x80: {  	_ =	shalt  }
0x81: {  	_ =	shalt  }
0x82: {  	_ =	shalt  }
0x83: {  	_ =	shalt  }
0x84: {  	_ =	shalt  }
0x85: {  	_ =	shalt  }
0x86: {  	_ =	shalt  }
0x87: {  	_ =	shalt  }
.Lfunc_end0:
.L_simem_size_0:
called_computation_lowered:
.L_overlay_start_0:
0x88: {  	s2 =	sld [smem:$0x3FD9]  }
0x89: {  	s3 =	sld [smem:$0x3FFE];
	_ =	sdelay $0x1  }
0x8a: {  	s1 =	srdreg.scid  }
0x8b: {  	s0 =	sand.u32 $0x1, s1  }
0x8c: {  	s14 =	sshll.u32 s0, $0xA;
	s2 =	sadd.s32 s3, s2  }
0x8d: {  	s2 =	sadd.s32 s2, s14  }
0x8e: {  	[smem:$0x3FBA] =	sst s2  }
0x8f: {  	_ = 	snop  }
0x90: {  	s2 =	sld [smem:$0x3FD0];
	_ =	sdelay $0x2  }
0x91: {  	s15 =	simm.s32 $0xA;
	s4 =	simm.s32 $0x10  }
0x92: {  	[smem:s4], [sflag:s15] =	dma.local [hbm:s2], $0x1  }
0x93: {  	_ =	swait.eq [sflag:s15], $0x1  }
0x94: {  	[sflag:s15] =	ssyncset.done $0x0  }
0x95: {  	[sflag:s15] =	ssyncadd.s32 $0xFFFFFFFF  }
0x96: {  	s16 =	sld [smem:$0x11];
	(tm) =	ssettm $0x1  }
0x97: {  	s17 =	sld [smem:$0x3FFB];
	_ =	sdelay $0x3  }
0x98: {  	_ =	strace s17  }
0x99: {  	s3 =	sld [smem:$0x3FFC];
	_ =	sdelay $0x3  }
0x9a: {  	_ =	strace s3  }
0x9b: {  	s3 =	sld [smem:$0x3FFD];
	_ =	sdelay $0x3  }
0x9c: {  	_ =	strace s3  }
0x9d: {  	_ =	strace $0x8FFFFFFF  }
0x9e: {  	s18 =	sld [smem:$0x3FDB];
	_ =	sdelay $0x1  }
0x9f: {  	s19 =	simm.s32 $_scs_section_size  }
0xa0: {  	s5 =	simm.s32 $_size__tile_overlayer_lowered;
	s6 =	simm.s32 $_tile_overlayer_lowered  }
0xa1: {  	s22 =	simm.s32 $0x1BFF;
	s21 =	sshll.u32 s6, $0x1;
	s3 =	sadd.s32 s19, s18  }
0xa2: {  	s7 =	simm.s32 $0x0;
	s20 =	sshll.u32 s5, $0x1;
	s5 =	sadd.s32 s21, s3  }
0xa3: {  	[timem:s7], [sflag:s22] =	dma.local [hbm:s5], s20  }
0xa4: {  	_ =	swait.ge [sflag:s22], s20  }
0xa5: {  	s4 =	ssub.s32 $0x0, s20;
	[sflag:s22] =	ssyncset.done $0x0  }
0xa6: {  	[sflag:s22] =	ssyncadd.s32 s4;
	_ =	sdelay $0x1  }
0xa7: {  	s23 =	simm.s32 $0x1B8B  }
0xa8: {  	_ =	swait.ge [sflag:s23], $0x1  }
0xa9: {  	[sflag:s23] =	ssyncset.done $0x0  }
0xaa: {  	s25 =	simm.s32 $0x1B8E;
	s24 =	sld [smem:$0x3FFE];
	[sflag:s23] =	ssyncadd.s32 $0xFFFFFFFF  }
0xab: {  	s26 =	simm.s32 $execute0_lowered;
	[smem:$0x3FD2] =	sst s25  }
0xac: {  	s5 =	sshll.u32 s26, $0x1;
	_ =	strace $0x80000046;
	[dreg:$0x1] =	wrdreg $0xFFFFFFFF  }
0xad: {  	s28 =	simm.s32 $_size_execute0_lowered;
	s3 =	sadd.s32 s3, s5;
	[dreg:$0x0] =	wrdreg $0x0  }
0xae: {  	s5 =	sshll.u32 s28, $0x1;
	[dreg:$0x2] =	wrdreg s3  }
0xaf: {  	[dreg:$0x3] =	wrdreg s5  }
0xb0: {  	[dreg:$0x4] =	wrdreg $0xC0  }
0xb1: {  	_ =	task [dreg:s7], $0x5FFFF  }
0xb2: {  	[dreg:$0x1] =	wrdreg $0xFFFFFFFF  }
0xb3: {  	[dreg:$0x0] =	wrdreg $0x60  }
0xb4: {  	[dreg:$0x2] =	wrdreg s16  }
0xb5: {  	[dreg:$0x3] =	wrdreg s24  }
0xb6: {  	[dreg:$0x4] =	wrdreg $0x40800  }
0xb7: {  	[dreg:$0x5] =	wrdreg $0x9  }
0xb8: {  	_ =	task.clear_ibuf [dreg:s7], $0x6FFFF;
	_ =	strace $0x90000046  }
0xb9: {  	s29 =	simm.s32 $0x9;
	_ =	strace $0x80000048  }
0xba: {  	_ =	swait.ge [sflag:s29], $0x1  }
0xbb: {  	[sflag:s29] =	ssyncadd.s32 $0xFFFFFFFF  }
0xbc: {  	_ =	strace $0x90000048  }
0xbd: {  	_ =	sfence  }
0xbe: {  	s30 =	sld [smem:$0x0];
	_ =	sdelay $0x2  }
0xbf: {  	s31 =	sshll.u32 s1, $0xD;
	s1 =	sshrl.u32 s1, $0x2  }
0xc0: {  	s3 =	sand.u32 $0x4000, s31;
	s1 =	sadd.s32 s1, s30  }
0xc1: {  	s0 =	sor.u32 s3, s0;
	s1 =	sshll.u32 s1, $0x11  }
0xc2: {  	s0 =	sor.u32 s1, s0  }
0xc3: {  	s0 =	sadd.s32 $0x8F2B, s0  }
0xc4: {  	[sflag:s0] =	ssyncadd.remote.s32 $0x1  }
0xc5: {  	_ =	sfence.sel $0xFFFF  }
0xc6: {  	[dreg:$0x0] =	wrdreg $0xFFFFFFFF;
	(pc) =	sbr.abs _section_cstart, $3  }
0xc7: {  	[dreg:$0x1] =	wrdreg $0xFFFFFFFF  }
0xc8: {  	_ =	task.clear_ibuf [dreg:s7], $0x2FFFF;
	_ =	strace $0x9FFFFFFF  }
0xc9: {  	(tm) =	ssettm $0x7FFFFFFF  }
tec
execute0_lowered:
.L_overlay_start_1:
0x0: {  	(tag) =	ssettag $0x1  }
0x1: {  	s4 =	rddreg [dreg:$0x0]  }
0x2: {  	s5 =	rddreg [dreg:$0x1]  }
0x3: {  	s1 =	rddreg [dreg:$0x2]  }
0x4: {  	s0 =	rddreg [dreg:$0x3]  }
0x5: {  	s2 =	simm.s32 $0x0;
	s3 =	srdreg.scid;
	s8 =	stileid.u32  }
0x6: {  	s10 =	simm.s32 $0x4000;
	s11 =	simm.s32 $0x0;
	[smem:$0x7FF] =	sst s2  }
0x7: {  	s6 =	sand.u32 $0x1, s3;
	s3 =	sadd.s32 $0x4000, s5;
	s31 =	sshll.u32 s8, $0xC  }
0x8: {  	p0 =	sne.s32 s8, $0x0;
	_ =	strace $0x80000047;
	s7 =	sshll.u32 s6, $0x4  }
0x9: {  	s30 =	ssub.s32 $0x2, s6;
	s6 =	sshll.u32 s6, $0xB;
	s8 =	sshrl.u32 @!p0 s1, $0x3  }
0xa: {  	s5 =	sadd.s32 s7, s5;
	s9 =	sshrl.u32 s30, $0x1;
	s4 =	sadd.s32 s4, s6  }
0xb: {  	s7 =	ssub.s32 s30, s9;
	s4 =	sadd.s32 s31, s4;
	s5 =	sadd.s32 $0x4600, s5  }
0xc: {  	v0 =	vimm.f32 $1.000000000e+00;
	s9 =	simm.s32 $0x50;
	s6 =	smax.u32 s7, $0x1;
	s7 =	simm.s32 $0x1  }
.LBB2_1:
0xd: {  	[tilespmem:s2], [sflag:$0x1] =	stream.linear.gather [hbm4b:s4+s2], $0x3E80, $0x38;
	[tilespmem:$0x42F8] =	vst v63  }
0xe: {  	_ =	swait.ge [sflag:s7], $0x3E80  }
0xf: {  	[sflag:s7] =	ssyncset.done $0x0  }
0x10: {  	[sflag:s7] =	ssyncadd.s32 $0xFFFFC180  }
0x11: {  	[tilespmem:$0x4000] =	vst v0  }
0x12: {  	[tilespmem:$0x4010] =	vst v0  }
0x13: {  	[tilespmem:$0x4020] =	vst v0  }
0x14: {  	[tilespmem:$0x4030] =	vst v0  }
0x15: {  	s12 =	simm.s32 @!p0 $0x1C01;
	[tilespmem:$0x4040] =	vst v0  }
0x16: {  	[spmem:s8], [sflag:s12] =	dma.local @!p0 [hbm:s3], $0x4F0  }
0x17: {  	s12 =	simm.s32 @!p0 $0x1  }
0x18: {  	_ =	swait.ge @!p0 [sflag:s12], $0x4F0  }
0x19: {  	[sflag:s12] =	ssyncset.done @!p0 $0x0  }
0x1a: {  	[sflag:s12] =	ssyncadd.s32 @!p0 $0xFFFFFB10  }
0x1b: {  	s31 =	simm.s32 $0x0;
	[bflag:$0x0] =	sbarrier.arrive $0xFFFF  }
0x1c: {  	[spmem:s1] =	stream.indirect.scatter.add.f32 [tilespmem:s10], [sflag:$0x1], $0x1, s31, s9, $0xb8;
	[tilespmem:$0x42F8] =	vst v63  }
0x1d: {  	_ =	swait.ge [sflag:s7], $0x50  }
0x1e: {  	s12 =	simm.s32 $0x200;
	[sflag:s7] =	ssyncset.done $0x0  }
.LBB2_2:
0x1f: {  	s13 =	sshra.s32 s12, $0x2;
	[sflag:s7] =	ssyncadd.s32 $0xFFFFFFB0;
	p1 =	sne.s32 s12, $0xF800  }
0x20: {  	[spmem:s1] =	stream.indirect.scatter.add.f32 [tilespmem:s10], [sflag:$0x1], $0x1, s13, s9, $0xb8;
	[tilespmem:$0x42F8] =	vst v63  }
.Ltmp0:
0x21: {  	_ = 	snop;
	(pc) =	sbr.rel @p1 .LBB2_2-.Ltmp0, $4  }
0x22: {  	_ = 	snop  }
0x23: {  	s12 =	sadd.s32 $0x200, s12  }
0x24: {  	_ =	swait.ge [sflag:s7], $0x50  }
0x25: {  	[sflag:s7] =	ssyncset.done $0x0  }
0x26: {  	[sflag:s7] =	ssyncadd.s32 $0xFFFFFFB0;
	s12 =	simm.s32 @!p0 $0x1;
	s11 =	sadd.s32 $0x1, s11  }
0x27: {  	s13 =	simm.s32 @!p0 $0x20;
	s14 =	simm.s32 @!p0 $0x10;
	p1 =	sne.s32 s11, s6  }
.Ltmp1:
0x28: {  	s15 =	simm.s32 @!p0 $0x1C01;
	[bflag:$0x0] =	sbarrier.arrive $0xFFFF;
	(pc) =	sbr.rel @p1 .LBB2_1-.Ltmp1, $4  }
0x29: {  	[hbm:s5@s13], [sflag:s15] =	dma.strided @!p0 [spmem:s8@s14], $0x4F0, s12, $0x10   }
0x2a: {  	_ =	swait.ge @!p0 [sflag:s12], $0x4F0  }
0x2b: {  	[sflag:s12] =	ssyncset.done @!p0 $0x0  }
0x2c: {  	[sflag:s12] =	ssyncadd.s32 @!p0 $0xFFFFFB10  }
0x2d: {  	_ =	sfence.sel $0x180000  }
0x2e: {  	[bflag:$0x0] =	sbarrier.arrive $0xFFFF  }
0x2f: {  	_ =	strace $0x90000047  }
0x30: {  	s0 =	sadd.s32 @!p0 $0x100000, s0;
	[bflag:$0x2] =	sbarrier.arrive $0xFFFF  }
0x31: {  	[sflag:s0] =	ssyncadd.tile.s32 @!p0 $0x1;
	_ =	shalt  }
.Lfunc_end2:
_tile_overlayer_lowered:
.L_overlay_start_2:
0x32: {  	(tag) =	ssettag $0x2  }
0x33: {  	s0 =	rddreg [dreg:$0x0];
	s2 =	stileid.u32  }
0x34: {  	s1 =	rddreg [dreg:$0x1];
	p0 =	sne.s32 s2, $0x0  }
0x35: {  	s3 =	rddreg [dreg:$0x2];
	[bflag:$0x3] =	sbarrier.arrive $0xFFFF;
	s2 =	simm.s32 @!p0 $0x1C01  }
0x36: {  	[timem:s3], [sflag:s2] =	dma.local @!p0 [hbm:s0], s1  }
0x37: {  	s0 =	simm.s32 @!p0 $0x1  }
0x38: {  	_ =	swait.ge @!p0 [sflag:s0], s1  }
0x39: {  	s1 =	ssub.s32 @!p0 $0x0, s1;
	[sflag:s0] =	ssyncset.done @!p0 $0x0  }
0x3a: {  	[sflag:s0] =	ssyncadd.s32 @!p0 s1  }
0x3b: {  	[bflag:$0x3] =	sbarrier.arrive $0xFFFF  }
0x3c: {  	_ =	shalt  }

// kernel: sc_spmm.11.cloned.1.call-start
scs
__scs_entry_jumppad:
0x0: {  	(pc) =	sbr.rel $0x88, $3  }
0x1: {  	(tag) =	ssettag $0x0;
	lr =	simm.s32 $0x1  }
0x2: {  	[smem:$0x3F93] =	sst lr;
	_ =	strace $0xD0000000  }
0x3: {  	_ = 	snop  }
0x4: {  	_ = 	snop  }
0x5: {  	_ = 	snop  }
0x6: {  	_ = 	snop  }
0x7: {  	_ = 	snop  }
__scs_overlays_trampoline_lowered:
0x8: {  	[smem:$0x3FA2] =	sst s0  }
0x9: {  	[smem:$0x3FA3] =	sst s1  }
0xa: {  	[smem:$0x3FA4] =	sst s2  }
0xb: {  	[smem:$0x3FA5] =	sst s3  }
0xc: {  	[smem:$0x3FA6] =	sst s4  }
0xd: {  	[smem:$0x3FA7] =	sst s5  }
0xe: {  	[smem:$0x3FA8] =	sst s6  }
0xf: {  	[smem:$0x3FA9] =	sst s7  }
0x10: {  	[smem:$0x3FAA] =	sst s8  }
0x11: {  	[smem:$0x3FAB] =	sst s9;
	s0 =	simm.s32 @!p0 $0x0  }
0x12: {  	s1 =	sld [smem:$0x3F91];
	s0 =	simm.s32 @p0 $0x1  }
0x13: {  	[smem:$0x3FAC] =	sst s0;
	s0 =	simm.s32 @!p1 $0x0  }
0x14: {  	s2 =	sld [smem:$0x3F90];
	s0 =	simm.s32 @p1 $0x1  }
0x15: {  	[smem:$0x3FAD] =	sst s0;
	s0 =	simm.s32 @!p2 $0x0  }
0x16: {  	s3 =	sld [smem:$0x3FDB];
	s0 =	simm.s32 @p2 $0x1  }
0x17: {  	s4 =	simm.s32 $0x1BF5;
	[smem:$0x3FAF] =	sst s0  }
0x18: {  	s0 =	sld [smem:$0x3F92];
	_ =	swait.ge [sflag:s4], $0x0  }
0x19: {  	s7 =	sld [smem:$0x3F93]  }
0x1a: {  	s8 =	sadd.s32 $0xFFFFE003, lr  }
0x1b: {  	s9 =	sadd.s32 $0xFFFFFEF7, lr;
	s5 =	simm.s32 $0xFFFFFFFF;
	p2 =	slt.u32 s8, $0xFFFFF086  }
0x1c: {  	p1 =	slt.u32 s9, $0xF7A;
	s5 =	simm.s32 @!p2 $0x0  }
0x1d: {  	s5 =	simm.s32 @p1 $0x1;
	p0 =	seq.s32 s7, s2  }
0x1e: {  	s7 =	smul.u32 @!p0 $0xF7A, s2;
	p2 =	seq.s32 @!p0 s5, $0x0  }
0x1f: {  	s9 =	smul.u32 $0xF7A, s1;
	s8 =	simm.s32 @!p0 $0x1BF5;
	p2 =	por !p2, p0  }
0x20: {  	[sflag:s8] =	ssyncset.s32 @!p0 $0xFFFFF086;
	s6 =	sadd.s32 @!p0 s3, s7;
	s7 =	simm.s32 @!p0 $0x108  }
0x21: {  	s3 =	sadd.s32 s3, s9;
	s6 =	sadd.s32 @!p0 $0x88, s6;
	s7 =	simm.s32 @p2 $0x1082  }
0x22: {  	[simem:s7], [sflag:s8] =	dma.local @!p0 [hbm:s6], $0xF7A  }
0x23: {  	s9 =	sor.u32 $0xD0000000, s2;
	s6 =	simm.s32 $0x108;
	_ =	swait.ge @!p0 [sflag:s8], $0x0  }
0x24: {  	s3 =	sadd.s32 $0x88, s3;
	s6 =	simm.s32 @!p1 $0x1082;
	[sflag:s4] =	ssyncset.s32 $0xFFFFF086  }
0x25: {  	[simem:s6], [sflag:s4] =	dma.local [hbm:s3], $0xF7A  }
0x26: {  	[smem:$0x3F93] =	sst s1;
	(tag) =	ssettag s2;
	_ =	strace s9  }
0x27: {  	s1 =	sld [smem:$0x3FA3]  }
0x28: {  	s2 =	sld [smem:$0x3FA4]  }
0x29: {  	s4 =	sld [smem:$0x3FA6]  }
0x2a: {  	p0 =	seq.s32 s5, $0x0;
	s5 =	sld [smem:$0x3FA7]  }
0x2b: {  	s6 =	sld [smem:$0x3FA8]  }
0x2c: {  	s7 =	sld [smem:$0x3FA9]  }
0x2d: {  	s3 =	simm.s32 $0x108;
	s8 =	sld [smem:$0x3FAA]  }
0x2e: {  	s3 =	simm.s32 @!p0 $0x1082;
	s9 =	sld [smem:$0x3FAB]  }
0x2f: {  	lr =	sadd.s32 s0, s3;
	s0 =	sld [smem:$0x3FA2]  }
0x30: {  	s3 =	sld [smem:$0x3FA5]  }
0x31: {  	[smem:$0x3FAE] =	sst s10  }
0x32: {  	s10 =	sld [smem:$0x3FAC];
	_ =	sdelay $0x3  }
0x33: {  	p0 =	seq.s32 s10, $0x1;
	s10 =	sld [smem:$0x3FAE];
	_ =	sdelay $0x3  }
0x34: {  	[smem:$0x3FAE] =	sst s10  }
0x35: {  	s10 =	sld [smem:$0x3FAD];
	_ =	sdelay $0x3  }
0x36: {  	p1 =	seq.s32 s10, $0x1;
	s10 =	sld [smem:$0x3FAE];
	_ =	sdelay $0x3  }
0x37: {  	[smem:$0x3FAE] =	sst s10  }
0x38: {  	s10 =	sld [smem:$0x3FAF]  }
0x39: {  	_ = 	snop;
	(pc) =	sbr.ind lr, $3  }
0x3a: {  	_ = 	snop  }
0x3b: {  	_ = 	snop  }
0x3c: {  	p2 =	seq.s32 s10, $0x1;
	s10 =	sld [smem:$0x3FAE]  }
0x3d: {  	_ =	shalt  }
0x3e: {  	_ =	shalt  }
0x3f: {  	_ =	shalt  }
0x40: {  	_ =	shalt  }
0x41: {  	_ =	shalt  }
0x42: {  	_ =	shalt  }
0x43: {  	_ =	shalt  }
0x44: {  	_ =	shalt  }
0x45: {  	_ =	shalt  }
0x46: {  	_ =	shalt  }
0x47: {  	_ =	shalt  }
0x48: {  	_ =	shalt  }
0x49: {  	_ =	shalt  }
0x4a: {  	_ =	shalt  }
0x4b: {  	_ =	shalt  }
0x4c: {  	_ =	shalt  }
0x4d: {  	_ =	shalt  }
0x4e: {  	_ =	shalt  }
0x4f: {  	_ =	shalt  }
0x50: {  	_ =	shalt  }
0x51: {  	_ =	shalt  }
0x52: {  	_ =	shalt  }
0x53: {  	_ =	shalt  }
0x54: {  	_ =	shalt  }
0x55: {  	_ =	shalt  }
0x56: {  	_ =	shalt  }
0x57: {  	_ =	shalt  }
0x58: {  	_ =	shalt  }
0x59: {  	_ =	shalt  }
0x5a: {  	_ =	shalt  }
0x5b: {  	_ =	shalt  }
0x5c: {  	_ =	shalt  }
0x5d: {  	_ =	shalt  }
0x5e: {  	_ =	shalt  }
0x5f: {  	_ =	shalt  }
0x60: {  	_ =	shalt  }
0x61: {  	_ =	shalt  }
0x62: {  	_ =	shalt  }
0x63: {  	_ =	shalt  }
0x64: {  	_ =	shalt  }
0x65: {  	_ =	shalt  }
0x66: {  	_ =	shalt  }
0x67: {  	_ =	shalt  }
0x68: {  	_ =	shalt  }
0x69: {  	_ =	shalt  }
0x6a: {  	_ =	shalt  }
0x6b: {  	_ =	shalt  }
0x6c: {  	_ =	shalt  }
0x6d: {  	_ =	shalt  }
0x6e: {  	_ =	shalt  }
0x6f: {  	_ =	shalt  }
0x70: {  	_ =	shalt  }
0x71: {  	_ =	shalt  }
0x72: {  	_ =	shalt  }
0x73: {  	_ =	shalt  }
0x74: {  	_ =	shalt  }
0x75: {  	_ =	shalt  }
0x76: {  	_ =	shalt  }
0x77: {  	_ =	shalt  }
0x78: {  	_ =	shalt  }
0x79: {  	_ =	shalt  }
0x7a: {  	_ =	shalt  }
0x7b: {  	_ =	shalt  }
0x7c: {  	_ =	shalt  }
0x7d: {  	_ =	shalt  }
0x7e: {  	_ =	shalt  }
0x7f: {  	_ =	shalt  }
0x80: {  	_ =	shalt  }
0x81: {  	_ =	shalt  }
0x82: {  	_ =	shalt  }
0x83: {  	_ =	shalt  }
0x84: {  	_ =	shalt  }
0x85: {  	_ =	shalt  }
0x86: {  	_ =	shalt  }
0x87: {  	_ =	shalt  }
.Lfunc_end0:
.L_simem_size_0:
called_computation.3_lowered:
.L_overlay_start_0:
0x88: {  	s2 =	sld [smem:$0x3FD9]  }
0x89: {  	s3 =	sld [smem:$0x3FFE];
	_ =	sdelay $0x1  }
0x8a: {  	s1 =	srdreg.scid  }
0x8b: {  	s0 =	sand.u32 $0x1, s1  }
0x8c: {  	s14 =	sshll.u32 s0, $0xA;
	s2 =	sadd.s32 s3, s2  }
0x8d: {  	s2 =	sadd.s32 s2, s14  }
0x8e: {  	[smem:$0x3FBA] =	sst s2  }
0x8f: {  	_ = 	snop  }
0x90: {  	s2 =	sld [smem:$0x3FD0];
	_ =	sdelay $0x2  }
0x91: {  	s15 =	simm.s32 $0xA;
	s4 =	simm.s32 $0x10  }
0x92: {  	[smem:s4], [sflag:s15] =	dma.local [hbm:s2], $0x1  }
0x93: {  	_ =	swait.eq [sflag:s15], $0x1  }
0x94: {  	[sflag:s15] =	ssyncset.done $0x0  }
0x95: {  	s16 =	sld [smem:$0x10];
	[sflag:s15] =	ssyncadd.s32 $0xFFFFFFFF  }
0x96: {  	s17 =	sld [smem:$0x11];
	(tm) =	ssettm $0x1  }
0x97: {  	s18 =	sld [smem:$0x3FFB];
	_ =	sdelay $0x3  }
0x98: {  	_ =	strace s18  }
0x99: {  	s4 =	sld [smem:$0x3FFC];
	_ =	sdelay $0x3  }
0x9a: {  	_ =	strace s4  }
0x9b: {  	s4 =	sld [smem:$0x3FFD];
	_ =	sdelay $0x3  }
0x9c: {  	_ =	strace s4  }
0x9d: {  	_ =	strace $0x8FFFFFFF  }
0x9e: {  	s19 =	sld [smem:$0x3FDB];
	_ =	sdelay $0x1  }
0x9f: {  	s5 =	simm.s32 $_scs_section_size  }
0xa0: {  	s6 =	simm.s32 $_size__tile_overlayer_lowered;
	s7 =	simm.s32 $_tile_overlayer_lowered  }
0xa1: {  	s22 =	simm.s32 $0x1BFF;
	s21 =	sshll.u32 s7, $0x1;
	s4 =	sadd.s32 s5, s19  }
0xa2: {  	s8 =	simm.s32 $0x0;
	s20 =	sshll.u32 s6, $0x1;
	s6 =	sadd.s32 s21, s4  }
0xa3: {  	[timem:s8], [sflag:s22] =	dma.local [hbm:s6], s20  }
0xa4: {  	_ =	swait.ge [sflag:s22], s20  }
0xa5: {  	s5 =	ssub.s32 $0x0, s20;
	[sflag:s22] =	ssyncset.done $0x0  }
0xa6: {  	[sflag:s22] =	ssyncadd.s32 s5;
	_ =	sdelay $0x1  }
0xa7: {  	s23 =	simm.s32 $0x1B8B  }
0xa8: {  	_ =	swait.ge [sflag:s23], $0x1  }
0xa9: {  	[sflag:s23] =	ssyncset.done $0x0  }
0xaa: {  	s25 =	simm.s32 $0x1B8E;
	s24 =	sld [smem:$0x3FFE];
	[sflag:s23] =	ssyncadd.s32 $0xFFFFFFFF  }
0xab: {  	s26 =	simm.s32 $execute0_lowered;
	[smem:$0x3FD2] =	sst s25  }
0xac: {  	s6 =	sshll.u32 s26, $0x1;
	_ =	strace $0x8000004F;
	[dreg:$0x1] =	wrdreg $0xFFFFFFFF  }
0xad: {  	s28 =	simm.s32 $_size_execute0_lowered;
	s4 =	sadd.s32 s4, s6;
	[dreg:$0x0] =	wrdreg $0x0  }
0xae: {  	s6 =	sshll.u32 s28, $0x1;
	[dreg:$0x2] =	wrdreg s4  }
0xaf: {  	[dreg:$0x3] =	wrdreg s6  }
0xb0: {  	[dreg:$0x4] =	wrdreg $0xC0  }
0xb1: {  	_ =	task [dreg:s8], $0x5FFFF  }
0xb2: {  	[dreg:$0x1] =	wrdreg $0xFFFFFFFF  }
0xb3: {  	[dreg:$0x0] =	wrdreg $0x60  }
0xb4: {  	[dreg:$0x2] =	wrdreg s24  }
0xb5: {  	[dreg:$0x3] =	wrdreg s16  }
0xb6: {  	[dreg:$0x4] =	wrdreg s17  }
0xb7: {  	[dreg:$0x5] =	wrdreg $0xB7800  }
0xb8: {  	[dreg:$0x6] =	wrdreg $0x9  }
0xb9: {  	_ =	task.clear_ibuf [dreg:s8], $0x7FFFF;
	_ =	strace $0x9000004F  }
0xba: {  	s29 =	simm.s32 $0x9;
	_ =	strace $0x80000051  }
0xbb: {  	_ =	swait.ge [sflag:s29], $0x1  }
0xbc: {  	[sflag:s29] =	ssyncadd.s32 $0xFFFFFFFF  }
0xbd: {  	_ =	strace $0x90000051  }
0xbe: {  	_ =	sfence  }
0xbf: {  	s30 =	sld [smem:$0x0];
	_ =	sdelay $0x2  }
0xc0: {  	s31 =	sshll.u32 s1, $0xD;
	s1 =	sshrl.u32 s1, $0x2  }
0xc1: {  	s3 =	sand.u32 $0x4000, s31;
	s1 =	sadd.s32 s1, s30  }
0xc2: {  	s0 =	sor.u32 s3, s0;
	s1 =	sshll.u32 s1, $0x11  }
0xc3: {  	s0 =	sor.u32 s1, s0  }
0xc4: {  	s0 =	sadd.s32 $0x8F2B, s0  }
0xc5: {  	[sflag:s0] =	ssyncadd.remote.s32 $0x1  }
0xc6: {  	_ =	sfence.sel $0xFFFF  }
0xc7: {  	[dreg:$0x0] =	wrdreg $0xFFFFFFFF;
	(pc) =	sbr.abs _section_cstart, $3  }
0xc8: {  	[dreg:$0x1] =	wrdreg $0xFFFFFFFF  }
0xc9: {  	_ =	task.clear_ibuf [dreg:s8], $0x2FFFF;
	_ =	strace $0x9FFFFFFF  }
0xca: {  	(tm) =	ssettm $0x7FFFFFFF  }
0xcb: {  	_ =	shalt  }
tec
execute0_lowered:
.L_overlay_start_1:
0x0: {  	(tag) =	ssettag $0x1  }
0x1: {  	s5 =	rddreg [dreg:$0x0]  }
0x2: {  	s6 =	rddreg [dreg:$0x1]  }
0x3: {  	s7 =	rddreg [dreg:$0x2];
	s0 =	stileid.u32  }
0x4: {  	s1 =	srdreg.scid;
	s2 =	rddreg [dreg:$0x3]  }
0x5: {  	s3 =	simm.s32 $0x0;
	s16 =	simm.s32 $0x50;
	s17 =	simm.s32 $0x6780  }
0x6: {  	s18 =	simm.s32 $0x8F80;
	s19 =	simm.s32 $0x1;
	s20 =	simm.s32 $0x2  }
0x7: {  	s21 =	simm.s32 $0x6580;
	s22 =	simm.s32 $0x0;
	s8 =	smul.u32 $0x3E80, s0  }
0x8: {  	s9 =	sand.u32 $0x1, s1;
	s1 =	rddreg [dreg:$0x4];
	s11 =	smul.u32 $0x1F400, s0  }
0x9: {  	[smem:$0x7FF] =	sst s3;
	s4 =	sadd.s32 $0x4000, s5;
	s15 =	smul.u32 $0x7D000, s0  }
0xa: {  	s29 =	sshll.u32 s0, $0x1;
	s12 =	sshrl.u32 s0, $0x2;
	s10 =	smul.u32 $0x138800, s9  }
0xb: {  	p0 =	sgt.u32 s0, $0x9;
	_ =	strace $0x80000050;
	s12 =	smul.u32 $0x13C00, s12  }
0xc: {  	s8 =	sadd.s32 s8, s5;
	s31 =	sshrl.u32 s15, $0x2;
	s10 =	sadd.s32 s11, s10  }
0xd: {  	s11 =	sor.u32 s9, s29;
	s9 =	ssub.s32 $0x2, s9;
	s15 =	sadd.s32 s31, s2  }
0xe: {  	s10 =	sshrl.u32 s10, $0x3;
	s13 =	sshll.u32 s11, $0x7;
	s14 =	sshrl.u32 s9, $0x1  }
0xf: {  	s11 =	sshll.u32 s11, $0xB;
	s15 =	sshrl.u32 @!p0 s15, $0x3;
	s13 =	sand.u32 $0x380, s13  }
0x10: {  	s10 =	sadd.s32 s10, s5;
	s9 =	ssub.s32 s9, s14;
	s14 =	sshll.u32 @!p0 s0, $0x6  }
0x11: {  	s30 =	sor.u32 s12, s13;
	s9 =	smax.u32 s9, $0x1;
	s12 =	simm.s32 $0x3  }
0x12: {  	s13 =	simm.s32 $0x2780;
	s14 =	sor.u32 @!p0 $0x1C03, s14;
	s5 =	sshrl.u32 s30, $0x3  }
0x13: {  	s5 =	sadd.s32 s6, s5;
	s6 =	sadd.s32 s7, s11;
	s7 =	sadd.s32 $0x2B200, s8  }
0x14: {  	s8 =	sadd.s32 $0x52400, s10;
	s10 =	simm.s32 $0x80;
	s11 =	simm.s32 $0x400  }
.LBB2_1:
0x15: {  	[tilespmem:s3], [sflag:$0x3] =	stream.strided.gather [hbm4b:s5+s10], $0x2780, s11, s10, $0x38;
	[tilespmem:$0x1F000] =	vst v63  }
0x16: {  	_ =	swait.ge [sflag:s12], $0x2780  }
0x17: {  	[sflag:s12] =	ssyncset.done $0x0  }
0x18: {  	[sflag:s12] =	ssyncadd.s32 $0xFFFFD880  }
0x19: {  	[tilespmem:s13], [sflag:$0x3] =	stream.linear.gather [hbm4b:s6+s3], $0x3E80, $0x38;
	[tilespmem:$0x1F000] =	vst v63  }
0x1a: {  	_ =	swait.ge [sflag:s12], $0x3E80  }
0x1b: {  	[sflag:s12] =	ssyncset.done $0x0  }
0x1c: {  	s23 =	simm.s32 @!p0 $0x3;
	[sflag:s12] =	ssyncadd.s32 $0xFFFFC180  }
0x1d: {  	[spmem:s15], [sflag:s14] =	dma.local @!p0 [hbm:s7], $0x3E80  }
0x1e: {  	_ =	swait.ge @!p0 [sflag:s23], $0x3E80  }
0x1f: {  	[sflag:s23] =	ssyncset.done @!p0 $0x0  }
0x20: {  	[sflag:s23] =	ssyncadd.s32 @!p0 $0xFFFFC180  }
0x21: {  	[bflag:$0x0] =	sbarrier.arrive $0xFFFF  }
0x22: {  	[tilespmem:s17], [sflag:$0x1] =	stream.indirect.gather [hbm4b:s4+s16], $0x80, s3, s16, $0xb8;
	[tilespmem:$0x1F000] =	vst v63  }
0x23: {  	s28 =	simm.s32 $0x50  }
0x24: {  	[tilespmem:s18], [sflag:$0x2] =	stream.indirect.gather [hbm4b:s4+s16], $0x80, s28, s16, $0xb8;
	[tilespmem:$0x1F000] =	vst v63  }
0x25: {  	_ =	swait.ge [sflag:s19], $0x2800  }
0x26: {  	[sflag:s19] =	ssyncset.done $0x0  }
0x27: {  	s29 =	simm.s32 $0x2780;
	[sflag:s19] =	ssyncadd.s32 $0xFFFFD800  }
0x28: {  	[spmem:s2] =	stream.indirect.scatter.add.f32 [tilespmem:s17], [sflag:$0x3], $0x80, s29, s16, $0xb8;
	[tilespmem:$0x1F000] =	vst v63  }
0x29: {  	_ =	swait.ge [sflag:s12], $0x2800  }
0x2a: {  	[sflag:s12] =	ssyncset.done $0x0  }
0x2b: {  	s30 =	simm.s32 $0xA0;
	[sflag:s12] =	ssyncadd.s32 $0xFFFFD800  }
0x2c: {  	[tilespmem:s17], [sflag:$0x1] =	stream.indirect.gather [hbm4b:s4+s16], $0x80, s30, s16, $0xb8;
	[tilespmem:$0x1F000] =	vst v63  }
0x2d: {  	_ =	swait.ge [sflag:s20], $0x2800  }
0x2e: {  	[sflag:s20] =	ssyncset.done $0x0  }
0x2f: {  	s31 =	simm.s32 $0x2800;
	[sflag:s20] =	ssyncadd.s32 $0xFFFFD800  }
0x30: {  	[spmem:s2] =	stream.indirect.scatter.add.f32 [tilespmem:s18], [sflag:$0x3], $0x80, s31, s16, $0xb8;
	[tilespmem:$0x1F000] =	vst v63  }
0x31: {  	s24 =	simm.s32 $0x400;
	_ =	swait.ge [sflag:s12], $0x2800  }
0x32: {  	s25 =	simm.s32 $0x800;
	s23 =	simm.s32 $0x140;
	[sflag:s12] =	ssyncset.done $0x0  }
.LBB2_2:
0x33: {  	p1 =	sne.s32 s25, $0xF400;
	s26 =	sadd.s32 $0xFFFFFFB0, s23;
	[sflag:s12] =	ssyncadd.s32 $0xFFFFD800  }
0x34: {  	[tilespmem:s18], [sflag:$0x2] =	stream.indirect.gather [hbm4b:s4+s16], $0x80, s26, s16, $0xb8;
	[tilespmem:$0x1F000] =	vst v63  }
0x35: {  	s26 =	smov.u32 s25;
	s25 =	sadd.s32 $0x400, s25;
	_ =	swait.ge [sflag:s19], $0x2800  }
0x36: {  	s28 =	sshra.s32 s24, $0x2;
	s24 =	smov.u32 s26;
	[sflag:s19] =	ssyncset.done $0x0  }
0x37: {  	s26 =	sadd.s32 $0x2780, s28;
	[sflag:s19] =	ssyncadd.s32 $0xFFFFD800  }
0x38: {  	[spmem:s2] =	stream.indirect.scatter.add.f32 [tilespmem:s17], [sflag:$0x3], $0x80, s26, s16, $0xb8;
	[tilespmem:$0x1F000] =	vst v63  }
0x39: {  	_ =	swait.ge [sflag:s12], $0x2800  }
0x3a: {  	[sflag:s12] =	ssyncset.done $0x0  }
0x3b: {  	[sflag:s12] =	ssyncadd.s32 $0xFFFFD800  }
0x3c: {  	[tilespmem:s17], [sflag:$0x1] =	stream.indirect.gather [hbm4b:s4+s16], $0x80, s23, s16, $0xb8;
	[tilespmem:$0x1F000] =	vst v63  }
0x3d: {  	_ =	swait.ge [sflag:s20], $0x2800  }
.Ltmp0:
0x3e: {  	[sflag:s20] =	ssyncset.done $0x0;
	(pc) =	sbr.rel @p1 .LBB2_2-.Ltmp0, $4  }
0x3f: {  	s26 =	sadd.s32 $0x2800, s28;
	[sflag:s20] =	ssyncadd.s32 $0xFFFFD800  }
0x40: {  	[spmem:s2] =	stream.indirect.scatter.add.f32 [tilespmem:s18], [sflag:$0x3], $0x80, s26, s16, $0xb8;
	[tilespmem:$0x1F000] =	vst v63  }
0x41: {  	_ =	swait.ge [sflag:s12], $0x2800  }
0x42: {  	s23 =	sadd.s32 $0xA0, s23;
	[sflag:s12] =	ssyncset.done $0x0  }
0x43: {  	s25 =	sadd.s32 $0xFFFFFFB0, s23;
	[sflag:s12] =	ssyncadd.s32 $0xFFFFD800  }
0x44: {  	[tilespmem:s18], [sflag:$0x2] =	stream.indirect.gather [hbm4b:s4+s16], $0x80, s25, s16, $0xb8;
	[tilespmem:$0x1F000] =	vst v63  }
0x45: {  	_ =	swait.ge [sflag:s19], $0x2800  }
0x46: {  	s24 =	sshra.s32 s24, $0x2;
	[sflag:s19] =	ssyncset.done $0x0  }
0x47: {  	s30 =	sadd.s32 $0x2780, s24;
	[sflag:s19] =	ssyncadd.s32 $0xFFFFD800  }
0x48: {  	[spmem:s2] =	stream.indirect.scatter.add.f32 [tilespmem:s17], [sflag:$0x3], $0x80, s30, s16, $0xb8;
	[tilespmem:$0x1F000] =	vst v63  }
0x49: {  	_ =	swait.ge [sflag:s12], $0x2800  }
0x4a: {  	[sflag:s12] =	ssyncset.done $0x0  }
0x4b: {  	[sflag:s12] =	ssyncadd.s32 $0xFFFFD800  }
0x4c: {  	[tilespmem:s17], [sflag:$0x1] =	stream.indirect.gather [hbm4b:s4+s16], $0x80, s23, s16, $0xb8;
	[tilespmem:$0x1F000] =	vst v63  }
0x4d: {  	_ =	swait.ge [sflag:s20], $0x2800  }
0x4e: {  	[sflag:s20] =	ssyncset.done $0x0  }
0x4f: {  	s31 =	sadd.s32 $0x2800, s24;
	[sflag:s20] =	ssyncadd.s32 $0xFFFFD800  }
0x50: {  	[spmem:s2] =	stream.indirect.scatter.add.f32 [tilespmem:s18], [sflag:$0x3], $0x80, s31, s16, $0xb8;
	[tilespmem:$0x1F000] =	vst v63  }
0x51: {  	_ =	swait.ge [sflag:s12], $0x2800  }
0x52: {  	[sflag:s12] =	ssyncset.done $0x0  }
0x53: {  	[sflag:s12] =	ssyncadd.s32 $0xFFFFD800  }
0x54: {  	_ =	swait.ge [sflag:s19], $0x2800  }
0x55: {  	[sflag:s19] =	ssyncset.done $0x0  }
0x56: {  	[sflag:s19] =	ssyncadd.s32 $0xFFFFD800  }
0x57: {  	[spmem:s2] =	stream.indirect.scatter.add.f32 [tilespmem:s17], [sflag:$0x3], $0x80, s21, s16, $0xb8;
	[tilespmem:$0x1F000] =	vst v63  }
0x58: {  	_ =	swait.ge [sflag:s12], $0x2800  }
0x59: {  	s22 =	sadd.s32 $0x1, s22;
	[sflag:s12] =	ssyncset.done $0x0  }
0x5a: {  	p1 =	sne.s32 s22, s9;
	[sflag:s12] =	ssyncadd.s32 $0xFFFFD800  }
.Ltmp1:
0x5b: {  	s23 =	simm.s32 @!p0 $0x3;
	[bflag:$0x0] =	sbarrier.arrive $0xFFFF;
	(pc) =	sbr.rel @p1 .LBB2_1-.Ltmp1, $4  }
0x5c: {  	[hbm:s8], [sflag:s14] =	dma.local @!p0 [spmem:s15], $0x3E80  }
0x5d: {  	_ =	swait.ge @!p0 [sflag:s23], $0x3E80  }
0x5e: {  	[sflag:s23] =	ssyncset.done @!p0 $0x0  }
0x5f: {  	[sflag:s23] =	ssyncadd.s32 @!p0 $0xFFFFC180  }
0x60: {  	_ =	sfence.sel $0x180000  }
0x61: {  	[bflag:$0x0] =	sbarrier.arrive $0xFFFF  }
0x62: {  	p0 =	sne.s32 s0, $0x0;
	_ =	strace $0x90000050  }
0x63: {  	s0 =	sadd.s32 @!p0 $0x100000, s1;
	[bflag:$0x2] =	sbarrier.arrive $0xFFFF  }
0x64: {  	[sflag:s0] =	ssyncadd.tile.s32 @!p0 $0x1;
	_ =	shalt  }
.Lfunc_end2:
_tile_overlayer_lowered:
.L_overlay_start_2:
0x65: {  	(tag) =	ssettag $0x2  }
0x66: {  	s0 =	rddreg [dreg:$0x0];
	s2 =	stileid.u32  }
0x67: {  	s1 =	rddreg [dreg:$0x1];
	p0 =	sne.s32 s2, $0x0  }
0x68: {  	s3 =	rddreg [dreg:$0x2];
	[bflag:$0x3] =	sbarrier.arrive $0xFFFF;
	s2 =	simm.s32 @!p0 $0x1C03  }
0x69: {  	[timem:s3], [sflag:s2] =	dma.local @!p0 [hbm:s0], s1  }
0x6a: {  	s0 =	simm.s32 @!p0 $0x3  }
0x6b: {  	_ =	swait.ge @!p0 [sflag:s0], s1  }
0x6c: {  	s1 =	ssub.s32 @!p0 $0x0, s1;
	[sflag:s0] =	ssyncset.done @!p0 $0x0  }
0x6d: {  	[sflag:s0] =	ssyncadd.s32 @!p0 s1  }
0x6e: {  	[bflag:$0x3] =	sbarrier.arrive $0xFFFF  }
0x6f: {  	_ =	shalt  }

// kernel: sc_spmm.5.cloned.1.call-start
scs
__scs_entry_jumppad:
0x0: {  	(pc) =	sbr.rel $0x88, $3  }
0x1: {  	(tag) =	ssettag $0x0;
	lr =	simm.s32 $0x1  }
0x2: {  	[smem:$0x3F93] =	sst lr;
	_ =	strace $0xD0000000  }
0x3: {  	_ = 	snop  }
0x4: {  	_ = 	snop  }
0x5: {  	_ = 	snop  }
0x6: {  	_ = 	snop  }
0x7: {  	_ = 	snop  }
__scs_overlays_trampoline_lowered:
0x8: {  	[smem:$0x3FA2] =	sst s0  }
0x9: {  	[smem:$0x3FA3] =	sst s1  }
0xa: {  	[smem:$0x3FA4] =	sst s2  }
0xb: {  	[smem:$0x3FA5] =	sst s3  }
0xc: {  	[smem:$0x3FA6] =	sst s4  }
0xd: {  	[smem:$0x3FA7] =	sst s5  }
0xe: {  	[smem:$0x3FA8] =	sst s6  }
0xf: {  	[smem:$0x3FA9] =	sst s7  }
0x10: {  	[smem:$0x3FAA] =	sst s8  }
0x11: {  	[smem:$0x3FAB] =	sst s9;
	s0 =	simm.s32 @!p0 $0x0  }
0x12: {  	s1 =	sld [smem:$0x3F91];
	s0 =	simm.s32 @p0 $0x1  }
0x13: {  	[smem:$0x3FAC] =	sst s0;
	s0 =	simm.s32 @!p1 $0x0  }
0x14: {  	s2 =	sld [smem:$0x3F90];
	s0 =	simm.s32 @p1 $0x1  }
0x15: {  	[smem:$0x3FAD] =	sst s0;
	s0 =	simm.s32 @!p2 $0x0  }
0x16: {  	s3 =	sld [smem:$0x3FDB];
	s0 =	simm.s32 @p2 $0x1  }
0x17: {  	s4 =	simm.s32 $0x1BF5;
	[smem:$0x3FAF] =	sst s0  }
0x18: {  	s0 =	sld [smem:$0x3F92];
	_ =	swait.ge [sflag:s4], $0x0  }
0x19: {  	s7 =	sld [smem:$0x3F93]  }
0x1a: {  	s8 =	sadd.s32 $0xFFFFE003, lr  }
0x1b: {  	s9 =	sadd.s32 $0xFFFFFEF7, lr;
	s5 =	simm.s32 $0xFFFFFFFF;
	p2 =	slt.u32 s8, $0xFFFFF086  }
0x1c: {  	p1 =	slt.u32 s9, $0xF7A;
	s5 =	simm.s32 @!p2 $0x0  }
0x1d: {  	s5 =	simm.s32 @p1 $0x1;
	p0 =	seq.s32 s7, s2  }
0x1e: {  	s7 =	smul.u32 @!p0 $0xF7A, s2;
	p2 =	seq.s32 @!p0 s5, $0x0  }
0x1f: {  	s9 =	smul.u32 $0xF7A, s1;
	s8 =	simm.s32 @!p0 $0x1BF5;
	p2 =	por !p2, p0  }
0x20: {  	[sflag:s8] =	ssyncset.s32 @!p0 $0xFFFFF086;
	s6 =	sadd.s32 @!p0 s3, s7;
	s7 =	simm.s32 @!p0 $0x108  }
0x21: {  	s3 =	sadd.s32 s3, s9;
	s6 =	sadd.s32 @!p0 $0x88, s6;
	s7 =	simm.s32 @p2 $0x1082  }
0x22: {  	[simem:s7], [sflag:s8] =	dma.local @!p0 [hbm:s6], $0xF7A  }
0x23: {  	s9 =	sor.u32 $0xD0000000, s2;
	s6 =	simm.s32 $0x108;
	_ =	swait.ge @!p0 [sflag:s8], $0x0  }
0x24: {  	s3 =	sadd.s32 $0x88, s3;
	s6 =	simm.s32 @!p1 $0x1082;
	[sflag:s4] =	ssyncset.s32 $0xFFFFF086  }
0x25: {  	[simem:s6], [sflag:s4] =	dma.local [hbm:s3], $0xF7A  }
0x26: {  	[smem:$0x3F93] =	sst s1;
	(tag) =	ssettag s2;
	_ =	strace s9  }
0x27: {  	s1 =	sld [smem:$0x3FA3]  }
0x28: {  	s2 =	sld [smem:$0x3FA4]  }
0x29: {  	s4 =	sld [smem:$0x3FA6]  }
0x2a: {  	p0 =	seq.s32 s5, $0x0;
	s5 =	sld [smem:$0x3FA7]  }
0x2b: {  	s6 =	sld [smem:$0x3FA8]  }
0x2c: {  	s7 =	sld [smem:$0x3FA9]  }
0x2d: {  	s3 =	simm.s32 $0x108;
	s8 =	sld [smem:$0x3FAA]  }
0x2e: {  	s3 =	simm.s32 @!p0 $0x1082;
	s9 =	sld [smem:$0x3FAB]  }
0x2f: {  	lr =	sadd.s32 s0, s3;
	s0 =	sld [smem:$0x3FA2]  }
0x30: {  	s3 =	sld [smem:$0x3FA5]  }
0x31: {  	[smem:$0x3FAE] =	sst s10  }
0x32: {  	s10 =	sld [smem:$0x3FAC];
	_ =	sdelay $0x3  }
0x33: {  	p0 =	seq.s32 s10, $0x1;
	s10 =	sld [smem:$0x3FAE];
	_ =	sdelay $0x3  }
0x34: {  	[smem:$0x3FAE] =	sst s10  }
0x35: {  	s10 =	sld [smem:$0x3FAD];
	_ =	sdelay $0x3  }
0x36: {  	p1 =	seq.s32 s10, $0x1;
	s10 =	sld [smem:$0x3FAE];
	_ =	sdelay $0x3  }
0x37: {  	[smem:$0x3FAE] =	sst s10  }
0x38: {  	s10 =	sld [smem:$0x3FAF]  }
0x39: {  	_ = 	snop;
	(pc) =	sbr.ind lr, $3  }
0x3a: {  	_ = 	snop  }
0x3b: {  	_ = 	snop  }
0x3c: {  	p2 =	seq.s32 s10, $0x1;
	s10 =	sld [smem:$0x3FAE]  }
0x3d: {  	_ =	shalt  }
0x3e: {  	_ =	shalt  }
0x3f: {  	_ =	shalt  }
0x40: {  	_ =	shalt  }
0x41: {  	_ =	shalt  }
0x42: {  	_ =	shalt  }
0x43: {  	_ =	shalt  }
0x44: {  	_ =	shalt  }
0x45: {  	_ =	shalt  }
0x46: {  	_ =	shalt  }
0x47: {  	_ =	shalt  }
0x48: {  	_ =	shalt  }
0x49: {  	_ =	shalt  }
0x4a: {  	_ =	shalt  }
0x4b: {  	_ =	shalt  }
0x4c: {  	_ =	shalt  }
0x4d: {  	_ =	shalt  }
0x4e: {  	_ =	shalt  }
0x4f: {  	_ =	shalt  }
0x50: {  	_ =	shalt  }
0x51: {  	_ =	shalt  }
0x52: {  	_ =	shalt  }
0x53: {  	_ =	shalt  }
0x54: {  	_ =	shalt  }
0x55: {  	_ =	shalt  }
0x56: {  	_ =	shalt  }
0x57: {  	_ =	shalt  }
0x58: {  	_ =	shalt  }
0x59: {  	_ =	shalt  }
0x5a: {  	_ =	shalt  }
0x5b: {  	_ =	shalt  }
0x5c: {  	_ =	shalt  }
0x5d: {  	_ =	shalt  }
0x5e: {  	_ =	shalt  }
0x5f: {  	_ =	shalt  }
0x60: {  	_ =	shalt  }
0x61: {  	_ =	shalt  }
0x62: {  	_ =	shalt  }
0x63: {  	_ =	shalt  }
0x64: {  	_ =	shalt  }
0x65: {  	_ =	shalt  }
0x66: {  	_ =	shalt  }
0x67: {  	_ =	shalt  }
0x68: {  	_ =	shalt  }
0x69: {  	_ =	shalt  }
0x6a: {  	_ =	shalt  }
0x6b: {  	_ =	shalt  }
0x6c: {  	_ =	shalt  }
0x6d: {  	_ =	shalt  }
0x6e: {  	_ =	shalt  }
0x6f: {  	_ =	shalt  }
0x70: {  	_ =	shalt  }
0x71: {  	_ =	shalt  }
0x72: {  	_ =	shalt  }
0x73: {  	_ =	shalt  }
0x74: {  	_ =	shalt  }
0x75: {  	_ =	shalt  }
0x76: {  	_ =	shalt  }
0x77: {  	_ =	shalt  }
0x78: {  	_ =	shalt  }
0x79: {  	_ =	shalt  }
0x7a: {  	_ =	shalt  }
0x7b: {  	_ =	shalt  }
0x7c: {  	_ =	shalt  }
0x7d: {  	_ =	shalt  }
0x7e: {  	_ =	shalt  }
0x7f: {  	_ =	shalt  }
0x80: {  	_ =	shalt  }
0x81: {  	_ =	shalt  }
0x82: {  	_ =	shalt  }
0x83: {  	_ =	shalt  }
0x84: {  	_ =	shalt  }
0x85: {  	_ =	shalt  }
0x86: {  	_ =	shalt  }
0x87: {  	_ =	shalt  }
.Lfunc_end0:
.L_simem_size_0:
called_computation.1_lowered:
.L_overlay_start_0:
0x88: {  	s2 =	sld [smem:$0x3FD9]  }
0x89: {  	s3 =	sld [smem:$0x3FFE];
	_ =	sdelay $0x1  }
0x8a: {  	s1 =	srdreg.scid  }
0x8b: {  	s0 =	sand.u32 $0x1, s1  }
0x8c: {  	s14 =	sshll.u32 s0, $0xA;
	s2 =	sadd.s32 s3, s2  }
0x8d: {  	s2 =	sadd.s32 s2, s14  }
0x8e: {  	[smem:$0x3FBA] =	sst s2  }
0x8f: {  	_ = 	snop  }
0x90: {  	s2 =	sld [smem:$0x3FD0];
	_ =	sdelay $0x2  }
0x91: {  	s15 =	simm.s32 $0xA;
	s4 =	simm.s32 $0x10  }
0x92: {  	[smem:s4], [sflag:s15] =	dma.local [hbm:s2], $0x1  }
0x93: {  	_ =	swait.eq [sflag:s15], $0x1  }
0x94: {  	[sflag:s15] =	ssyncset.done $0x0  }
0x95: {  	s16 =	sld [smem:$0x10];
	[sflag:s15] =	ssyncadd.s32 $0xFFFFFFFF  }
0x96: {  	s17 =	sld [smem:$0x11];
	(tm) =	ssettm $0x1  }
0x97: {  	s18 =	sld [smem:$0x3FFB];
	_ =	sdelay $0x3  }
0x98: {  	_ =	strace s18  }
0x99: {  	s4 =	sld [smem:$0x3FFC];
	_ =	sdelay $0x3  }
0x9a: {  	_ =	strace s4  }
0x9b: {  	s4 =	sld [smem:$0x3FFD];
	_ =	sdelay $0x3  }
0x9c: {  	_ =	strace s4  }
0x9d: {  	_ =	strace $0x8FFFFFFF  }
0x9e: {  	s19 =	sld [smem:$0x3FDB];
	_ =	sdelay $0x1  }
0x9f: {  	s5 =	simm.s32 $_scs_section_size  }
0xa0: {  	s6 =	simm.s32 $_size__tile_overlayer_lowered;
	s7 =	simm.s32 $_tile_overlayer_lowered  }
0xa1: {  	s22 =	simm.s32 $0x1BFF;
	s21 =	sshll.u32 s7, $0x1;
	s4 =	sadd.s32 s5, s19  }
0xa2: {  	s8 =	simm.s32 $0x0;
	s20 =	sshll.u32 s6, $0x1;
	s6 =	sadd.s32 s21, s4  }
0xa3: {  	[timem:s8], [sflag:s22] =	dma.local [hbm:s6], s20  }
0xa4: {  	_ =	swait.ge [sflag:s22], s20  }
0xa5: {  	s5 =	ssub.s32 $0x0, s20;
	[sflag:s22] =	ssyncset.done $0x0  }
0xa6: {  	[sflag:s22] =	ssyncadd.s32 s5;
	_ =	sdelay $0x1  }
0xa7: {  	s23 =	simm.s32 $0x1B8B  }
0xa8: {  	_ =	swait.ge [sflag:s23], $0x1  }
0xa9: {  	[sflag:s23] =	ssyncset.done $0x0  }
0xaa: {  	s25 =	simm.s32 $0x1B8E;
	s24 =	sld [smem:$0x3FFE];
	[sflag:s23] =	ssyncadd.s32 $0xFFFFFFFF  }
0xab: {  	s26 =	simm.s32 $execute0_lowered;
	[smem:$0x3FD2] =	sst s25  }
0xac: {  	s6 =	sshll.u32 s26, $0x1;
	_ =	strace $0x80000049;
	[dreg:$0x1] =	wrdreg $0xFFFFFFFF  }
0xad: {  	s28 =	simm.s32 $_size_execute0_lowered;
	s4 =	sadd.s32 s4, s6;
	[dreg:$0x0] =	wrdreg $0x0  }
0xae: {  	s6 =	sshll.u32 s28, $0x1;
	[dreg:$0x2] =	wrdreg s4  }
0xaf: {  	[dreg:$0x3] =	wrdreg s6  }
0xb0: {  	[dreg:$0x4] =	wrdreg $0xC0  }
0xb1: {  	_ =	task [dreg:s8], $0x5FFFF  }
0xb2: {  	[dreg:$0x1] =	wrdreg $0xFFFFFFFF  }
0xb3: {  	[dreg:$0x0] =	wrdreg $0x60  }
0xb4: {  	[dreg:$0x2] =	wrdreg s24  }
0xb5: {  	[dreg:$0x3] =	wrdreg s16  }
0xb6: {  	[dreg:$0x4] =	wrdreg s17  }
0xb7: {  	[dreg:$0x5] =	wrdreg $0xB7800  }
0xb8: {  	[dreg:$0x6] =	wrdreg $0x9  }
0xb9: {  	_ =	task.clear_ibuf [dreg:s8], $0x7FFFF;
	_ =	strace $0x90000049  }
0xba: {  	s29 =	simm.s32 $0x9;
	_ =	strace $0x8000004B  }
0xbb: {  	_ =	swait.ge [sflag:s29], $0x1  }
0xbc: {  	[sflag:s29] =	ssyncadd.s32 $0xFFFFFFFF  }
0xbd: {  	_ =	strace $0x9000004B  }
0xbe: {  	_ =	sfence  }
0xbf: {  	s30 =	sld [smem:$0x0];
	_ =	sdelay $0x2  }
0xc0: {  	s31 =	sshll.u32 s1, $0xD;
	s1 =	sshrl.u32 s1, $0x2  }
0xc1: {  	s3 =	sand.u32 $0x4000, s31;
	s1 =	sadd.s32 s1, s30  }
0xc2: {  	s0 =	sor.u32 s3, s0;
	s1 =	sshll.u32 s1, $0x11  }
0xc3: {  	s0 =	sor.u32 s1, s0  }
0xc4: {  	s0 =	sadd.s32 $0x8F2B, s0  }
0xc5: {  	[sflag:s0] =	ssyncadd.remote.s32 $0x1  }
0xc6: {  	_ =	sfence.sel $0xFFFF  }
0xc7: {  	[dreg:$0x0] =	wrdreg $0xFFFFFFFF;
	(pc) =	sbr.abs _section_cstart, $3  }
0xc8: {  	[dreg:$0x1] =	wrdreg $0xFFFFFFFF  }
0xc9: {  	_ =	task.clear_ibuf [dreg:s8], $0x2FFFF;
	_ =	strace $0x9FFFFFFF  }
0xca: {  	(tm) =	ssettm $0x7FFFFFFF  }
0xcb: {  	_ =	shalt  }
tec
execute0_lowered:
.L_overlay_start_1:
0x0: {  	(tag) =	ssettag $0x1  }
0x1: {  	s5 =	rddreg [dreg:$0x0]  }
0x2: {  	s6 =	rddreg [dreg:$0x1]  }
0x3: {  	s7 =	rddreg [dreg:$0x2];
	s0 =	stileid.u32  }
0x4: {  	s1 =	srdreg.scid;
	s2 =	rddreg [dreg:$0x3]  }
0x5: {  	s3 =	simm.s32 $0x0;
	s16 =	simm.s32 $0x50;
	s17 =	simm.s32 $0x6780  }
0x6: {  	s18 =	simm.s32 $0x8F80;
	s19 =	simm.s32 $0x1;
	s20 =	simm.s32 $0x2  }
0x7: {  	s21 =	simm.s32 $0x6580;
	s22 =	simm.s32 $0x0;
	s8 =	smul.u32 $0x3E80, s0  }
0x8: {  	s9 =	sand.u32 $0x1, s1;
	s1 =	rddreg [dreg:$0x4];
	s11 =	smul.u32 $0x1F400, s0  }
0x9: {  	[smem:$0x7FF] =	sst s3;
	s4 =	sadd.s32 $0x4000, s5;
	s15 =	smul.u32 $0x7D000, s0  }
0xa: {  	s29 =	sshll.u32 s0, $0x1;
	s12 =	sshrl.u32 s0, $0x2;
	s10 =	smul.u32 $0x138800, s9  }
0xb: {  	p0 =	sgt.u32 s0, $0x9;
	_ =	strace $0x8000004A;
	s12 =	smul.u32 $0x13C00, s12  }
0xc: {  	s8 =	sadd.s32 s8, s5;
	s31 =	sshrl.u32 s15, $0x2;
	s10 =	sadd.s32 s11, s10  }
0xd: {  	s11 =	sor.u32 s9, s29;
	s9 =	ssub.s32 $0x2, s9;
	s15 =	sadd.s32 s31, s2  }
0xe: {  	s10 =	sshrl.u32 s10, $0x3;
	s13 =	sshll.u32 s11, $0x7;
	s14 =	sshrl.u32 s9, $0x1  }
0xf: {  	s11 =	sshll.u32 s11, $0xB;
	s15 =	sshrl.u32 @!p0 s15, $0x3;
	s13 =	sand.u32 $0x380, s13  }
0x10: {  	s10 =	sadd.s32 s10, s5;
	s9 =	ssub.s32 s9, s14;
	s14 =	sshll.u32 @!p0 s0, $0x6  }
0x11: {  	s30 =	sor.u32 s12, s13;
	s9 =	smax.u32 s9, $0x1;
	s12 =	simm.s32 $0x3  }
0x12: {  	s13 =	simm.s32 $0x2780;
	s14 =	sor.u32 @!p0 $0x1C03, s14;
	s5 =	sshrl.u32 s30, $0x3  }
0x13: {  	s5 =	sadd.s32 s6, s5;
	s6 =	sadd.s32 s7, s11;
	s7 =	sadd.s32 $0x2B200, s8  }
0x14: {  	s8 =	sadd.s32 $0x52400, s10;
	s10 =	simm.s32 $0x80;
	s11 =	simm.s32 $0x400  }
.LBB2_1:
0x15: {  	[tilespmem:s3], [sflag:$0x3] =	stream.strided.gather [hbm4b:s5+s10], $0x2780, s11, s10, $0x38;
	[tilespmem:$0x1F000] =	vst v63  }
0x16: {  	_ =	swait.ge [sflag:s12], $0x2780  }
0x17: {  	[sflag:s12] =	ssyncset.done $0x0  }
0x18: {  	[sflag:s12] =	ssyncadd.s32 $0xFFFFD880  }
0x19: {  	[tilespmem:s13], [sflag:$0x3] =	stream.linear.gather [hbm4b:s6+s3], $0x3E80, $0x38;
	[tilespmem:$0x1F000] =	vst v63  }
0x1a: {  	_ =	swait.ge [sflag:s12], $0x3E80  }
0x1b: {  	[sflag:s12] =	ssyncset.done $0x0  }
0x1c: {  	s23 =	simm.s32 @!p0 $0x3;
	[sflag:s12] =	ssyncadd.s32 $0xFFFFC180  }
0x1d: {  	[spmem:s15], [sflag:s14] =	dma.local @!p0 [hbm:s7], $0x3E80  }
0x1e: {  	_ =	swait.ge @!p0 [sflag:s23], $0x3E80  }
0x1f: {  	[sflag:s23] =	ssyncset.done @!p0 $0x0  }
0x20: {  	[sflag:s23] =	ssyncadd.s32 @!p0 $0xFFFFC180  }
0x21: {  	[bflag:$0x0] =	sbarrier.arrive $0xFFFF  }
0x22: {  	[tilespmem:s17], [sflag:$0x1] =	stream.indirect.gather [hbm4b:s4+s16], $0x80, s3, s16, $0xb8;
	[tilespmem:$0x1F000] =	vst v63  }
0x23: {  	s28 =	simm.s32 $0x50  }
0x24: {  	[tilespmem:s18], [sflag:$0x2] =	stream.indirect.gather [hbm4b:s4+s16], $0x80, s28, s16, $0xb8;
	[tilespmem:$0x1F000] =	vst v63  }
0x25: {  	_ =	swait.ge [sflag:s19], $0x2800  }
0x26: {  	[sflag:s19] =	ssyncset.done $0x0  }
0x27: {  	s29 =	simm.s32 $0x2780;
	[sflag:s19] =	ssyncadd.s32 $0xFFFFD800  }
0x28: {  	[spmem:s2] =	stream.indirect.scatter.add.f32 [tilespmem:s17], [sflag:$0x3], $0x80, s29, s16, $0xb8;
	[tilespmem:$0x1F000] =	vst v63  }
0x29: {  	_ =	swait.ge [sflag:s12], $0x2800  }
0x2a: {  	[sflag:s12] =	ssyncset.done $0x0  }
0x2b: {  	s30 =	simm.s32 $0xA0;
	[sflag:s12] =	ssyncadd.s32 $0xFFFFD800  }
0x2c: {  	[tilespmem:s17], [sflag:$0x1] =	stream.indirect.gather [hbm4b:s4+s16], $0x80, s30, s16, $0xb8;
	[tilespmem:$0x1F000] =	vst v63  }
0x2d: {  	_ =	swait.ge [sflag:s20], $0x2800  }
0x2e: {  	[sflag:s20] =	ssyncset.done $0x0  }
0x2f: {  	s31 =	simm.s32 $0x2800;
	[sflag:s20] =	ssyncadd.s32 $0xFFFFD800  }
0x30: {  	[spmem:s2] =	stream.indirect.scatter.add.f32 [tilespmem:s18], [sflag:$0x3], $0x80, s31, s16, $0xb8;
	[tilespmem:$0x1F000] =	vst v63  }
0x31: {  	s24 =	simm.s32 $0x400;
	_ =	swait.ge [sflag:s12], $0x2800  }
0x32: {  	s25 =	simm.s32 $0x800;
	s23 =	simm.s32 $0x140;
	[sflag:s12] =	ssyncset.done $0x0  }
.LBB2_2:
0x33: {  	p1 =	sne.s32 s25, $0xF400;
	s26 =	sadd.s32 $0xFFFFFFB0, s23;
	[sflag:s12] =	ssyncadd.s32 $0xFFFFD800  }
0x34: {  	[tilespmem:s18], [sflag:$0x2] =	stream.indirect.gather [hbm4b:s4+s16], $0x80, s26, s16, $0xb8;
	[tilespmem:$0x1F000] =	vst v63  }
0x35: {  	s26 =	smov.u32 s25;
	s25 =	sadd.s32 $0x400, s25;
	_ =	swait.ge [sflag:s19], $0x2800  }
0x36: {  	s28 =	sshra.s32 s24, $0x2;
	s24 =	smov.u32 s26;
	[sflag:s19] =	ssyncset.done $0x0  }
0x37: {  	s26 =	sadd.s32 $0x2780, s28;
	[sflag:s19] =	ssyncadd.s32 $0xFFFFD800  }
0x38: {  	[spmem:s2] =	stream.indirect.scatter.add.f32 [tilespmem:s17], [sflag:$0x3], $0x80, s26, s16, $0xb8;
	[tilespmem:$0x1F000] =	vst v63  }
0x39: {  	_ =	swait.ge [sflag:s12], $0x2800  }
0x3a: {  	[sflag:s12] =	ssyncset.done $0x0  }
0x3b: {  	[sflag:s12] =	ssyncadd.s32 $0xFFFFD800  }
0x3c: {  	[tilespmem:s17], [sflag:$0x1] =	stream.indirect.gather [hbm4b:s4+s16], $0x80, s23, s16, $0xb8;
	[tilespmem:$0x1F000] =	vst v63  }
0x3d: {  	_ =	swait.ge [sflag:s20], $0x2800  }
.Ltmp0:
0x3e: {  	[sflag:s20] =	ssyncset.done $0x0;
	(pc) =	sbr.rel @p1 .LBB2_2-.Ltmp0, $4  }
0x3f: {  	s26 =	sadd.s32 $0x2800, s28;
	[sflag:s20] =	ssyncadd.s32 $0xFFFFD800  }
0x40: {  	[spmem:s2] =	stream.indirect.scatter.add.f32 [tilespmem:s18], [sflag:$0x3], $0x80, s26, s16, $0xb8;
	[tilespmem:$0x1F000] =	vst v63  }
0x41: {  	_ =	swait.ge [sflag:s12], $0x2800  }
0x42: {  	s23 =	sadd.s32 $0xA0, s23;
	[sflag:s12] =	ssyncset.done $0x0  }
0x43: {  	s25 =	sadd.s32 $0xFFFFFFB0, s23;
	[sflag:s12] =	ssyncadd.s32 $0xFFFFD800  }
0x44: {  	[tilespmem:s18], [sflag:$0x2] =	stream.indirect.gather [hbm4b:s4+s16], $0x80, s25, s16, $0xb8;
	[tilespmem:$0x1F000] =	vst v63  }
0x45: {  	_ =	swait.ge [sflag:s19], $0x2800  }
0x46: {  	s24 =	sshra.s32 s24, $0x2;
	[sflag:s19] =	ssyncset.done $0x0  }
0x47: {  	s30 =	sadd.s32 $0x2780, s24;
	[sflag:s19] =	ssyncadd.s32 $0xFFFFD800  }
0x48: {  	[spmem:s2] =	stream.indirect.scatter.add.f32 [tilespmem:s17], [sflag:$0x3], $0x80, s30, s16, $0xb8;
	[tilespmem:$0x1F000] =	vst v63  }
0x49: {  	_ =	swait.ge [sflag:s12], $0x2800  }
0x4a: {  	[sflag:s12] =	ssyncset.done $0x0  }
0x4b: {  	[sflag:s12] =	ssyncadd.s32 $0xFFFFD800  }
0x4c: {  	[tilespmem:s17], [sflag:$0x1] =	stream.indirect.gather [hbm4b:s4+s16], $0x80, s23, s16, $0xb8;
	[tilespmem:$0x1F000] =	vst v63  }
0x4d: {  	_ =	swait.ge [sflag:s20], $0x2800  }
0x4e: {  	[sflag:s20] =	ssyncset.done $0x0  }
0x4f: {  	s31 =	sadd.s32 $0x2800, s24;
	[sflag:s20] =	ssyncadd.s32 $0xFFFFD800  }
0x50: {  	[spmem:s2] =	stream.indirect.scatter.add.f32 [tilespmem:s18], [sflag:$0x3], $0x80, s31, s16, $0xb8;
	[tilespmem:$0x1F000] =	vst v63  }
0x51: {  	_ =	swait.ge [sflag:s12], $0x2800  }
0x52: {  	[sflag:s12] =	ssyncset.done $0x0  }
0x53: {  	[sflag:s12] =	ssyncadd.s32 $0xFFFFD800  }
0x54: {  	_ =	swait.ge [sflag:s19], $0x2800  }
0x55: {  	[sflag:s19] =	ssyncset.done $0x0  }
0x56: {  	[sflag:s19] =	ssyncadd.s32 $0xFFFFD800  }
0x57: {  	[spmem:s2] =	stream.indirect.scatter.add.f32 [tilespmem:s17], [sflag:$0x3], $0x80, s21, s16, $0xb8;
	[tilespmem:$0x1F000] =	vst v63  }
0x58: {  	_ =	swait.ge [sflag:s12], $0x2800  }
0x59: {  	s22 =	sadd.s32 $0x1, s22;
	[sflag:s12] =	ssyncset.done $0x0  }
0x5a: {  	p1 =	sne.s32 s22, s9;
	[sflag:s12] =	ssyncadd.s32 $0xFFFFD800  }
.Ltmp1:
0x5b: {  	s23 =	simm.s32 @!p0 $0x3;
	[bflag:$0x0] =	sbarrier.arrive $0xFFFF;
	(pc) =	sbr.rel @p1 .LBB2_1-.Ltmp1, $4  }
0x5c: {  	[hbm:s8], [sflag:s14] =	dma.local @!p0 [spmem:s15], $0x3E80  }
0x5d: {  	_ =	swait.ge @!p0 [sflag:s23], $0x3E80  }
0x5e: {  	[sflag:s23] =	ssyncset.done @!p0 $0x0  }
0x5f: {  	[sflag:s23] =	ssyncadd.s32 @!p0 $0xFFFFC180  }
0x60: {  	_ =	sfence.sel $0x180000  }
0x61: {  	[bflag:$0x0] =	sbarrier.arrive $0xFFFF  }
0x62: {  	p0 =	sne.s32 s0, $0x0;
	_ =	strace $0x9000004A  }
0x63: {  	s0 =	sadd.s32 @!p0 $0x100000, s1;
	[bflag:$0x2] =	sbarrier.arrive $0xFFFF  }
0x64: {  	[sflag:s0] =	ssyncadd.tile.s32 @!p0 $0x1;
	_ =	shalt  }
.Lfunc_end2:
_tile_overlayer_lowered:
.L_overlay_start_2:
0x65: {  	(tag) =	ssettag $0x2  }
0x66: {  	s0 =	rddreg [dreg:$0x0];
	s2 =	stileid.u32  }
0x67: {  	s1 =	rddreg [dreg:$0x1];
	p0 =	sne.s32 s2, $0x0  }
0x68: {  	s3 =	rddreg [dreg:$0x2];
	[bflag:$0x3] =	sbarrier.arrive $0xFFFF;
	s2 =	simm.s32 @!p0 $0x1C03  }
0x69: {  	[timem:s3], [sflag:s2] =	dma.local @!p0 [hbm:s0], s1  }
0x6a: {  	s0 =	simm.s32 @!p0 $0x3  }
0x6b: {  	_ =	swait.ge @!p0 [sflag:s0], s1  }
0x6c: {  	s1 =	ssub.s32 @!p0 $0x0, s1;
	[sflag:s0] =	ssyncset.done @!p0 $0x0  }
0x6d: {  	[sflag:s0] =	ssyncadd.s32 @!p0 s1  }
0x6e: {  	[bflag:$0x3] =	sbarrier.arrive $0xFFFF  }
0x6f: {  	_ =	shalt  }

// kernel: sc_spmm.8.cloned.1.call-start
scs
__scs_entry_jumppad:
0x0: {  	(pc) =	sbr.rel $0x88, $3  }
0x1: {  	(tag) =	ssettag $0x0;
	lr =	simm.s32 $0x1  }
0x2: {  	[smem:$0x3F93] =	sst lr;
	_ =	strace $0xD0000000  }
0x3: {  	_ = 	snop  }
0x4: {  	_ = 	snop  }
0x5: {  	_ = 	snop  }
0x6: {  	_ = 	snop  }
0x7: {  	_ = 	snop  }
__scs_overlays_trampoline_lowered:
0x8: {  	[smem:$0x3FA2] =	sst s0  }
0x9: {  	[smem:$0x3FA3] =	sst s1  }
0xa: {  	[smem:$0x3FA4] =	sst s2  }
0xb: {  	[smem:$0x3FA5] =	sst s3  }
0xc: {  	[smem:$0x3FA6] =	sst s4  }
0xd: {  	[smem:$0x3FA7] =	sst s5  }
0xe: {  	[smem:$0x3FA8] =	sst s6  }
0xf: {  	[smem:$0x3FA9] =	sst s7  }
0x10: {  	[smem:$0x3FAA] =	sst s8  }
0x11: {  	[smem:$0x3FAB] =	sst s9;
	s0 =	simm.s32 @!p0 $0x0  }
0x12: {  	s1 =	sld [smem:$0x3F91];
	s0 =	simm.s32 @p0 $0x1  }
0x13: {  	[smem:$0x3FAC] =	sst s0;
	s0 =	simm.s32 @!p1 $0x0  }
0x14: {  	s2 =	sld [smem:$0x3F90];
	s0 =	simm.s32 @p1 $0x1  }
0x15: {  	[smem:$0x3FAD] =	sst s0;
	s0 =	simm.s32 @!p2 $0x0  }
0x16: {  	s3 =	sld [smem:$0x3FDB];
	s0 =	simm.s32 @p2 $0x1  }
0x17: {  	s4 =	simm.s32 $0x1BF5;
	[smem:$0x3FAF] =	sst s0  }
0x18: {  	s0 =	sld [smem:$0x3F92];
	_ =	swait.ge [sflag:s4], $0x0  }
0x19: {  	s7 =	sld [smem:$0x3F93]  }
0x1a: {  	s8 =	sadd.s32 $0xFFFFE003, lr  }
0x1b: {  	s9 =	sadd.s32 $0xFFFFFEF7, lr;
	s5 =	simm.s32 $0xFFFFFFFF;
	p2 =	slt.u32 s8, $0xFFFFF086  }
0x1c: {  	p1 =	slt.u32 s9, $0xF7A;
	s5 =	simm.s32 @!p2 $0x0  }
0x1d: {  	s5 =	simm.s32 @p1 $0x1;
	p0 =	seq.s32 s7, s2  }
0x1e: {  	s7 =	smul.u32 @!p0 $0xF7A, s2;
	p2 =	seq.s32 @!p0 s5, $0x0  }
0x1f: {  	s9 =	smul.u32 $0xF7A, s1;
	s8 =	simm.s32 @!p0 $0x1BF5;
	p2 =	por !p2, p0  }
0x20: {  	[sflag:s8] =	ssyncset.s32 @!p0 $0xFFFFF086;
	s6 =	sadd.s32 @!p0 s3, s7;
	s7 =	simm.s32 @!p0 $0x108  }
0x21: {  	s3 =	sadd.s32 s3, s9;
	s6 =	sadd.s32 @!p0 $0x88, s6;
	s7 =	simm.s32 @p2 $0x1082  }
0x22: {  	[simem:s7], [sflag:s8] =	dma.local @!p0 [hbm:s6], $0xF7A  }
0x23: {  	s9 =	sor.u32 $0xD0000000, s2;
	s6 =	simm.s32 $0x108;
	_ =	swait.ge @!p0 [sflag:s8], $0x0  }
0x24: {  	s3 =	sadd.s32 $0x88, s3;
	s6 =	simm.s32 @!p1 $0x1082;
	[sflag:s4] =	ssyncset.s32 $0xFFFFF086  }
0x25: {  	[simem:s6], [sflag:s4] =	dma.local [hbm:s3], $0xF7A  }
0x26: {  	[smem:$0x3F93] =	sst s1;
	(tag) =	ssettag s2;
	_ =	strace s9  }
0x27: {  	s1 =	sld [smem:$0x3FA3]  }
0x28: {  	s2 =	sld [smem:$0x3FA4]  }
0x29: {  	s4 =	sld [smem:$0x3FA6]  }
0x2a: {  	p0 =	seq.s32 s5, $0x0;
	s5 =	sld [smem:$0x3FA7]  }
0x2b: {  	s6 =	sld [smem:$0x3FA8]  }
0x2c: {  	s7 =	sld [smem:$0x3FA9]  }
0x2d: {  	s3 =	simm.s32 $0x108;
	s8 =	sld [smem:$0x3FAA]  }
0x2e: {  	s3 =	simm.s32 @!p0 $0x1082;
	s9 =	sld [smem:$0x3FAB]  }
0x2f: {  	lr =	sadd.s32 s0, s3;
	s0 =	sld [smem:$0x3FA2]  }
0x30: {  	s3 =	sld [smem:$0x3FA5]  }
0x31: {  	[smem:$0x3FAE] =	sst s10  }
0x32: {  	s10 =	sld [smem:$0x3FAC];
	_ =	sdelay $0x3  }
0x33: {  	p0 =	seq.s32 s10, $0x1;
	s10 =	sld [smem:$0x3FAE];
	_ =	sdelay $0x3  }
0x34: {  	[smem:$0x3FAE] =	sst s10  }
0x35: {  	s10 =	sld [smem:$0x3FAD];
	_ =	sdelay $0x3  }
0x36: {  	p1 =	seq.s32 s10, $0x1;
	s10 =	sld [smem:$0x3FAE];
	_ =	sdelay $0x3  }
0x37: {  	[smem:$0x3FAE] =	sst s10  }
0x38: {  	s10 =	sld [smem:$0x3FAF]  }
0x39: {  	_ = 	snop;
	(pc) =	sbr.ind lr, $3  }
0x3a: {  	_ = 	snop  }
0x3b: {  	_ = 	snop  }
0x3c: {  	p2 =	seq.s32 s10, $0x1;
	s10 =	sld [smem:$0x3FAE]  }
0x3d: {  	_ =	shalt  }
0x3e: {  	_ =	shalt  }
0x3f: {  	_ =	shalt  }
0x40: {  	_ =	shalt  }
0x41: {  	_ =	shalt  }
0x42: {  	_ =	shalt  }
0x43: {  	_ =	shalt  }
0x44: {  	_ =	shalt  }
0x45: {  	_ =	shalt  }
0x46: {  	_ =	shalt  }
0x47: {  	_ =	shalt  }
0x48: {  	_ =	shalt  }
0x49: {  	_ =	shalt  }
0x4a: {  	_ =	shalt  }
0x4b: {  	_ =	shalt  }
0x4c: {  	_ =	shalt  }
0x4d: {  	_ =	shalt  }
0x4e: {  	_ =	shalt  }
0x4f: {  	_ =	shalt  }
0x50: {  	_ =	shalt  }
0x51: {  	_ =	shalt  }
0x52: {  	_ =	shalt  }
0x53: {  	_ =	shalt  }
0x54: {  	_ =	shalt  }
0x55: {  	_ =	shalt  }
0x56: {  	_ =	shalt  }
0x57: {  	_ =	shalt  }
0x58: {  	_ =	shalt  }
0x59: {  	_ =	shalt  }
0x5a: {  	_ =	shalt  }
0x5b: {  	_ =	shalt  }
0x5c: {  	_ =	shalt  }
0x5d: {  	_ =	shalt  }
0x5e: {  	_ =	shalt  }
0x5f: {  	_ =	shalt  }
0x60: {  	_ =	shalt  }
0x61: {  	_ =	shalt  }
0x62: {  	_ =	shalt  }
0x63: {  	_ =	shalt  }
0x64: {  	_ =	shalt  }
0x65: {  	_ =	shalt  }
0x66: {  	_ =	shalt  }
0x67: {  	_ =	shalt  }
0x68: {  	_ =	shalt  }
0x69: {  	_ =	shalt  }
0x6a: {  	_ =	shalt  }
0x6b: {  	_ =	shalt  }
0x6c: {  	_ =	shalt  }
0x6d: {  	_ =	shalt  }
0x6e: {  	_ =	shalt  }
0x6f: {  	_ =	shalt  }
0x70: {  	_ =	shalt  }
0x71: {  	_ =	shalt  }
0x72: {  	_ =	shalt  }
0x73: {  	_ =	shalt  }
0x74: {  	_ =	shalt  }
0x75: {  	_ =	shalt  }
0x76: {  	_ =	shalt  }
0x77: {  	_ =	shalt  }
0x78: {  	_ =	shalt  }
0x79: {  	_ =	shalt  }
0x7a: {  	_ =	shalt  }
0x7b: {  	_ =	shalt  }
0x7c: {  	_ =	shalt  }
0x7d: {  	_ =	shalt  }
0x7e: {  	_ =	shalt  }
0x7f: {  	_ =	shalt  }
0x80: {  	_ =	shalt  }
0x81: {  	_ =	shalt  }
0x82: {  	_ =	shalt  }
0x83: {  	_ =	shalt  }
0x84: {  	_ =	shalt  }
0x85: {  	_ =	shalt  }
0x86: {  	_ =	shalt  }
0x87: {  	_ =	shalt  }
.Lfunc_end0:
.L_simem_size_0:
called_computation.2_lowered:
.L_overlay_start_0:
0x88: {  	s2 =	sld [smem:$0x3FD9]  }
0x89: {  	s3 =	sld [smem:$0x3FFE];
	_ =	sdelay $0x1  }
0x8a: {  	s1 =	srdreg.scid  }
0x8b: {  	s0 =	sand.u32 $0x1, s1  }
0x8c: {  	s14 =	sshll.u32 s0, $0xA;
	s2 =	sadd.s32 s3, s2  }
0x8d: {  	s2 =	sadd.s32 s2, s14  }
0x8e: {  	[smem:$0x3FBA] =	sst s2  }
0x8f: {  	_ = 	snop  }
0x90: {  	s2 =	sld [smem:$0x3FD0];
	_ =	sdelay $0x2  }
0x91: {  	s15 =	simm.s32 $0xA;
	s4 =	simm.s32 $0x10  }
0x92: {  	[smem:s4], [sflag:s15] =	dma.local [hbm:s2], $0x1  }
0x93: {  	_ =	swait.eq [sflag:s15], $0x1  }
0x94: {  	[sflag:s15] =	ssyncset.done $0x0  }
0x95: {  	s16 =	sld [smem:$0x10];
	[sflag:s15] =	ssyncadd.s32 $0xFFFFFFFF  }
0x96: {  	s17 =	sld [smem:$0x11];
	(tm) =	ssettm $0x1  }
0x97: {  	s18 =	sld [smem:$0x3FFB];
	_ =	sdelay $0x3  }
0x98: {  	_ =	strace s18  }
0x99: {  	s4 =	sld [smem:$0x3FFC];
	_ =	sdelay $0x3  }
0x9a: {  	_ =	strace s4  }
0x9b: {  	s4 =	sld [smem:$0x3FFD];
	_ =	sdelay $0x3  }
0x9c: {  	_ =	strace s4  }
0x9d: {  	_ =	strace $0x8FFFFFFF  }
0x9e: {  	s19 =	sld [smem:$0x3FDB];
	_ =	sdelay $0x1  }
0x9f: {  	s5 =	simm.s32 $_scs_section_size  }
0xa0: {  	s6 =	simm.s32 $_size__tile_overlayer_lowered;
	s7 =	simm.s32 $_tile_overlayer_lowered  }
0xa1: {  	s22 =	simm.s32 $0x1BFF;
	s21 =	sshll.u32 s7, $0x1;
	s4 =	sadd.s32 s5, s19  }
0xa2: {  	s8 =	simm.s32 $0x0;
	s20 =	sshll.u32 s6, $0x1;
	s6 =	sadd.s32 s21, s4  }
0xa3: {  	[timem:s8], [sflag:s22] =	dma.local [hbm:s6], s20  }
0xa4: {  	_ =	swait.ge [sflag:s22], s20  }
0xa5: {  	s5 =	ssub.s32 $0x0, s20;
	[sflag:s22] =	ssyncset.done $0x0  }
0xa6: {  	[sflag:s22] =	ssyncadd.s32 s5;
	_ =	sdelay $0x1  }
0xa7: {  	s23 =	simm.s32 $0x1B8B  }
0xa8: {  	_ =	swait.ge [sflag:s23], $0x1  }
0xa9: {  	[sflag:s23] =	ssyncset.done $0x0  }
0xaa: {  	s25 =	simm.s32 $0x1B8E;
	s24 =	sld [smem:$0x3FFE];
	[sflag:s23] =	ssyncadd.s32 $0xFFFFFFFF  }
0xab: {  	s26 =	simm.s32 $execute0_lowered;
	[smem:$0x3FD2] =	sst s25  }
0xac: {  	s6 =	sshll.u32 s26, $0x1;
	_ =	strace $0x8000004C;
	[dreg:$0x1] =	wrdreg $0xFFFFFFFF  }
0xad: {  	s28 =	simm.s32 $_size_execute0_lowered;
	s4 =	sadd.s32 s4, s6;
	[dreg:$0x0] =	wrdreg $0x0  }
0xae: {  	s6 =	sshll.u32 s28, $0x1;
	[dreg:$0x2] =	wrdreg s4  }
0xaf: {  	[dreg:$0x3] =	wrdreg s6  }
0xb0: {  	[dreg:$0x4] =	wrdreg $0xC0  }
0xb1: {  	_ =	task [dreg:s8], $0x5FFFF  }
0xb2: {  	[dreg:$0x1] =	wrdreg $0xFFFFFFFF  }
0xb3: {  	[dreg:$0x0] =	wrdreg $0x60  }
0xb4: {  	[dreg:$0x2] =	wrdreg s24  }
0xb5: {  	[dreg:$0x3] =	wrdreg s16  }
0xb6: {  	[dreg:$0x4] =	wrdreg s17  }
0xb7: {  	[dreg:$0x5] =	wrdreg $0xB7800  }
0xb8: {  	[dreg:$0x6] =	wrdreg $0x9  }
0xb9: {  	_ =	task.clear_ibuf [dreg:s8], $0x7FFFF;
	_ =	strace $0x9000004C  }
0xba: {  	s29 =	simm.s32 $0x9;
	_ =	strace $0x8000004E  }
0xbb: {  	_ =	swait.ge [sflag:s29], $0x1  }
0xbc: {  	[sflag:s29] =	ssyncadd.s32 $0xFFFFFFFF  }
0xbd: {  	_ =	strace $0x9000004E  }
0xbe: {  	_ =	sfence  }
0xbf: {  	s30 =	sld [smem:$0x0];
	_ =	sdelay $0x2  }
0xc0: {  	s31 =	sshll.u32 s1, $0xD;
	s1 =	sshrl.u32 s1, $0x2  }
0xc1: {  	s3 =	sand.u32 $0x4000, s31;
	s1 =	sadd.s32 s1, s30  }
0xc2: {  	s0 =	sor.u32 s3, s0;
	s1 =	sshll.u32 s1, $0x11  }
0xc3: {  	s0 =	sor.u32 s1, s0  }
0xc4: {  	s0 =	sadd.s32 $0x8F2B, s0  }
0xc5: {  	[sflag:s0] =	ssyncadd.remote.s32 $0x1  }
0xc6: {  	_ =	sfence.sel $0xFFFF  }
0xc7: {  	[dreg:$0x0] =	wrdreg $0xFFFFFFFF;
	(pc) =	sbr.abs _section_cstart, $3  }
0xc8: {  	[dreg:$0x1] =	wrdreg $0xFFFFFFFF  }
0xc9: {  	_ =	task.clear_ibuf [dreg:s8], $0x2FFFF;
	_ =	strace $0x9FFFFFFF  }
0xca: {  	(tm) =	ssettm $0x7FFFFFFF  }
0xcb: {  	_ =	shalt  }
tec
execute0_lowered:
.L_overlay_start_1:
0x0: {  	(tag) =	ssettag $0x1  }
0x1: {  	s5 =	rddreg [dreg:$0x0]  }
0x2: {  	s6 =	rddreg [dreg:$0x1]  }
0x3: {  	s7 =	rddreg [dreg:$0x2];
	s0 =	stileid.u32  }
0x4: {  	s1 =	srdreg.scid;
	s2 =	rddreg [dreg:$0x3]  }
0x5: {  	s3 =	simm.s32 $0x0;
	s16 =	simm.s32 $0x50;
	s17 =	simm.s32 $0x6780  }
0x6: {  	s18 =	simm.s32 $0x8F80;
	s19 =	simm.s32 $0x1;
	s20 =	simm.s32 $0x2  }
0x7: {  	s21 =	simm.s32 $0x6580;
	s22 =	simm.s32 $0x0;
	s8 =	smul.u32 $0x3E80, s0  }
0x8: {  	s9 =	sand.u32 $0x1, s1;
	s1 =	rddreg [dreg:$0x4];
	s11 =	smul.u32 $0x1F400, s0  }
0x9: {  	[smem:$0x7FF] =	sst s3;
	s4 =	sadd.s32 $0x4000, s5;
	s15 =	smul.u32 $0x7D000, s0  }
0xa: {  	s29 =	sshll.u32 s0, $0x1;
	s12 =	sshrl.u32 s0, $0x2;
	s10 =	smul.u32 $0x138800, s9  }
0xb: {  	p0 =	sgt.u32 s0, $0x9;
	_ =	strace $0x8000004D;
	s12 =	smul.u32 $0x13C00, s12  }
0xc: {  	s8 =	sadd.s32 s8, s5;
	s31 =	sshrl.u32 s15, $0x2;
	s10 =	sadd.s32 s11, s10  }
0xd: {  	s11 =	sor.u32 s9, s29;
	s9 =	ssub.s32 $0x2, s9;
	s15 =	sadd.s32 s31, s2  }
0xe: {  	s10 =	sshrl.u32 s10, $0x3;
	s13 =	sshll.u32 s11, $0x7;
	s14 =	sshrl.u32 s9, $0x1  }
0xf: {  	s11 =	sshll.u32 s11, $0xB;
	s15 =	sshrl.u32 @!p0 s15, $0x3;
	s13 =	sand.u32 $0x380, s13  }
0x10: {  	s10 =	sadd.s32 s10, s5;
	s9 =	ssub.s32 s9, s14;
	s14 =	sshll.u32 @!p0 s0, $0x6  }
0x11: {  	s30 =	sor.u32 s12, s13;
	s9 =	smax.u32 s9, $0x1;
	s12 =	simm.s32 $0x3  }
0x12: {  	s13 =	simm.s32 $0x2780;
	s14 =	sor.u32 @!p0 $0x1C03, s14;
	s5 =	sshrl.u32 s30, $0x3  }
0x13: {  	s5 =	sadd.s32 s6, s5;
	s6 =	sadd.s32 s7, s11;
	s7 =	sadd.s32 $0x2B200, s8  }
0x14: {  	s8 =	sadd.s32 $0x52400, s10;
	s10 =	simm.s32 $0x80;
	s11 =	simm.s32 $0x400  }
.LBB2_1:
0x15: {  	[tilespmem:s3], [sflag:$0x3] =	stream.strided.gather [hbm4b:s5+s10], $0x2780, s11, s10, $0x38;
	[tilespmem:$0x1F000] =	vst v63  }
0x16: {  	_ =	swait.ge [sflag:s12], $0x2780  }
0x17: {  	[sflag:s12] =	ssyncset.done $0x0  }
0x18: {  	[sflag:s12] =	ssyncadd.s32 $0xFFFFD880  }
0x19: {  	[tilespmem:s13], [sflag:$0x3] =	stream.linear.gather [hbm4b:s6+s3], $0x3E80, $0x38;
	[tilespmem:$0x1F000] =	vst v63  }
0x1a: {  	_ =	swait.ge [sflag:s12], $0x3E80  }
0x1b: {  	[sflag:s12] =	ssyncset.done $0x0  }
0x1c: {  	s23 =	simm.s32 @!p0 $0x3;
	[sflag:s12] =	ssyncadd.s32 $0xFFFFC180  }
0x1d: {  	[spmem:s15], [sflag:s14] =	dma.local @!p0 [hbm:s7], $0x3E80  }
0x1e: {  	_ =	swait.ge @!p0 [sflag:s23], $0x3E80  }
0x1f: {  	[sflag:s23] =	ssyncset.done @!p0 $0x0  }
0x20: {  	[sflag:s23] =	ssyncadd.s32 @!p0 $0xFFFFC180  }
0x21: {  	[bflag:$0x0] =	sbarrier.arrive $0xFFFF  }
0x22: {  	[tilespmem:s17], [sflag:$0x1] =	stream.indirect.gather [hbm4b:s4+s16], $0x80, s3, s16, $0xb8;
	[tilespmem:$0x1F000] =	vst v63  }
0x23: {  	s28 =	simm.s32 $0x50  }
0x24: {  	[tilespmem:s18], [sflag:$0x2] =	stream.indirect.gather [hbm4b:s4+s16], $0x80, s28, s16, $0xb8;
	[tilespmem:$0x1F000] =	vst v63  }
0x25: {  	_ =	swait.ge [sflag:s19], $0x2800  }
0x26: {  	[sflag:s19] =	ssyncset.done $0x0  }
0x27: {  	s29 =	simm.s32 $0x2780;
	[sflag:s19] =	ssyncadd.s32 $0xFFFFD800  }
0x28: {  	[spmem:s2] =	stream.indirect.scatter.add.f32 [tilespmem:s17], [sflag:$0x3], $0x80, s29, s16, $0xb8;
	[tilespmem:$0x1F000] =	vst v63  }
0x29: {  	_ =	swait.ge [sflag:s12], $0x2800  }
0x2a: {  	[sflag:s12] =	ssyncset.done $0x0  }
0x2b: {  	s30 =	simm.s32 $0xA0;
	[sflag:s12] =	ssyncadd.s32 $0xFFFFD800  }
0x2c: {  	[tilespmem:s17], [sflag:$0x1] =	stream.indirect.gather [hbm4b:s4+s16], $0x80, s30, s16, $0xb8;
	[tilespmem:$0x1F000] =	vst v63  }
0x2d: {  	_ =	swait.ge [sflag:s20], $0x2800  }
0x2e: {  	[sflag:s20] =	ssyncset.done $0x0  }
0x2f: {  	s31 =	simm.s32 $0x2800;
	[sflag:s20] =	ssyncadd.s32 $0xFFFFD800  }
0x30: {  	[spmem:s2] =	stream.indirect.scatter.add.f32 [tilespmem:s18], [sflag:$0x3], $0x80, s31, s16, $0xb8;
	[tilespmem:$0x1F000] =	vst v63  }
0x31: {  	s24 =	simm.s32 $0x400;
	_ =	swait.ge [sflag:s12], $0x2800  }
0x32: {  	s25 =	simm.s32 $0x800;
	s23 =	simm.s32 $0x140;
	[sflag:s12] =	ssyncset.done $0x0  }
.LBB2_2:
0x33: {  	p1 =	sne.s32 s25, $0xF400;
	s26 =	sadd.s32 $0xFFFFFFB0, s23;
	[sflag:s12] =	ssyncadd.s32 $0xFFFFD800  }
0x34: {  	[tilespmem:s18], [sflag:$0x2] =	stream.indirect.gather [hbm4b:s4+s16], $0x80, s26, s16, $0xb8;
	[tilespmem:$0x1F000] =	vst v63  }
0x35: {  	s26 =	smov.u32 s25;
	s25 =	sadd.s32 $0x400, s25;
	_ =	swait.ge [sflag:s19], $0x2800  }
0x36: {  	s28 =	sshra.s32 s24, $0x2;
	s24 =	smov.u32 s26;
	[sflag:s19] =	ssyncset.done $0x0  }
0x37: {  	s26 =	sadd.s32 $0x2780, s28;
	[sflag:s19] =	ssyncadd.s32 $0xFFFFD800  }
0x38: {  	[spmem:s2] =	stream.indirect.scatter.add.f32 [tilespmem:s17], [sflag:$0x3], $0x80, s26, s16, $0xb8;
	[tilespmem:$0x1F000] =	vst v63  }
0x39: {  	_ =	swait.ge [sflag:s12], $0x2800  }
0x3a: {  	[sflag:s12] =	ssyncset.done $0x0  }
0x3b: {  	[sflag:s12] =	ssyncadd.s32 $0xFFFFD800  }
0x3c: {  	[tilespmem:s17], [sflag:$0x1] =	stream.indirect.gather [hbm4b:s4+s16], $0x80, s23, s16, $0xb8;
	[tilespmem:$0x1F000] =	vst v63  }
0x3d: {  	_ =	swait.ge [sflag:s20], $0x2800  }
.Ltmp0:
0x3e: {  	[sflag:s20] =	ssyncset.done $0x0;
	(pc) =	sbr.rel @p1 .LBB2_2-.Ltmp0, $4  }
0x3f: {  	s26 =	sadd.s32 $0x2800, s28;
	[sflag:s20] =	ssyncadd.s32 $0xFFFFD800  }
0x40: {  	[spmem:s2] =	stream.indirect.scatter.add.f32 [tilespmem:s18], [sflag:$0x3], $0x80, s26, s16, $0xb8;
	[tilespmem:$0x1F000] =	vst v63  }
0x41: {  	_ =	swait.ge [sflag:s12], $0x2800  }
0x42: {  	s23 =	sadd.s32 $0xA0, s23;
	[sflag:s12] =	ssyncset.done $0x0  }
0x43: {  	s25 =	sadd.s32 $0xFFFFFFB0, s23;
	[sflag:s12] =	ssyncadd.s32 $0xFFFFD800  }
0x44: {  	[tilespmem:s18], [sflag:$0x2] =	stream.indirect.gather [hbm4b:s4+s16], $0x80, s25, s16, $0xb8;
	[tilespmem:$0x1F000] =	vst v63  }
0x45: {  	_ =	swait.ge [sflag:s19], $0x2800  }
0x46: {  	s24 =	sshra.s32 s24, $0x2;
	[sflag:s19] =	ssyncset.done $0x0  }
0x47: {  	s30 =	sadd.s32 $0x2780, s24;
	[sflag:s19] =	ssyncadd.s32 $0xFFFFD800  }
0x48: {  	[spmem:s2] =	stream.indirect.scatter.add.f32 [tilespmem:s17], [sflag:$0x3], $0x80, s30, s16, $0xb8;
	[tilespmem:$0x1F000] =	vst v63  }
0x49: {  	_ =	swait.ge [sflag:s12], $0x2800  }
0x4a: {  	[sflag:s12] =	ssyncset.done $0x0  }
0x4b: {  	[sflag:s12] =	ssyncadd.s32 $0xFFFFD800  }
0x4c: {  	[tilespmem:s17], [sflag:$0x1] =	stream.indirect.gather [hbm4b:s4+s16], $0x80, s23, s16, $0xb8;
	[tilespmem:$0x1F000] =	vst v63  }
0x4d: {  	_ =	swait.ge [sflag:s20], $0x2800  }
0x4e: {  	[sflag:s20] =	ssyncset.done $0x0  }
0x4f: {  	s31 =	sadd.s32 $0x2800, s24;
	[sflag:s20] =	ssyncadd.s32 $0xFFFFD800  }
0x50: {  	[spmem:s2] =	stream.indirect.scatter.add.f32 [tilespmem:s18], [sflag:$0x3], $0x80, s31, s16, $0xb8;
	[tilespmem:$0x1F000] =	vst v63  }
0x51: {  	_ =	swait.ge [sflag:s12], $0x2800  }
0x52: {  	[sflag:s12] =	ssyncset.done $0x0  }
0x53: {  	[sflag:s12] =	ssyncadd.s32 $0xFFFFD800  }
0x54: {  	_ =	swait.ge [sflag:s19], $0x2800  }
0x55: {  	[sflag:s19] =	ssyncset.done $0x0  }
0x56: {  	[sflag:s19] =	ssyncadd.s32 $0xFFFFD800  }
0x57: {  	[spmem:s2] =	stream.indirect.scatter.add.f32 [tilespmem:s17], [sflag:$0x3], $0x80, s21, s16, $0xb8;
	[tilespmem:$0x1F000] =	vst v63  }
0x58: {  	_ =	swait.ge [sflag:s12], $0x2800  }
0x59: {  	s22 =	sadd.s32 $0x1, s22;
	[sflag:s12] =	ssyncset.done $0x0  }
0x5a: {  	p1 =	sne.s32 s22, s9;
	[sflag:s12] =	ssyncadd.s32 $0xFFFFD800  }
.Ltmp1:
0x5b: {  	s23 =	simm.s32 @!p0 $0x3;
	[bflag:$0x0] =	sbarrier.arrive $0xFFFF;
	(pc) =	sbr.rel @p1 .LBB2_1-.Ltmp1, $4  }
0x5c: {  	[hbm:s8], [sflag:s14] =	dma.local @!p0 [spmem:s15], $0x3E80  }
0x5d: {  	_ =	swait.ge @!p0 [sflag:s23], $0x3E80  }
0x5e: {  	[sflag:s23] =	ssyncset.done @!p0 $0x0  }
0x5f: {  	[sflag:s23] =	ssyncadd.s32 @!p0 $0xFFFFC180  }
0x60: {  	_ =	sfence.sel $0x180000  }
0x61: {  	[bflag:$0x0] =	sbarrier.arrive $0xFFFF  }
0x62: {  	p0 =	sne.s32 s0, $0x0;
	_ =	strace $0x9000004D  }
0x63: {  	s0 =	sadd.s32 @!p0 $0x100000, s1;
	[bflag:$0x2] =	sbarrier.arrive $0xFFFF  }
0x64: {  	[sflag:s0] =	ssyncadd.tile.s32 @!p0 $0x1;
	_ =	shalt  }
.Lfunc_end2:
_tile_overlayer_lowered:
.L_overlay_start_2:
0x65: {  	(tag) =	ssettag $0x2  }
0x66: {  	s0 =	rddreg [dreg:$0x0];
	s2 =	stileid.u32  }
0x67: {  	s1 =	rddreg [dreg:$0x1];
	p0 =	sne.s32 s2, $0x0  }
0x68: {  	s3 =	rddreg [dreg:$0x2];
	[bflag:$0x3] =	sbarrier.arrive $0xFFFF;
	s2 =	simm.s32 @!p0 $0x1C03  }
0x69: {  	[timem:s3], [sflag:s2] =	dma.local @!p0 [hbm:s0], s1  }
0x6a: {  	s0 =	simm.s32 @!p0 $0x3  }
0x6b: {  	_ =	swait.ge @!p0 [sflag:s0], s1  }
0x6c: {  	s1 =	ssub.s32 @!p0 $0x0, s1;
	[sflag:s0] =	ssyncset.done @!p0 $0x0  }
0x6d: {  	[sflag:s0] =	ssyncadd.s32 @!p0 s1  }
0x6e: {  	[bflag:$0x3] =	sbarrier.arrive $0xFFFF  }
0x6f: {  	_ =	shalt  }

</sc_bundles>
